<compile_context>
chip_gen: v7x
topology: tpu7x:2x2x1
jax: 0.10.2.dev20260603
libtpu: 0.0.44.dev20260713+nightly
codegen_flags: <defaults>
</compile_context>

<pallas_src>
import functools

import jax
import jax.numpy as jnp
from jax import lax
from jax.experimental import pallas as pl
from jax.experimental.pallas import tpu as pltpu, tpu_sc as plsc

_VOCAB = 1000000
_D = 32
_B = 4096
_T = 200

_NC = 2
_NS = 16
_NW = _NC * _NS
_RW = _B // _NW
_G = 100
_GPR = _T // _G
_RB = 8
_NG = _RB * _GPR
_NCHUNK = _RW // _RB
_NGROUPS = _B * _GPR


def _body(table_hbm, idx_hbm, emb_hbm, avg_hbm, idx_v, rows_v, avg_v, sem):
    wid = lax.axis_index("s") * _NC + lax.axis_index("c")
    base_g = wid * (_RW * _GPR)

    def chunk_body(c, carry):
        g0 = base_g + c * _NG
        pltpu.sync_copy(idx_hbm.at[pl.ds(g0, _NG)], idx_v)
        descs = [
            pltpu.async_copy(table_hbm.at[idx_v.at[j]], rows_v.at[j], sem)
            for j in range(_NG)
        ]
        for d in descs:
            d.wait()
        for r in range(_RB):
            def kbody(k, accs):
                a0, a1 = accs
                for u in range(4):
                    kk = k * 4 + u
                    a0 = (a0 + rows_v[2 * r, kk, pl.ds(0, 16)]
                          + rows_v[2 * r + 1, kk, pl.ds(0, 16)])
                    a1 = (a1 + rows_v[2 * r, kk, pl.ds(16, 16)]
                          + rows_v[2 * r + 1, kk, pl.ds(16, 16)])
                return (a0, a1)
            zero = jnp.zeros((16,), jnp.float32)
            a0, a1 = lax.fori_loop(0, _G // 4, kbody, (zero, zero))
            row = c * _RB + r
            avg_v[row, pl.ds(0, 16)] = a0 * (1.0 / _T)
            avg_v[row, pl.ds(16, 16)] = a1 * (1.0 / _T)
        pltpu.sync_copy(rows_v, emb_hbm.at[pl.ds(g0, _NG)])
        return carry

    lax.fori_loop(0, _NCHUNK, chunk_body, 0)
    pltpu.sync_copy(avg_v, avg_hbm.at[pl.ds(wid * _RW, _RW)])


_sc_call = functools.partial(
    pl.kernel,
    out_type=(
        jax.ShapeDtypeStruct((_NGROUPS, _G, _D), jnp.float32),
        jax.ShapeDtypeStruct((_B, _D), jnp.float32),
    ),
    mesh=plsc.VectorSubcoreMesh(
        core_axis_name="c", subcore_axis_name="s",
        num_cores=_NC, num_subcores=_NS),
    scratch_types=[
        pltpu.VMEM((_NG, _G), jnp.int32),
        pltpu.VMEM((_NG, _G, _D), jnp.float32),
        pltpu.VMEM((_RW, _D), jnp.float32),
        pltpu.SemaphoreType.DMA,
    ],
    compiler_params=pltpu.CompilerParams(use_tc_tiling_on_sc=False),
)(_body)


@jax.jit
def kernel(input_batch, input_lengths, embedding_table):
    idx2 = input_batch.reshape(_NGROUPS, _G)
    emb, avg = _sc_call(embedding_table, idx2)
    return (avg, emb.reshape(_B, _T, _D), input_lengths)

# --- scband reference (transcript-rebuilt; emitter-appended) ---
"""Pipeline reference for scband-bow-39350490366453 (READ-ONLY COPY).

The authoritative reference and input builder live on the scoring server;
editing this copy changes nothing except your own understanding.
"""

import jax, jax.numpy as jnp
import numpy as np

VOCAB = 1000000
EMBED_DIM = 32
BATCH = 4096
MAX_LEN = 200
PADDING_IDX = 0

def setup_inputs(seed: int = 0) -> dict:
    key = jax.random.key(seed)
    k1, k2, k3 = jax.random.split(key, 3)
    input_batch = jax.random.randint(k1, (BATCH, MAX_LEN), 0, VOCAB, dtype=jnp.int32)
    input_lengths = jax.random.randint(k2, (BATCH,), 1, MAX_LEN, dtype=jnp.int32)
    embedding_table = jax.random.normal(k3, (VOCAB, EMBED_DIM), dtype=jnp.float32) * 0.02
    embedding_table = embedding_table.at[PADDING_IDX].set(0.0)
    return {"input_batch": input_batch, "input_lengths": input_lengths, "embedding_table": embedding_table}

def reference(input_batch, input_lengths, embedding_table):
    # nn.Embedding lookup (gather)
    input_embeddings = jnp.take(embedding_table, input_batch, axis=0)
    # dropout with p=0.0 is identity
    average_embedding = jnp.mean(input_embeddings, axis=1)
    return (average_embedding, input_embeddings, input_lengths)

if __name__ == "__main__":
    import jax
    _d = setup_inputs()
    print(jax.jit(kernel)(*tuple(_d.values())))

</pallas_src>

<mosaic_0001>
#map = affine_map<(d0, d1) -> (0, 0)>
#map1 = affine_map<(d0, d1) -> (0, 0, 0)>
module attributes {stable_mosaic.version = 14 : i64} {
  func.func @_body(%arg0: i32, %arg1: i32, %arg2: memref<1000000x32xf32, #tpu.memory_space<hbm>>, %arg3: memref<8192x100xi32, #tpu.memory_space<hbm>>, %arg4: memref<8192x100x32xf32, #tpu.memory_space<hbm>>, %arg5: memref<4096x32xf32, #tpu.memory_space<hbm>>, %arg6: memref<16x100xi32, #tpu.memory_space<vmem>>, %arg7: memref<16x100x32xf32, #tpu.memory_space<vmem>>, %arg8: memref<128x32xf32, #tpu.memory_space<vmem>>, %arg9: memref<!tpu.dma_semaphore, #tpu.memory_space<semaphore_mem>>) attributes {dimension_semantics = [#tpu.dimension_semantics<core_parallel>, #tpu.dimension_semantics<subcore_parallel>], iteration_bounds = array<i64: 2, 16>, scalar_prefetch = 0 : i64, scratch_operands = 4 : i64, tpu.core_type = #tpu.core_type<sc_vector_subcore>, window_params = [{transform_indices = #map}, {transform_indices = #map}, {transform_indices = #map1}, {transform_indices = #map}]} {
    %mul3A = arith.constant 2 : i32
    %mul3A_0 = arith.muli %arg1, %mul3A : i32
    %add3A = arith.addi %mul3A_0, %arg0 : i32
    %mul3A_1 = arith.constant 256 : i32
    %mul3A_2 = arith.muli %add3A, %mul3A_1 : i32
    %scan3A = arith.constant 0 : i32
    %scan3A_3 = arith.constant 0 : i32
    %scan3A_4 = arith.constant 16 : i32
    %scan3A_5 = arith.addi %scan3A_3, %scan3A_4 : i32
    %scan3A_6 = arith.constant 1 : i32
    scf.for %scan3A_10 = %scan3A_3 to %scan3A_5 step %scan3A_6  : i32 {
      %mul3A_11 = arith.constant 16 : i32
      %mul3A_12 = arith.muli %scan3A_10, %mul3A_11 : i32
      %add3A_13 = arith.addi %mul3A_2, %mul3A_12 : i32
      "tpu.region"() ({
        %run_scoped3A = tpu.sem_alloc : memref<!tpu.dma_semaphore, #tpu.memory_space<semaphore_mem>>
        %dma_start3A_618 = arith.constant 0 : i32
        %dma_start3A_619 = tpu.memref_slice %arg3[%add3A_13, %dma_start3A_618] : memref<8192x100xi32, #tpu.memory_space<hbm>> -> memref<16x100xi32, #tpu.memory_space<hbm>>
        %dma_start3A_620 = arith.constant 0 : i32
        %dma_start3A_621 = tpu.memref_slice %arg3[%add3A_13, %dma_start3A_620] : memref<8192x100xi32, #tpu.memory_space<hbm>> -> memref<16x100xi32, #tpu.memory_space<hbm>>
        tpu.enqueue_dma source(%dma_start3A_621 : memref<16x100xi32, #tpu.memory_space<hbm>>) target(%arg6 : memref<16x100xi32, #tpu.memory_space<vmem>>) target_semaphore(%run_scoped3A : memref<!tpu.dma_semaphore, #tpu.memory_space<semaphore_mem>>)
        %dma_wait3A_622 = arith.constant 0 : i32
        %dma_wait3A_623 = tpu.memref_slice %arg3[%add3A_13, %dma_wait3A_622] : memref<8192x100xi32, #tpu.memory_space<hbm>> -> memref<16x100xi32, #tpu.memory_space<hbm>>
        %dma_wait3A_624 = arith.constant 0 : i32
        %dma_wait3A_625 = tpu.memref_slice %arg3[%add3A_13, %dma_wait3A_624] : memref<8192x100xi32, #tpu.memory_space<hbm>> -> memref<16x100xi32, #tpu.memory_space<hbm>>
        tpu.wait_dma2 semaphore(%run_scoped3A : memref<!tpu.dma_semaphore, #tpu.memory_space<semaphore_mem>>) src(%dma_wait3A_625 : memref<16x100xi32, #tpu.memory_space<hbm>>) dst(%arg6 : memref<16x100xi32, #tpu.memory_space<vmem>>)
        tpu.yield
      }) : () -> ()
      %dma_start3A = arith.constant 0 : i32
      %dma_start3A_14 = arith.constant 0 : i32
      %dma_start3A_15 = arith.constant 0 : i32
      %dma_start3A_16 = arith.constant 0 : i32
      %dma_start3A_17 = tpu.memref_slice %arg7[%dma_start3A_14, %dma_start3A_15, %dma_start3A_16] : memref<16x100x32xf32, #tpu.memory_space<vmem>> -> memref<1x100x32xf32, #tpu.memory_space<vmem>>
      %dma_start3A_18 = tpu.memref_squeeze %dma_start3A_17 : memref<1x100x32xf32, #tpu.memory_space<vmem>> -> memref<100x32xf32, #tpu.memory_space<vmem>>
      %dma_start3A_19 = arith.constant 0 : i32
      %dma_start3A_20 = tpu.memref_slice %arg6[%dma_start3A, %dma_start3A_19] : memref<16x100xi32, #tpu.memory_space<vmem>> -> memref<1x100xi32, #tpu.memory_space<vmem>>
      %dma_start3A_21 = tpu.memref_squeeze %dma_start3A_20 : memref<1x100xi32, #tpu.memory_space<vmem>> -> memref<100xi32, #tpu.memory_space<vmem>>
      %dma_start3A_22 = arith.constant 0 : i32
      %dma_start3A_23 = arith.constant 0 : i32
      %dma_start3A_24 = tpu.memref_slice %arg2[%dma_start3A_22, %dma_start3A_23] : memref<1000000x32xf32, #tpu.memory_space<hbm>> -> memref<1000000x32xf32, #tpu.memory_space<hbm>>
      tpu.enqueue_indirect_dma source(%dma_start3A_24 : memref<1000000x32xf32, #tpu.memory_space<hbm>>) target(%dma_start3A_18 : memref<100x32xf32, #tpu.memory_space<vmem>>) offsets(%dma_start3A_21 : memref<100xi32, #tpu.memory_space<vmem>>) semaphore(%arg9 : memref<!tpu.dma_semaphore, #tpu.memory_space<semaphore_mem>>)
      %dma_start3A_25 = arith.constant 1 : i32
      %dma_start3A_26 = arith.constant 1 : i32
      %dma_start3A_27 = arith.constant 0 : i32
      %dma_start3A_28 = arith.constant 0 : i32
      %dma_start3A_29 = tpu.memref_slice %arg7[%dma_start3A_26, %dma_start3A_27, %dma_start3A_28] : memref<16x100x32xf32, #tpu.memory_space<vmem>> -> memref<1x100x32xf32, #tpu.memory_space<vmem>>
      %dma_start3A_30 = tpu.memref_squeeze %dma_start3A_29 : memref<1x100x32xf32, #tpu.memory_space<vmem>> -> memref<100x32xf32, #tpu.memory_space<vmem>>
      %dma_start3A_31 = arith.constant 0 : i32
      %dma_start3A_32 = tpu.memref_slice %arg6[%dma_start3A_25, %dma_start3A_31] : memref<16x100xi32, #tpu.memory_space<vmem>> -> memref<1x100xi32, #tpu.memory_space<vmem>>
      %dma_start3A_33 = tpu.memref_squeeze %dma_start3A_32 : memref<1x100xi32, #tpu.memory_space<vmem>> -> memref<100xi32, #tpu.memory_space<vmem>>
      %dma_start3A_34 = arith.constant 0 : i32
      %dma_start3A_35 = arith.constant 0 : i32
      %dma_start3A_36 = tpu.memref_slice %arg2[%dma_start3A_34, %dma_start3A_35] : memref<1000000x32xf32, #tpu.memory_space<hbm>> -> memref<1000000x32xf32, #tpu.memory_space<hbm>>
      tpu.enqueue_indirect_dma source(%dma_start3A_36 : memref<1000000x32xf32, #tpu.memory_space<hbm>>) target(%dma_start3A_30 : memref<100x32xf32, #tpu.memory_space<vmem>>) offsets(%dma_start3A_33 : memref<100xi32, #tpu.memory_space<vmem>>) semaphore(%arg9 : memref<!tpu.dma_semaphore, #tpu.memory_space<semaphore_mem>>)
      %dma_start3A_37 = arith.constant 2 : i32
      %dma_start3A_38 = arith.constant 2 : i32
      %dma_start3A_39 = arith.constant 0 : i32
      %dma_start3A_40 = arith.constant 0 : i32
      %dma_start3A_41 = tpu.memref_slice %arg7[%dma_start3A_38, %dma_start3A_39, %dma_start3A_40] : memref<16x100x32xf32, #tpu.memory_space<vmem>> -> memref<1x100x32xf32, #tpu.memory_space<vmem>>
      %dma_start3A_42 = tpu.memref_squeeze %dma_start3A_41 : memref<1x100x32xf32, #tpu.memory_space<vmem>> -> memref<100x32xf32, #tpu.memory_space<vmem>>
      %dma_start3A_43 = arith.constant 0 : i32
      %dma_start3A_44 = tpu.memref_slice %arg6[%dma_start3A_37, %dma_start3A_43] : memref<16x100xi32, #tpu.memory_space<vmem>> -> memref<1x100xi32, #tpu.memory_space<vmem>>
      %dma_start3A_45 = tpu.memref_squeeze %dma_start3A_44 : memref<1x100xi32, #tpu.memory_space<vmem>> -> memref<100xi32, #tpu.memory_space<vmem>>
      %dma_start3A_46 = arith.constant 0 : i32
      %dma_start3A_47 = arith.constant 0 : i32
      %dma_start3A_48 = tpu.memref_slice %arg2[%dma_start3A_46, %dma_start3A_47] : memref<1000000x32xf32, #tpu.memory_space<hbm>> -> memref<1000000x32xf32, #tpu.memory_space<hbm>>
      tpu.enqueue_indirect_dma source(%dma_start3A_48 : memref<1000000x32xf32, #tpu.memory_space<hbm>>) target(%dma_start3A_42 : memref<100x32xf32, #tpu.memory_space<vmem>>) offsets(%dma_start3A_45 : memref<100xi32, #tpu.memory_space<vmem>>) semaphore(%arg9 : memref<!tpu.dma_semaphore, #tpu.memory_space<semaphore_mem>>)
      %dma_start3A_49 = arith.constant 3 : i32
      %dma_start3A_50 = arith.constant 3 : i32
      %dma_start3A_51 = arith.constant 0 : i32
      %dma_start3A_52 = arith.constant 0 : i32
      %dma_start3A_53 = tpu.memref_slice %arg7[%dma_start3A_50, %dma_start3A_51, %dma_start3A_52] : memref<16x100x32xf32, #tpu.memory_space<vmem>> -> memref<1x100x32xf32, #tpu.memory_space<vmem>>
      %dma_start3A_54 = tpu.memref_squeeze %dma_start3A_53 : memref<1x100x32xf32, #tpu.memory_space<vmem>> -> memref<100x32xf32, #tpu.memory_space<vmem>>
      %dma_start3A_55 = arith.constant 0 : i32
      %dma_start3A_56 = tpu.memref_slice %arg6[%dma_start3A_49, %dma_start3A_55] : memref<16x100xi32, #tpu.memory_space<vmem>> -> memref<1x100xi32, #tpu.memory_space<vmem>>
      %dma_start3A_57 = tpu.memref_squeeze %dma_start3A_56 : memref<1x100xi32, #tpu.memory_space<vmem>> -> memref<100xi32, #tpu.memory_space<vmem>>
      %dma_start3A_58 = arith.constant 0 : i32
      %dma_start3A_59 = arith.constant 0 : i32
      %dma_start3A_60 = tpu.memref_slice %arg2[%dma_start3A_58, %dma_start3A_59] : memref<1000000x32xf32, #tpu.memory_space<hbm>> -> memref<1000000x32xf32, #tpu.memory_space<hbm>>
      tpu.enqueue_indirect_dma source(%dma_start3A_60 : memref<1000000x32xf32, #tpu.memory_space<hbm>>) target(%dma_start3A_54 : memref<100x32xf32, #tpu.memory_space<vmem>>) offsets(%dma_start3A_57 : memref<100xi32, #tpu.memory_space<vmem>>) semaphore(%arg9 : memref<!tpu.dma_semaphore, #tpu.memory_space<semaphore_mem>>)
      %dma_start3A_61 = arith.constant 4 : i32
      %dma_start3A_62 = arith.constant 4 : i32
      %dma_start3A_63 = arith.constant 0 : i32
      %dma_start3A_64 = arith.constant 0 : i32
      %dma_start3A_65 = tpu.memref_slice %arg7[%dma_start3A_62, %dma_start3A_63, %dma_start3A_64] : memref<16x100x32xf32, #tpu.memory_space<vmem>> -> memref<1x100x32xf32, #tpu.memory_space<vmem>>
      %dma_start3A_66 = tpu.memref_squeeze %dma_start3A_65 : memref<1x100x32xf32, #tpu.memory_space<vmem>> -> memref<100x32xf32, #tpu.memory_space<vmem>>
      %dma_start3A_67 = arith.constant 0 : i32
      %dma_start3A_68 = tpu.memref_slice %arg6[%dma_start3A_61, %dma_start3A_67] : memref<16x100xi32, #tpu.memory_space<vmem>> -> memref<1x100xi32, #tpu.memory_space<vmem>>
      %dma_start3A_69 = tpu.memref_squeeze %dma_start3A_68 : memref<1x100xi32, #tpu.memory_space<vmem>> -> memref<100xi32, #tpu.memory_space<vmem>>
      %dma_start3A_70 = arith.constant 0 : i32
      %dma_start3A_71 = arith.constant 0 : i32
      %dma_start3A_72 = tpu.memref_slice %arg2[%dma_start3A_70, %dma_start3A_71] : memref<1000000x32xf32, #tpu.memory_space<hbm>> -> memref<1000000x32xf32, #tpu.memory_space<hbm>>
      tpu.enqueue_indirect_dma source(%dma_start3A_72 : memref<1000000x32xf32, #tpu.memory_space<hbm>>) target(%dma_start3A_66 : memref<100x32xf32, #tpu.memory_space<vmem>>) offsets(%dma_start3A_69 : memref<100xi32, #tpu.memory_space<vmem>>) semaphore(%arg9 : memref<!tpu.dma_semaphore, #tpu.memory_space<semaphore_mem>>)
      %dma_start3A_73 = arith.constant 5 : i32
      %dma_start3A_74 = arith.constant 5 : i32
      %dma_start3A_75 = arith.constant 0 : i32
      %dma_start3A_76 = arith.constant 0 : i32
      %dma_start3A_77 = tpu.memref_slice %arg7[%dma_start3A_74, %dma_start3A_75, %dma_start3A_76] : memref<16x100x32xf32, #tpu.memory_space<vmem>> -> memref<1x100x32xf32, #tpu.memory_space<vmem>>
      %dma_start3A_78 = tpu.memref_squeeze %dma_start3A_77 : memref<1x100x32xf32, #tpu.memory_space<vmem>> -> memref<100x32xf32, #tpu.memory_space<vmem>>
      %dma_start3A_79 = arith.constant 0 : i32
      %dma_start3A_80 = tpu.memref_slice %arg6[%dma_start3A_73, %dma_start3A_79] : memref<16x100xi32, #tpu.memory_space<vmem>> -> memref<1x100xi32, #tpu.memory_space<vmem>>
      %dma_start3A_81 = tpu.memref_squeeze %dma_start3A_80 : memref<1x100xi32, #tpu.memory_space<vmem>> -> memref<100xi32, #tpu.memory_space<vmem>>
      %dma_start3A_82 = arith.constant 0 : i32
      %dma_start3A_83 = arith.constant 0 : i32
      %dma_start3A_84 = tpu.memref_slice %arg2[%dma_start3A_82, %dma_start3A_83] : memref<1000000x32xf32, #tpu.memory_space<hbm>> -> memref<1000000x32xf32, #tpu.memory_space<hbm>>
      tpu.enqueue_indirect_dma source(%dma_start3A_84 : memref<1000000x32xf32, #tpu.memory_space<hbm>>) target(%dma_start3A_78 : memref<100x32xf32, #tpu.memory_space<vmem>>) offsets(%dma_start3A_81 : memref<100xi32, #tpu.memory_space<vmem>>) semaphore(%arg9 : memref<!tpu.dma_semaphore, #tpu.memory_space<semaphore_mem>>)
      %dma_start3A_85 = arith.constant 6 : i32
      %dma_start3A_86 = arith.constant 6 : i32
      %dma_start3A_87 = arith.constant 0 : i32
      %dma_start3A_88 = arith.constant 0 : i32
      %dma_start3A_89 = tpu.memref_slice %arg7[%dma_start3A_86, %dma_start3A_87, %dma_start3A_88] : memref<16x100x32xf32, #tpu.memory_space<vmem>> -> memref<1x100x32xf32, #tpu.memory_space<vmem>>
      %dma_start3A_90 = tpu.memref_squeeze %dma_start3A_89 : memref<1x100x32xf32, #tpu.memory_space<vmem>> -> memref<100x32xf32, #tpu.memory_space<vmem>>
      %dma_start3A_91 = arith.constant 0 : i32
      %dma_start3A_92 = tpu.memref_slice %arg6[%dma_start3A_85, %dma_start3A_91] : memref<16x100xi32, #tpu.memory_space<vmem>> -> memref<1x100xi32, #tpu.memory_space<vmem>>
      %dma_start3A_93 = tpu.memref_squeeze %dma_start3A_92 : memref<1x100xi32, #tpu.memory_space<vmem>> -> memref<100xi32, #tpu.memory_space<vmem>>
      %dma_start3A_94 = arith.constant 0 : i32
      %dma_start3A_95 = arith.constant 0 : i32
      %dma_start3A_96 = tpu.memref_slice %arg2[%dma_start3A_94, %dma_start3A_95] : memref<1000000x32xf32, #tpu.memory_space<hbm>> -> memref<1000000x32xf32, #tpu.memory_space<hbm>>
      tpu.enqueue_indirect_dma source(%dma_start3A_96 : memref<1000000x32xf32, #tpu.memory_space<hbm>>) target(%dma_start3A_90 : memref<100x32xf32, #tpu.memory_space<vmem>>) offsets(%dma_start3A_93 : memref<100xi32, #tpu.memory_space<vmem>>) semaphore(%arg9 : memref<!tpu.dma_semaphore, #tpu.memory_space<semaphore_mem>>)
      %dma_start3A_97 = arith.constant 7 : i32
      %dma_start3A_98 = arith.constant 7 : i32
      %dma_start3A_99 = arith.constant 0 : i32
      %dma_start3A_100 = arith.constant 0 : i32
      %dma_start3A_101 = tpu.memref_slice %arg7[%dma_start3A_98, %dma_start3A_99, %dma_start3A_100] : memref<16x100x32xf32, #tpu.memory_space<vmem>> -> memref<1x100x32xf32, #tpu.memory_space<vmem>>
      %dma_start3A_102 = tpu.memref_squeeze %dma_start3A_101 : memref<1x100x32xf32, #tpu.memory_space<vmem>> -> memref<100x32xf32, #tpu.memory_space<vmem>>
      %dma_start3A_103 = arith.constant 0 : i32
      %dma_start3A_104 = tpu.memref_slice %arg6[%dma_start3A_97, %dma_start3A_103] : memref<16x100xi32, #tpu.memory_space<vmem>> -> memref<1x100xi32, #tpu.memory_space<vmem>>
      %dma_start3A_105 = tpu.memref_squeeze %dma_start3A_104 : memref<1x100xi32, #tpu.memory_space<vmem>> -> memref<100xi32, #tpu.memory_space<vmem>>
      %dma_start3A_106 = arith.constant 0 : i32
      %dma_start3A_107 = arith.constant 0 : i32
      %dma_start3A_108 = tpu.memref_slice %arg2[%dma_start3A_106, %dma_start3A_107] : memref<1000000x32xf32, #tpu.memory_space<hbm>> -> memref<1000000x32xf32, #tpu.memory_space<hbm>>
      tpu.enqueue_indirect_dma source(%dma_start3A_108 : memref<1000000x32xf32, #tpu.memory_space<hbm>>) target(%dma_start3A_102 : memref<100x32xf32, #tpu.memory_space<vmem>>) offsets(%dma_start3A_105 : memref<100xi32, #tpu.memory_space<vmem>>) semaphore(%arg9 : memref<!tpu.dma_semaphore, #tpu.memory_space<semaphore_mem>>)
      %dma_start3A_109 = arith.constant 8 : i32
      %dma_start3A_110 = arith.constant 8 : i32
      %dma_start3A_111 = arith.constant 0 : i32
      %dma_start3A_112 = arith.constant 0 : i32
      %dma_start3A_113 = tpu.memref_slice %arg7[%dma_start3A_110, %dma_start3A_111, %dma_start3A_112] : memref<16x100x32xf32, #tpu.memory_space<vmem>> -> memref<1x100x32xf32, #tpu.memory_space<vmem>>
      %dma_start3A_114 = tpu.memref_squeeze %dma_start3A_113 : memref<1x100x32xf32, #tpu.memory_space<vmem>> -> memref<100x32xf32, #tpu.memory_space<vmem>>
      %dma_start3A_115 = arith.constant 0 : i32
      %dma_start3A_116 = tpu.memref_slice %arg6[%dma_start3A_109, %dma_start3A_115] : memref<16x100xi32, #tpu.memory_space<vmem>> -> memref<1x100xi32, #tpu.memory_space<vmem>>
      %dma_start3A_117 = tpu.memref_squeeze %dma_start3A_116 : memref<1x100xi32, #tpu.memory_space<vmem>> -> memref<100xi32, #tpu.memory_space<vmem>>
      %dma_start3A_118 = arith.constant 0 : i32
      %dma_start3A_119 = arith.constant 0 : i32
      %dma_start3A_120 = tpu.memref_slice %arg2[%dma_start3A_118, %dma_start3A_119] : memref<1000000x32xf32, #tpu.memory_space<hbm>> -> memref<1000000x32xf32, #tpu.memory_space<hbm>>
      tpu.enqueue_indirect_dma source(%dma_start3A_120 : memref<1000000x32xf32, #tpu.memory_space<hbm>>) target(%dma_start3A_114 : memref<100x32xf32, #tpu.memory_space<vmem>>) offsets(%dma_start3A_117 : memref<100xi32, #tpu.memory_space<vmem>>) semaphore(%arg9 : memref<!tpu.dma_semaphore, #tpu.memory_space<semaphore_mem>>)
      %dma_start3A_121 = arith.constant 9 : i32
      %dma_start3A_122 = arith.constant 9 : i32
      %dma_start3A_123 = arith.constant 0 : i32
      %dma_start3A_124 = arith.constant 0 : i32
      %dma_start3A_125 = tpu.memref_slice %arg7[%dma_start3A_122, %dma_start3A_123, %dma_start3A_124] : memref<16x100x32xf32, #tpu.memory_space<vmem>> -> memref<1x100x32xf32, #tpu.memory_space<vmem>>
      %dma_start3A_126 = tpu.memref_squeeze %dma_start3A_125 : memref<1x100x32xf32, #tpu.memory_space<vmem>> -> memref<100x32xf32, #tpu.memory_space<vmem>>
      %dma_start3A_127 = arith.constant 0 : i32
      %dma_start3A_128 = tpu.memref_slice %arg6[%dma_start3A_121, %dma_start3A_127] : memref<16x100xi32, #tpu.memory_space<vmem>> -> memref<1x100xi32, #tpu.memory_space<vmem>>
      %dma_start3A_129 = tpu.memref_squeeze %dma_start3A_128 : memref<1x100xi32, #tpu.memory_space<vmem>> -> memref<100xi32, #tpu.memory_space<vmem>>
      %dma_start3A_130 = arith.constant 0 : i32
      %dma_start3A_131 = arith.constant 0 : i32
      %dma_start3A_132 = tpu.memref_slice %arg2[%dma_start3A_130, %dma_start3A_131] : memref<1000000x32xf32, #tpu.memory_space<hbm>> -> memref<1000000x32xf32, #tpu.memory_space<hbm>>
      tpu.enqueue_indirect_dma source(%dma_start3A_132 : memref<1000000x32xf32, #tpu.memory_space<hbm>>) target(%dma_start3A_126 : memref<100x32xf32, #tpu.memory_space<vmem>>) offsets(%dma_start3A_129 : memref<100xi32, #tpu.memory_space<vmem>>) semaphore(%arg9 : memref<!tpu.dma_semaphore, #tpu.memory_space<semaphore_mem>>)
      %dma_start3A_133 = arith.constant 10 : i32
      %dma_start3A_134 = arith.constant 10 : i32
      %dma_start3A_135 = arith.constant 0 : i32
      %dma_start3A_136 = arith.constant 0 : i32
      %dma_start3A_137 = tpu.memref_slice %arg7[%dma_start3A_134, %dma_start3A_135, %dma_start3A_136] : memref<16x100x32xf32, #tpu.memory_space<vmem>> -> memref<1x100x32xf32, #tpu.memory_space<vmem>>
      %dma_start3A_138 = tpu.memref_squeeze %dma_start3A_137 : memref<1x100x32xf32, #tpu.memory_space<vmem>> -> memref<100x32xf32, #tpu.memory_space<vmem>>
      %dma_start3A_139 = arith.constant 0 : i32
      %dma_start3A_140 = tpu.memref_slice %arg6[%dma_start3A_133, %dma_start3A_139] : memref<16x100xi32, #tpu.memory_space<vmem>> -> memref<1x100xi32, #tpu.memory_space<vmem>>
      %dma_start3A_141 = tpu.memref_squeeze %dma_start3A_140 : memref<1x100xi32, #tpu.memory_space<vmem>> -> memref<100xi32, #tpu.memory_space<vmem>>
      %dma_start3A_142 = arith.constant 0 : i32
      %dma_start3A_143 = arith.constant 0 : i32
      %dma_start3A_144 = tpu.memref_slice %arg2[%dma_start3A_142, %dma_start3A_143] : memref<1000000x32xf32, #tpu.memory_space<hbm>> -> memref<1000000x32xf32, #tpu.memory_space<hbm>>
      tpu.enqueue_indirect_dma source(%dma_start3A_144 : memref<1000000x32xf32, #tpu.memory_space<hbm>>) target(%dma_start3A_138 : memref<100x32xf32, #tpu.memory_space<vmem>>) offsets(%dma_start3A_141 : memref<100xi32, #tpu.memory_space<vmem>>) semaphore(%arg9 : memref<!tpu.dma_semaphore, #tpu.memory_space<semaphore_mem>>)
      %dma_start3A_145 = arith.constant 11 : i32
      %dma_start3A_146 = arith.constant 11 : i32
      %dma_start3A_147 = arith.constant 0 : i32
      %dma_start3A_148 = arith.constant 0 : i32
      %dma_start3A_149 = tpu.memref_slice %arg7[%dma_start3A_146, %dma_start3A_147, %dma_start3A_148] : memref<16x100x32xf32, #tpu.memory_space<vmem>> -> memref<1x100x32xf32, #tpu.memory_space<vmem>>
      %dma_start3A_150 = tpu.memref_squeeze %dma_start3A_149 : memref<1x100x32xf32, #tpu.memory_space<vmem>> -> memref<100x32xf32, #tpu.memory_space<vmem>>
      %dma_start3A_151 = arith.constant 0 : i32
      %dma_start3A_152 = tpu.memref_slice %arg6[%dma_start3A_145, %dma_start3A_151] : memref<16x100xi32, #tpu.memory_space<vmem>> -> memref<1x100xi32, #tpu.memory_space<vmem>>
      %dma_start3A_153 = tpu.memref_squeeze %dma_start3A_152 : memref<1x100xi32, #tpu.memory_space<vmem>> -> memref<100xi32, #tpu.memory_space<vmem>>
      %dma_start3A_154 = arith.constant 0 : i32
      %dma_start3A_155 = arith.constant 0 : i32
      %dma_start3A_156 = tpu.memref_slice %arg2[%dma_start3A_154, %dma_start3A_155] : memref<1000000x32xf32, #tpu.memory_space<hbm>> -> memref<1000000x32xf32, #tpu.memory_space<hbm>>
      tpu.enqueue_indirect_dma source(%dma_start3A_156 : memref<1000000x32xf32, #tpu.memory_space<hbm>>) target(%dma_start3A_150 : memref<100x32xf32, #tpu.memory_space<vmem>>) offsets(%dma_start3A_153 : memref<100xi32, #tpu.memory_space<vmem>>) semaphore(%arg9 : memref<!tpu.dma_semaphore, #tpu.memory_space<semaphore_mem>>)
      %dma_start3A_157 = arith.constant 12 : i32
      %dma_start3A_158 = arith.constant 12 : i32
      %dma_start3A_159 = arith.constant 0 : i32
      %dma_start3A_160 = arith.constant 0 : i32
      %dma_start3A_161 = tpu.memref_slice %arg7[%dma_start3A_158, %dma_start3A_159, %dma_start3A_160] : memref<16x100x32xf32, #tpu.memory_space<vmem>> -> memref<1x100x32xf32, #tpu.memory_space<vmem>>
      %dma_start3A_162 = tpu.memref_squeeze %dma_start3A_161 : memref<1x100x32xf32, #tpu.memory_space<vmem>> -> memref<100x32xf32, #tpu.memory_space<vmem>>
      %dma_start3A_163 = arith.constant 0 : i32
      %dma_start3A_164 = tpu.memref_slice %arg6[%dma_start3A_157, %dma_start3A_163] : memref<16x100xi32, #tpu.memory_space<vmem>> -> memref<1x100xi32, #tpu.memory_space<vmem>>
      %dma_start3A_165 = tpu.memref_squeeze %dma_start3A_164 : memref<1x100xi32, #tpu.memory_space<vmem>> -> memref<100xi32, #tpu.memory_space<vmem>>
      %dma_start3A_166 = arith.constant 0 : i32
      %dma_start3A_167 = arith.constant 0 : i32
      %dma_start3A_168 = tpu.memref_slice %arg2[%dma_start3A_166, %dma_start3A_167] : memref<1000000x32xf32, #tpu.memory_space<hbm>> -> memref<1000000x32xf32, #tpu.memory_space<hbm>>
      tpu.enqueue_indirect_dma source(%dma_start3A_168 : memref<1000000x32xf32, #tpu.memory_space<hbm>>) target(%dma_start3A_162 : memref<100x32xf32, #tpu.memory_space<vmem>>) offsets(%dma_start3A_165 : memref<100xi32, #tpu.memory_space<vmem>>) semaphore(%arg9 : memref<!tpu.dma_semaphore, #tpu.memory_space<semaphore_mem>>)
      %dma_start3A_169 = arith.constant 13 : i32
      %dma_start3A_170 = arith.constant 13 : i32
      %dma_start3A_171 = arith.constant 0 : i32
      %dma_start3A_172 = arith.constant 0 : i32
      %dma_start3A_173 = tpu.memref_slice %arg7[%dma_start3A_170, %dma_start3A_171, %dma_start3A_172] : memref<16x100x32xf32, #tpu.memory_space<vmem>> -> memref<1x100x32xf32, #tpu.memory_space<vmem>>
      %dma_start3A_174 = tpu.memref_squeeze %dma_start3A_173 : memref<1x100x32xf32, #tpu.memory_space<vmem>> -> memref<100x32xf32, #tpu.memory_space<vmem>>
      %dma_start3A_175 = arith.constant 0 : i32
      %dma_start3A_176 = tpu.memref_slice %arg6[%dma_start3A_169, %dma_start3A_175] : memref<16x100xi32, #tpu.memory_space<vmem>> -> memref<1x100xi32, #tpu.memory_space<vmem>>
      %dma_start3A_177 = tpu.memref_squeeze %dma_start3A_176 : memref<1x100xi32, #tpu.memory_space<vmem>> -> memref<100xi32, #tpu.memory_space<vmem>>
      %dma_start3A_178 = arith.constant 0 : i32
      %dma_start3A_179 = arith.constant 0 : i32
      %dma_start3A_180 = tpu.memref_slice %arg2[%dma_start3A_178, %dma_start3A_179] : memref<1000000x32xf32, #tpu.memory_space<hbm>> -> memref<1000000x32xf32, #tpu.memory_space<hbm>>
      tpu.enqueue_indirect_dma source(%dma_start3A_180 : memref<1000000x32xf32, #tpu.memory_space<hbm>>) target(%dma_start3A_174 : memref<100x32xf32, #tpu.memory_space<vmem>>) offsets(%dma_start3A_177 : memref<100xi32, #tpu.memory_space<vmem>>) semaphore(%arg9 : memref<!tpu.dma_semaphore, #tpu.memory_space<semaphore_mem>>)
      %dma_start3A_181 = arith.constant 14 : i32
      %dma_start3A_182 = arith.constant 14 : i32
      %dma_start3A_183 = arith.constant 0 : i32
      %dma_start3A_184 = arith.constant 0 : i32
      %dma_start3A_185 = tpu.memref_slice %arg7[%dma_start3A_182, %dma_start3A_183, %dma_start3A_184] : memref<16x100x32xf32, #tpu.memory_space<vmem>> -> memref<1x100x32xf32, #tpu.memory_space<vmem>>
      %dma_start3A_186 = tpu.memref_squeeze %dma_start3A_185 : memref<1x100x32xf32, #tpu.memory_space<vmem>> -> memref<100x32xf32, #tpu.memory_space<vmem>>
      %dma_start3A_187 = arith.constant 0 : i32
      %dma_start3A_188 = tpu.memref_slice %arg6[%dma_start3A_181, %dma_start3A_187] : memref<16x100xi32, #tpu.memory_space<vmem>> -> memref<1x100xi32, #tpu.memory_space<vmem>>
      %dma_start3A_189 = tpu.memref_squeeze %dma_start3A_188 : memref<1x100xi32, #tpu.memory_space<vmem>> -> memref<100xi32, #tpu.memory_space<vmem>>
      %dma_start3A_190 = arith.constant 0 : i32
      %dma_start3A_191 = arith.constant 0 : i32
      %dma_start3A_192 = tpu.memref_slice %arg2[%dma_start3A_190, %dma_start3A_191] : memref<1000000x32xf32, #tpu.memory_space<hbm>> -> memref<1000000x32xf32, #tpu.memory_space<hbm>>
      tpu.enqueue_indirect_dma source(%dma_start3A_192 : memref<1000000x32xf32, #tpu.memory_space<hbm>>) target(%dma_start3A_186 : memref<100x32xf32, #tpu.memory_space<vmem>>) offsets(%dma_start3A_189 : memref<100xi32, #tpu.memory_space<vmem>>) semaphore(%arg9 : memref<!tpu.dma_semaphore, #tpu.memory_space<semaphore_mem>>)
      %dma_start3A_193 = arith.constant 15 : i32
      %dma_start3A_194 = arith.constant 15 : i32
      %dma_start3A_195 = arith.constant 0 : i32
      %dma_start3A_196 = arith.constant 0 : i32
      %dma_start3A_197 = tpu.memref_slice %arg7[%dma_start3A_194, %dma_start3A_195, %dma_start3A_196] : memref<16x100x32xf32, #tpu.memory_space<vmem>> -> memref<1x100x32xf32, #tpu.memory_space<vmem>>
      %dma_start3A_198 = tpu.memref_squeeze %dma_start3A_197 : memref<1x100x32xf32, #tpu.memory_space<vmem>> -> memref<100x32xf32, #tpu.memory_space<vmem>>
      %dma_start3A_199 = arith.constant 0 : i32
      %dma_start3A_200 = tpu.memref_slice %arg6[%dma_start3A_193, %dma_start3A_199] : memref<16x100xi32, #tpu.memory_space<vmem>> -> memref<1x100xi32, #tpu.memory_space<vmem>>
      %dma_start3A_201 = tpu.memref_squeeze %dma_start3A_200 : memref<1x100xi32, #tpu.memory_space<vmem>> -> memref<100xi32, #tpu.memory_space<vmem>>
      %dma_start3A_202 = arith.constant 0 : i32
      %dma_start3A_203 = arith.constant 0 : i32
      %dma_start3A_204 = tpu.memref_slice %arg2[%dma_start3A_202, %dma_start3A_203] : memref<1000000x32xf32, #tpu.memory_space<hbm>> -> memref<1000000x32xf32, #tpu.memory_space<hbm>>
      tpu.enqueue_indirect_dma source(%dma_start3A_204 : memref<1000000x32xf32, #tpu.memory_space<hbm>>) target(%dma_start3A_198 : memref<100x32xf32, #tpu.memory_space<vmem>>) offsets(%dma_start3A_201 : memref<100xi32, #tpu.memory_space<vmem>>) semaphore(%arg9 : memref<!tpu.dma_semaphore, #tpu.memory_space<semaphore_mem>>)
      %dma_wait3A = arith.constant 0 : i32
      %dma_wait3A_205 = arith.constant 0 : i32
      %dma_wait3A_206 = arith.constant 0 : i32
      %dma_wait3A_207 = arith.constant 0 : i32
      %dma_wait3A_208 = tpu.memref_slice %arg7[%dma_wait3A_205, %dma_wait3A_206, %dma_wait3A_207] : memref<16x100x32xf32, #tpu.memory_space<vmem>> -> memref<1x100x32xf32, #tpu.memory_space<vmem>>
      %dma_wait3A_209 = tpu.memref_squeeze %dma_wait3A_208 : memref<1x100x32xf32, #tpu.memory_space<vmem>> -> memref<100x32xf32, #tpu.memory_space<vmem>>
      %dma_wait3A_210 = arith.constant 0 : i32
      %dma_wait3A_211 = tpu.memref_slice %arg6[%dma_wait3A, %dma_wait3A_210] : memref<16x100xi32, #tpu.memory_space<vmem>> -> memref<1x100xi32, #tpu.memory_space<vmem>>
      %dma_wait3A_212 = tpu.memref_squeeze %dma_wait3A_211 : memref<1x100xi32, #tpu.memory_space<vmem>> -> memref<100xi32, #tpu.memory_space<vmem>>
      %dma_wait3A_213 = arith.constant 0 : i32
      %dma_wait3A_214 = arith.constant 0 : i32
      %dma_wait3A_215 = tpu.memref_slice %arg2[%dma_wait3A_213, %dma_wait3A_214] : memref<1000000x32xf32, #tpu.memory_space<hbm>> -> memref<1000000x32xf32, #tpu.memory_space<hbm>>
      tpu.wait_indirect_dma semaphore(%arg9 : memref<!tpu.dma_semaphore, #tpu.memory_space<semaphore_mem>>) src(%dma_wait3A_215 : memref<1000000x32xf32, #tpu.memory_space<hbm>>) dst(%dma_wait3A_209 : memref<100x32xf32, #tpu.memory_space<vmem>>)
      %dma_wait3A_216 = arith.constant 1 : i32
      %dma_wait3A_217 = arith.constant 1 : i32
      %dma_wait3A_218 = arith.constant 0 : i32
      %dma_wait3A_219 = arith.constant 0 : i32
      %dma_wait3A_220 = tpu.memref_slice %arg7[%dma_wait3A_217, %dma_wait3A_218, %dma_wait3A_219] : memref<16x100x32xf32, #tpu.memory_space<vmem>> -> memref<1x100x32xf32, #tpu.memory_space<vmem>>
      %dma_wait3A_221 = tpu.memref_squeeze %dma_wait3A_220 : memref<1x100x32xf32, #tpu.memory_space<vmem>> -> memref<100x32xf32, #tpu.memory_space<vmem>>
      %dma_wait3A_222 = arith.constant 0 : i32
      %dma_wait3A_223 = tpu.memref_slice %arg6[%dma_wait3A_216, %dma_wait3A_222] : memref<16x100xi32, #tpu.memory_space<vmem>> -> memref<1x100xi32, #tpu.memory_space<vmem>>
      %dma_wait3A_224 = tpu.memref_squeeze %dma_wait3A_223 : memref<1x100xi32, #tpu.memory_space<vmem>> -> memref<100xi32, #tpu.memory_space<vmem>>
      %dma_wait3A_225 = arith.constant 0 : i32
      %dma_wait3A_226 = arith.constant 0 : i32
      %dma_wait3A_227 = tpu.memref_slice %arg2[%dma_wait3A_225, %dma_wait3A_226] : memref<1000000x32xf32, #tpu.memory_space<hbm>> -> memref<1000000x32xf32, #tpu.memory_space<hbm>>
      tpu.wait_indirect_dma semaphore(%arg9 : memref<!tpu.dma_semaphore, #tpu.memory_space<semaphore_mem>>) src(%dma_wait3A_227 : memref<1000000x32xf32, #tpu.memory_space<hbm>>) dst(%dma_wait3A_221 : memref<100x32xf32, #tpu.memory_space<vmem>>)
      %dma_wait3A_228 = arith.constant 2 : i32
      %dma_wait3A_229 = arith.constant 2 : i32
      %dma_wait3A_230 = arith.constant 0 : i32
      %dma_wait3A_231 = arith.constant 0 : i32
      %dma_wait3A_232 = tpu.memref_slice %arg7[%dma_wait3A_229, %dma_wait3A_230, %dma_wait3A_231] : memref<16x100x32xf32, #tpu.memory_space<vmem>> -> memref<1x100x32xf32, #tpu.memory_space<vmem>>
      %dma_wait3A_233 = tpu.memref_squeeze %dma_wait3A_232 : memref<1x100x32xf32, #tpu.memory_space<vmem>> -> memref<100x32xf32, #tpu.memory_space<vmem>>
      %dma_wait3A_234 = arith.constant 0 : i32
      %dma_wait3A_235 = tpu.memref_slice %arg6[%dma_wait3A_228, %dma_wait3A_234] : memref<16x100xi32, #tpu.memory_space<vmem>> -> memref<1x100xi32, #tpu.memory_space<vmem>>
      %dma_wait3A_236 = tpu.memref_squeeze %dma_wait3A_235 : memref<1x100xi32, #tpu.memory_space<vmem>> -> memref<100xi32, #tpu.memory_space<vmem>>
      %dma_wait3A_237 = arith.constant 0 : i32
      %dma_wait3A_238 = arith.constant 0 : i32
      %dma_wait3A_239 = tpu.memref_slice %arg2[%dma_wait3A_237, %dma_wait3A_238] : memref<1000000x32xf32, #tpu.memory_space<hbm>> -> memref<1000000x32xf32, #tpu.memory_space<hbm>>
      tpu.wait_indirect_dma semaphore(%arg9 : memref<!tpu.dma_semaphore, #tpu.memory_space<semaphore_mem>>) src(%dma_wait3A_239 : memref<1000000x32xf32, #tpu.memory_space<hbm>>) dst(%dma_wait3A_233 : memref<100x32xf32, #tpu.memory_space<vmem>>)
      %dma_wait3A_240 = arith.constant 3 : i32
      %dma_wait3A_241 = arith.constant 3 : i32
      %dma_wait3A_242 = arith.constant 0 : i32
      %dma_wait3A_243 = arith.constant 0 : i32
      %dma_wait3A_244 = tpu.memref_slice %arg7[%dma_wait3A_241, %dma_wait3A_242, %dma_wait3A_243] : memref<16x100x32xf32, #tpu.memory_space<vmem>> -> memref<1x100x32xf32, #tpu.memory_space<vmem>>
      %dma_wait3A_245 = tpu.memref_squeeze %dma_wait3A_244 : memref<1x100x32xf32, #tpu.memory_space<vmem>> -> memref<100x32xf32, #tpu.memory_space<vmem>>
      %dma_wait3A_246 = arith.constant 0 : i32
      %dma_wait3A_247 = tpu.memref_slice %arg6[%dma_wait3A_240, %dma_wait3A_246] : memref<16x100xi32, #tpu.memory_space<vmem>> -> memref<1x100xi32, #tpu.memory_space<vmem>>
      %dma_wait3A_248 = tpu.memref_squeeze %dma_wait3A_247 : memref<1x100xi32, #tpu.memory_space<vmem>> -> memref<100xi32, #tpu.memory_space<vmem>>
      %dma_wait3A_249 = arith.constant 0 : i32
      %dma_wait3A_250 = arith.constant 0 : i32
      %dma_wait3A_251 = tpu.memref_slice %arg2[%dma_wait3A_249, %dma_wait3A_250] : memref<1000000x32xf32, #tpu.memory_space<hbm>> -> memref<1000000x32xf32, #tpu.memory_space<hbm>>
      tpu.wait_indirect_dma semaphore(%arg9 : memref<!tpu.dma_semaphore, #tpu.memory_space<semaphore_mem>>) src(%dma_wait3A_251 : memref<1000000x32xf32, #tpu.memory_space<hbm>>) dst(%dma_wait3A_245 : memref<100x32xf32, #tpu.memory_space<vmem>>)
      %dma_wait3A_252 = arith.constant 4 : i32
      %dma_wait3A_253 = arith.constant 4 : i32
      %dma_wait3A_254 = arith.constant 0 : i32
      %dma_wait3A_255 = arith.constant 0 : i32
      %dma_wait3A_256 = tpu.memref_slice %arg7[%dma_wait3A_253, %dma_wait3A_254, %dma_wait3A_255] : memref<16x100x32xf32, #tpu.memory_space<vmem>> -> memref<1x100x32xf32, #tpu.memory_space<vmem>>
      %dma_wait3A_257 = tpu.memref_squeeze %dma_wait3A_256 : memref<1x100x32xf32, #tpu.memory_space<vmem>> -> memref<100x32xf32, #tpu.memory_space<vmem>>
      %dma_wait3A_258 = arith.constant 0 : i32
      %dma_wait3A_259 = tpu.memref_slice %arg6[%dma_wait3A_252, %dma_wait3A_258] : memref<16x100xi32, #tpu.memory_space<vmem>> -> memref<1x100xi32, #tpu.memory_space<vmem>>
      %dma_wait3A_260 = tpu.memref_squeeze %dma_wait3A_259 : memref<1x100xi32, #tpu.memory_space<vmem>> -> memref<100xi32, #tpu.memory_space<vmem>>
      %dma_wait3A_261 = arith.constant 0 : i32
      %dma_wait3A_262 = arith.constant 0 : i32
      %dma_wait3A_263 = tpu.memref_slice %arg2[%dma_wait3A_261, %dma_wait3A_262] : memref<1000000x32xf32, #tpu.memory_space<hbm>> -> memref<1000000x32xf32, #tpu.memory_space<hbm>>
      tpu.wait_indirect_dma semaphore(%arg9 : memref<!tpu.dma_semaphore, #tpu.memory_space<semaphore_mem>>) src(%dma_wait3A_263 : memref<1000000x32xf32, #tpu.memory_space<hbm>>) dst(%dma_wait3A_257 : memref<100x32xf32, #tpu.memory_space<vmem>>)
      %dma_wait3A_264 = arith.constant 5 : i32
      %dma_wait3A_265 = arith.constant 5 : i32
      %dma_wait3A_266 = arith.constant 0 : i32
      %dma_wait3A_267 = arith.constant 0 : i32
      %dma_wait3A_268 = tpu.memref_slice %arg7[%dma_wait3A_265, %dma_wait3A_266, %dma_wait3A_267] : memref<16x100x32xf32, #tpu.memory_space<vmem>> -> memref<1x100x32xf32, #tpu.memory_space<vmem>>
      %dma_wait3A_269 = tpu.memref_squeeze %dma_wait3A_268 : memref<1x100x32xf32, #tpu.memory_space<vmem>> -> memref<100x32xf32, #tpu.memory_space<vmem>>
      %dma_wait3A_270 = arith.constant 0 : i32
      %dma_wait3A_271 = tpu.memref_slice %arg6[%dma_wait3A_264, %dma_wait3A_270] : memref<16x100xi32, #tpu.memory_space<vmem>> -> memref<1x100xi32, #tpu.memory_space<vmem>>
      %dma_wait3A_272 = tpu.memref_squeeze %dma_wait3A_271 : memref<1x100xi32, #tpu.memory_space<vmem>> -> memref<100xi32, #tpu.memory_space<vmem>>
      %dma_wait3A_273 = arith.constant 0 : i32
      %dma_wait3A_274 = arith.constant 0 : i32
      %dma_wait3A_275 = tpu.memref_slice %arg2[%dma_wait3A_273, %dma_wait3A_274] : memref<1000000x32xf32, #tpu.memory_space<hbm>> -> memref<1000000x32xf32, #tpu.memory_space<hbm>>
      tpu.wait_indirect_dma semaphore(%arg9 : memref<!tpu.dma_semaphore, #tpu.memory_space<semaphore_mem>>) src(%dma_wait3A_275 : memref<1000000x32xf32, #tpu.memory_space<hbm>>) dst(%dma_wait3A_269 : memref<100x32xf32, #tpu.memory_space<vmem>>)
      %dma_wait3A_276 = arith.constant 6 : i32
      %dma_wait3A_277 = arith.constant 6 : i32
      %dma_wait3A_278 = arith.constant 0 : i32
      %dma_wait3A_279 = arith.constant 0 : i32
      %dma_wait3A_280 = tpu.memref_slice %arg7[%dma_wait3A_277, %dma_wait3A_278, %dma_wait3A_279] : memref<16x100x32xf32, #tpu.memory_space<vmem>> -> memref<1x100x32xf32, #tpu.memory_space<vmem>>
      %dma_wait3A_281 = tpu.memref_squeeze %dma_wait3A_280 : memref<1x100x32xf32, #tpu.memory_space<vmem>> -> memref<100x32xf32, #tpu.memory_space<vmem>>
      %dma_wait3A_282 = arith.constant 0 : i32
      %dma_wait3A_283 = tpu.memref_slice %arg6[%dma_wait3A_276, %dma_wait3A_282] : memref<16x100xi32, #tpu.memory_space<vmem>> -> memref<1x100xi32, #tpu.memory_space<vmem>>
      %dma_wait3A_284 = tpu.memref_squeeze %dma_wait3A_283 : memref<1x100xi32, #tpu.memory_space<vmem>> -> memref<100xi32, #tpu.memory_space<vmem>>
      %dma_wait3A_285 = arith.constant 0 : i32
      %dma_wait3A_286 = arith.constant 0 : i32
      %dma_wait3A_287 = tpu.memref_slice %arg2[%dma_wait3A_285, %dma_wait3A_286] : memref<1000000x32xf32, #tpu.memory_space<hbm>> -> memref<1000000x32xf32, #tpu.memory_space<hbm>>
      tpu.wait_indirect_dma semaphore(%arg9 : memref<!tpu.dma_semaphore, #tpu.memory_space<semaphore_mem>>) src(%dma_wait3A_287 : memref<1000000x32xf32, #tpu.memory_space<hbm>>) dst(%dma_wait3A_281 : memref<100x32xf32, #tpu.memory_space<vmem>>)
      %dma_wait3A_288 = arith.constant 7 : i32
      %dma_wait3A_289 = arith.constant 7 : i32
      %dma_wait3A_290 = arith.constant 0 : i32
      %dma_wait3A_291 = arith.constant 0 : i32
      %dma_wait3A_292 = tpu.memref_slice %arg7[%dma_wait3A_289, %dma_wait3A_290, %dma_wait3A_291] : memref<16x100x32xf32, #tpu.memory_space<vmem>> -> memref<1x100x32xf32, #tpu.memory_space<vmem>>
      %dma_wait3A_293 = tpu.memref_squeeze %dma_wait3A_292 : memref<1x100x32xf32, #tpu.memory_space<vmem>> -> memref<100x32xf32, #tpu.memory_space<vmem>>
      %dma_wait3A_294 = arith.constant 0 : i32
      %dma_wait3A_295 = tpu.memref_slice %arg6[%dma_wait3A_288, %dma_wait3A_294] : memref<16x100xi32, #tpu.memory_space<vmem>> -> memref<1x100xi32, #tpu.memory_space<vmem>>
      %dma_wait3A_296 = tpu.memref_squeeze %dma_wait3A_295 : memref<1x100xi32, #tpu.memory_space<vmem>> -> memref<100xi32, #tpu.memory_space<vmem>>
      %dma_wait3A_297 = arith.constant 0 : i32
      %dma_wait3A_298 = arith.constant 0 : i32
      %dma_wait3A_299 = tpu.memref_slice %arg2[%dma_wait3A_297, %dma_wait3A_298] : memref<1000000x32xf32, #tpu.memory_space<hbm>> -> memref<1000000x32xf32, #tpu.memory_space<hbm>>
      tpu.wait_indirect_dma semaphore(%arg9 : memref<!tpu.dma_semaphore, #tpu.memory_space<semaphore_mem>>) src(%dma_wait3A_299 : memref<1000000x32xf32, #tpu.memory_space<hbm>>) dst(%dma_wait3A_293 : memref<100x32xf32, #tpu.memory_space<vmem>>)
      %dma_wait3A_300 = arith.constant 8 : i32
      %dma_wait3A_301 = arith.constant 8 : i32
      %dma_wait3A_302 = arith.constant 0 : i32
      %dma_wait3A_303 = arith.constant 0 : i32
      %dma_wait3A_304 = tpu.memref_slice %arg7[%dma_wait3A_301, %dma_wait3A_302, %dma_wait3A_303] : memref<16x100x32xf32, #tpu.memory_space<vmem>> -> memref<1x100x32xf32, #tpu.memory_space<vmem>>
      %dma_wait3A_305 = tpu.memref_squeeze %dma_wait3A_304 : memref<1x100x32xf32, #tpu.memory_space<vmem>> -> memref<100x32xf32, #tpu.memory_space<vmem>>
      %dma_wait3A_306 = arith.constant 0 : i32
      %dma_wait3A_307 = tpu.memref_slice %arg6[%dma_wait3A_300, %dma_wait3A_306] : memref<16x100xi32, #tpu.memory_space<vmem>> -> memref<1x100xi32, #tpu.memory_space<vmem>>
      %dma_wait3A_308 = tpu.memref_squeeze %dma_wait3A_307 : memref<1x100xi32, #tpu.memory_space<vmem>> -> memref<100xi32, #tpu.memory_space<vmem>>
      %dma_wait3A_309 = arith.constant 0 : i32
      %dma_wait3A_310 = arith.constant 0 : i32
      %dma_wait3A_311 = tpu.memref_slice %arg2[%dma_wait3A_309, %dma_wait3A_310] : memref<1000000x32xf32, #tpu.memory_space<hbm>> -> memref<1000000x32xf32, #tpu.memory_space<hbm>>
      tpu.wait_indirect_dma semaphore(%arg9 : memref<!tpu.dma_semaphore, #tpu.memory_space<semaphore_mem>>) src(%dma_wait3A_311 : memref<1000000x32xf32, #tpu.memory_space<hbm>>) dst(%dma_wait3A_305 : memref<100x32xf32, #tpu.memory_space<vmem>>)
      %dma_wait3A_312 = arith.constant 9 : i32
      %dma_wait3A_313 = arith.constant 9 : i32
      %dma_wait3A_314 = arith.constant 0 : i32
      %dma_wait3A_315 = arith.constant 0 : i32
      %dma_wait3A_316 = tpu.memref_slice %arg7[%dma_wait3A_313, %dma_wait3A_314, %dma_wait3A_315] : memref<16x100x32xf32, #tpu.memory_space<vmem>> -> memref<1x100x32xf32, #tpu.memory_space<vmem>>
      %dma_wait3A_317 = tpu.memref_squeeze %dma_wait3A_316 : memref<1x100x32xf32, #tpu.memory_space<vmem>> -> memref<100x32xf32, #tpu.memory_space<vmem>>
      %dma_wait3A_318 = arith.constant 0 : i32
      %dma_wait3A_319 = tpu.memref_slice %arg6[%dma_wait3A_312, %dma_wait3A_318] : memref<16x100xi32, #tpu.memory_space<vmem>> -> memref<1x100xi32, #tpu.memory_space<vmem>>
      %dma_wait3A_320 = tpu.memref_squeeze %dma_wait3A_319 : memref<1x100xi32, #tpu.memory_space<vmem>> -> memref<100xi32, #tpu.memory_space<vmem>>
      %dma_wait3A_321 = arith.constant 0 : i32
      %dma_wait3A_322 = arith.constant 0 : i32
      %dma_wait3A_323 = tpu.memref_slice %arg2[%dma_wait3A_321, %dma_wait3A_322] : memref<1000000x32xf32, #tpu.memory_space<hbm>> -> memref<1000000x32xf32, #tpu.memory_space<hbm>>
      tpu.wait_indirect_dma semaphore(%arg9 : memref<!tpu.dma_semaphore, #tpu.memory_space<semaphore_mem>>) src(%dma_wait3A_323 : memref<1000000x32xf32, #tpu.memory_space<hbm>>) dst(%dma_wait3A_317 : memref<100x32xf32, #tpu.memory_space<vmem>>)
      %dma_wait3A_324 = arith.constant 10 : i32
      %dma_wait3A_325 = arith.constant 10 : i32
      %dma_wait3A_326 = arith.constant 0 : i32
      %dma_wait3A_327 = arith.constant 0 : i32
      %dma_wait3A_328 = tpu.memref_slice %arg7[%dma_wait3A_325, %dma_wait3A_326, %dma_wait3A_327] : memref<16x100x32xf32, #tpu.memory_space<vmem>> -> memref<1x100x32xf32, #tpu.memory_space<vmem>>
      %dma_wait3A_329 = tpu.memref_squeeze %dma_wait3A_328 : memref<1x100x32xf32, #tpu.memory_space<vmem>> -> memref<100x32xf32, #tpu.memory_space<vmem>>
      %dma_wait3A_330 = arith.constant 0 : i32
      %dma_wait3A_331 = tpu.memref_slice %arg6[%dma_wait3A_324, %dma_wait3A_330] : memref<16x100xi32, #tpu.memory_space<vmem>> -> memref<1x100xi32, #tpu.memory_space<vmem>>
      %dma_wait3A_332 = tpu.memref_squeeze %dma_wait3A_331 : memref<1x100xi32, #tpu.memory_space<vmem>> -> memref<100xi32, #tpu.memory_space<vmem>>
      %dma_wait3A_333 = arith.constant 0 : i32
      %dma_wait3A_334 = arith.constant 0 : i32
      %dma_wait3A_335 = tpu.memref_slice %arg2[%dma_wait3A_333, %dma_wait3A_334] : memref<1000000x32xf32, #tpu.memory_space<hbm>> -> memref<1000000x32xf32, #tpu.memory_space<hbm>>
      tpu.wait_indirect_dma semaphore(%arg9 : memref<!tpu.dma_semaphore, #tpu.memory_space<semaphore_mem>>) src(%dma_wait3A_335 : memref<1000000x32xf32, #tpu.memory_space<hbm>>) dst(%dma_wait3A_329 : memref<100x32xf32, #tpu.memory_space<vmem>>)
      %dma_wait3A_336 = arith.constant 11 : i32
      %dma_wait3A_337 = arith.constant 11 : i32
      %dma_wait3A_338 = arith.constant 0 : i32
      %dma_wait3A_339 = arith.constant 0 : i32
      %dma_wait3A_340 = tpu.memref_slice %arg7[%dma_wait3A_337, %dma_wait3A_338, %dma_wait3A_339] : memref<16x100x32xf32, #tpu.memory_space<vmem>> -> memref<1x100x32xf32, #tpu.memory_space<vmem>>
      %dma_wait3A_341 = tpu.memref_squeeze %dma_wait3A_340 : memref<1x100x32xf32, #tpu.memory_space<vmem>> -> memref<100x32xf32, #tpu.memory_space<vmem>>
      %dma_wait3A_342 = arith.constant 0 : i32
      %dma_wait3A_343 = tpu.memref_slice %arg6[%dma_wait3A_336, %dma_wait3A_342] : memref<16x100xi32, #tpu.memory_space<vmem>> -> memref<1x100xi32, #tpu.memory_space<vmem>>
      %dma_wait3A_344 = tpu.memref_squeeze %dma_wait3A_343 : memref<1x100xi32, #tpu.memory_space<vmem>> -> memref<100xi32, #tpu.memory_space<vmem>>
      %dma_wait3A_345 = arith.constant 0 : i32
      %dma_wait3A_346 = arith.constant 0 : i32
      %dma_wait3A_347 = tpu.memref_slice %arg2[%dma_wait3A_345, %dma_wait3A_346] : memref<1000000x32xf32, #tpu.memory_space<hbm>> -> memref<1000000x32xf32, #tpu.memory_space<hbm>>
      tpu.wait_indirect_dma semaphore(%arg9 : memref<!tpu.dma_semaphore, #tpu.memory_space<semaphore_mem>>) src(%dma_wait3A_347 : memref<1000000x32xf32, #tpu.memory_space<hbm>>) dst(%dma_wait3A_341 : memref<100x32xf32, #tpu.memory_space<vmem>>)
      %dma_wait3A_348 = arith.constant 12 : i32
      %dma_wait3A_349 = arith.constant 12 : i32
      %dma_wait3A_350 = arith.constant 0 : i32
      %dma_wait3A_351 = arith.constant 0 : i32
      %dma_wait3A_352 = tpu.memref_slice %arg7[%dma_wait3A_349, %dma_wait3A_350, %dma_wait3A_351] : memref<16x100x32xf32, #tpu.memory_space<vmem>> -> memref<1x100x32xf32, #tpu.memory_space<vmem>>
      %dma_wait3A_353 = tpu.memref_squeeze %dma_wait3A_352 : memref<1x100x32xf32, #tpu.memory_space<vmem>> -> memref<100x32xf32, #tpu.memory_space<vmem>>
      %dma_wait3A_354 = arith.constant 0 : i32
      %dma_wait3A_355 = tpu.memref_slice %arg6[%dma_wait3A_348, %dma_wait3A_354] : memref<16x100xi32, #tpu.memory_space<vmem>> -> memref<1x100xi32, #tpu.memory_space<vmem>>
      %dma_wait3A_356 = tpu.memref_squeeze %dma_wait3A_355 : memref<1x100xi32, #tpu.memory_space<vmem>> -> memref<100xi32, #tpu.memory_space<vmem>>
      %dma_wait3A_357 = arith.constant 0 : i32
      %dma_wait3A_358 = arith.constant 0 : i32
      %dma_wait3A_359 = tpu.memref_slice %arg2[%dma_wait3A_357, %dma_wait3A_358] : memref<1000000x32xf32, #tpu.memory_space<hbm>> -> memref<1000000x32xf32, #tpu.memory_space<hbm>>
      tpu.wait_indirect_dma semaphore(%arg9 : memref<!tpu.dma_semaphore, #tpu.memory_space<semaphore_mem>>) src(%dma_wait3A_359 : memref<1000000x32xf32, #tpu.memory_space<hbm>>) dst(%dma_wait3A_353 : memref<100x32xf32, #tpu.memory_space<vmem>>)
      %dma_wait3A_360 = arith.constant 13 : i32
      %dma_wait3A_361 = arith.constant 13 : i32
      %dma_wait3A_362 = arith.constant 0 : i32
      %dma_wait3A_363 = arith.constant 0 : i32
      %dma_wait3A_364 = tpu.memref_slice %arg7[%dma_wait3A_361, %dma_wait3A_362, %dma_wait3A_363] : memref<16x100x32xf32, #tpu.memory_space<vmem>> -> memref<1x100x32xf32, #tpu.memory_space<vmem>>
      %dma_wait3A_365 = tpu.memref_squeeze %dma_wait3A_364 : memref<1x100x32xf32, #tpu.memory_space<vmem>> -> memref<100x32xf32, #tpu.memory_space<vmem>>
      %dma_wait3A_366 = arith.constant 0 : i32
      %dma_wait3A_367 = tpu.memref_slice %arg6[%dma_wait3A_360, %dma_wait3A_366] : memref<16x100xi32, #tpu.memory_space<vmem>> -> memref<1x100xi32, #tpu.memory_space<vmem>>
      %dma_wait3A_368 = tpu.memref_squeeze %dma_wait3A_367 : memref<1x100xi32, #tpu.memory_space<vmem>> -> memref<100xi32, #tpu.memory_space<vmem>>
      %dma_wait3A_369 = arith.constant 0 : i32
      %dma_wait3A_370 = arith.constant 0 : i32
      %dma_wait3A_371 = tpu.memref_slice %arg2[%dma_wait3A_369, %dma_wait3A_370] : memref<1000000x32xf32, #tpu.memory_space<hbm>> -> memref<1000000x32xf32, #tpu.memory_space<hbm>>
      tpu.wait_indirect_dma semaphore(%arg9 : memref<!tpu.dma_semaphore, #tpu.memory_space<semaphore_mem>>) src(%dma_wait3A_371 : memref<1000000x32xf32, #tpu.memory_space<hbm>>) dst(%dma_wait3A_365 : memref<100x32xf32, #tpu.memory_space<vmem>>)
      %dma_wait3A_372 = arith.constant 14 : i32
      %dma_wait3A_373 = arith.constant 14 : i32
      %dma_wait3A_374 = arith.constant 0 : i32
      %dma_wait3A_375 = arith.constant 0 : i32
      %dma_wait3A_376 = tpu.memref_slice %arg7[%dma_wait3A_373, %dma_wait3A_374, %dma_wait3A_375] : memref<16x100x32xf32, #tpu.memory_space<vmem>> -> memref<1x100x32xf32, #tpu.memory_space<vmem>>
      %dma_wait3A_377 = tpu.memref_squeeze %dma_wait3A_376 : memref<1x100x32xf32, #tpu.memory_space<vmem>> -> memref<100x32xf32, #tpu.memory_space<vmem>>
      %dma_wait3A_378 = arith.constant 0 : i32
      %dma_wait3A_379 = tpu.memref_slice %arg6[%dma_wait3A_372, %dma_wait3A_378] : memref<16x100xi32, #tpu.memory_space<vmem>> -> memref<1x100xi32, #tpu.memory_space<vmem>>
      %dma_wait3A_380 = tpu.memref_squeeze %dma_wait3A_379 : memref<1x100xi32, #tpu.memory_space<vmem>> -> memref<100xi32, #tpu.memory_space<vmem>>
      %dma_wait3A_381 = arith.constant 0 : i32
      %dma_wait3A_382 = arith.constant 0 : i32
      %dma_wait3A_383 = tpu.memref_slice %arg2[%dma_wait3A_381, %dma_wait3A_382] : memref<1000000x32xf32, #tpu.memory_space<hbm>> -> memref<1000000x32xf32, #tpu.memory_space<hbm>>
      tpu.wait_indirect_dma semaphore(%arg9 : memref<!tpu.dma_semaphore, #tpu.memory_space<semaphore_mem>>) src(%dma_wait3A_383 : memref<1000000x32xf32, #tpu.memory_space<hbm>>) dst(%dma_wait3A_377 : memref<100x32xf32, #tpu.memory_space<vmem>>)
      %dma_wait3A_384 = arith.constant 15 : i32
      %dma_wait3A_385 = arith.constant 15 : i32
      %dma_wait3A_386 = arith.constant 0 : i32
      %dma_wait3A_387 = arith.constant 0 : i32
      %dma_wait3A_388 = tpu.memref_slice %arg7[%dma_wait3A_385, %dma_wait3A_386, %dma_wait3A_387] : memref<16x100x32xf32, #tpu.memory_space<vmem>> -> memref<1x100x32xf32, #tpu.memory_space<vmem>>
      %dma_wait3A_389 = tpu.memref_squeeze %dma_wait3A_388 : memref<1x100x32xf32, #tpu.memory_space<vmem>> -> memref<100x32xf32, #tpu.memory_space<vmem>>
      %dma_wait3A_390 = arith.constant 0 : i32
      %dma_wait3A_391 = tpu.memref_slice %arg6[%dma_wait3A_384, %dma_wait3A_390] : memref<16x100xi32, #tpu.memory_space<vmem>> -> memref<1x100xi32, #tpu.memory_space<vmem>>
      %dma_wait3A_392 = tpu.memref_squeeze %dma_wait3A_391 : memref<1x100xi32, #tpu.memory_space<vmem>> -> memref<100xi32, #tpu.memory_space<vmem>>
      %dma_wait3A_393 = arith.constant 0 : i32
      %dma_wait3A_394 = arith.constant 0 : i32
      %dma_wait3A_395 = tpu.memref_slice %arg2[%dma_wait3A_393, %dma_wait3A_394] : memref<1000000x32xf32, #tpu.memory_space<hbm>> -> memref<1000000x32xf32, #tpu.memory_space<hbm>>
      tpu.wait_indirect_dma semaphore(%arg9 : memref<!tpu.dma_semaphore, #tpu.memory_space<semaphore_mem>>) src(%dma_wait3A_395 : memref<1000000x32xf32, #tpu.memory_space<hbm>>) dst(%dma_wait3A_389 : memref<100x32xf32, #tpu.memory_space<vmem>>)
      %broadcast_in_dim3A = arith.constant 0.000000e+00 : f32
      %broadcast_in_dim3A_396 = vector.broadcast %broadcast_in_dim3A : f32 to vector<16xf32>
      %scan3A_397 = arith.constant 0 : i32
      %scan3A_398 = arith.constant 25 : i32
      %scan3A_399 = arith.addi %scan3A_397, %scan3A_398 : i32
      %scan3A_400 = arith.constant 1 : i32
      %scan3A_401:2 = scf.for %scan3A_618 = %scan3A_397 to %scan3A_399 step %scan3A_400 iter_args(%scan3A_619 = %broadcast_in_dim3A_396, %scan3A_620 = %broadcast_in_dim3A_396) -> (vector<16xf32>, vector<16xf32>)  : i32 {
        %mul3A_621 = arith.constant 4 : i32
        %mul3A_622 = arith.muli %scan3A_618, %mul3A_621 : i32
        %add3A_623 = arith.constant 0 : i32
        %add3A_624 = arith.addi %mul3A_622, %add3A_623 : i32
        %get3A = arith.constant 0 : i32
        %get3A_625 = arith.index_cast %get3A : i32 to index
        %get3A_626 = arith.index_cast %add3A_624 : i32 to index
        %get3A_627 = arith.constant 0 : index
        %get3A_628 = tpu.vector_load %arg7[%get3A_625, %get3A_626, %get3A_627] {strides = array<i32>} : memref<16x100x32xf32, #tpu.memory_space<vmem>>, vector<1x1x16xf32>,
        %get3A_629 = vector.shape_cast %get3A_628 : vector<1x1x16xf32> to vector<16xf32>
        %add3A_630 = arith.addf %scan3A_619, %get3A_629 : vector<16xf32>
        %get3A_631 = arith.constant 1 : i32
        %get3A_632 = arith.index_cast %get3A_631 : i32 to index
        %get3A_633 = arith.index_cast %add3A_624 : i32 to index
        %get3A_634 = arith.constant 0 : index
        %get3A_635 = tpu.vector_load %arg7[%get3A_632, %get3A_633, %get3A_634] {strides = array<i32>} : memref<16x100x32xf32, #tpu.memory_space<vmem>>, vector<1x1x16xf32>,
        %get3A_636 = vector.shape_cast %get3A_635 : vector<1x1x16xf32> to vector<16xf32>
        %add3A_637 = arith.addf %add3A_630, %get3A_636 : vector<16xf32>
        %get3A_638 = arith.constant 0 : i32
        %get3A_639 = arith.index_cast %get3A_638 : i32 to index
        %get3A_640 = arith.index_cast %add3A_624 : i32 to index
        %get3A_641 = arith.constant 16 : index
        %get3A_642 = tpu.vector_load %arg7[%get3A_639, %get3A_640, %get3A_641] {strides = array<i32>} : memref<16x100x32xf32, #tpu.memory_space<vmem>>, vector<1x1x16xf32>,
        %get3A_643 = vector.shape_cast %get3A_642 : vector<1x1x16xf32> to vector<16xf32>
        %add3A_644 = arith.addf %scan3A_620, %get3A_643 : vector<16xf32>
        %get3A_645 = arith.constant 1 : i32
        %get3A_646 = arith.index_cast %get3A_645 : i32 to index
        %get3A_647 = arith.index_cast %add3A_624 : i32 to index
        %get3A_648 = arith.constant 16 : index
        %get3A_649 = tpu.vector_load %arg7[%get3A_646, %get3A_647, %get3A_648] {strides = array<i32>} : memref<16x100x32xf32, #tpu.memory_space<vmem>>, vector<1x1x16xf32>,
        %get3A_650 = vector.shape_cast %get3A_649 : vector<1x1x16xf32> to vector<16xf32>
        %add3A_651 = arith.addf %add3A_644, %get3A_650 : vector<16xf32>
        %mul3A_652 = arith.constant 4 : i32
        %mul3A_653 = arith.muli %scan3A_618, %mul3A_652 : i32
        %add3A_654 = arith.constant 1 : i32
        %add3A_655 = arith.addi %mul3A_653, %add3A_654 : i32
        %get3A_656 = arith.constant 0 : i32
        %get3A_657 = arith.index_cast %get3A_656 : i32 to index
        %get3A_658 = arith.index_cast %add3A_655 : i32 to index
        %get3A_659 = arith.constant 0 : index
        %get3A_660 = tpu.vector_load %arg7[%get3A_657, %get3A_658, %get3A_659] {strides = array<i32>} : memref<16x100x32xf32, #tpu.memory_space<vmem>>, vector<1x1x16xf32>,
        %get3A_661 = vector.shape_cast %get3A_660 : vector<1x1x16xf32> to vector<16xf32>
        %add3A_662 = arith.addf %add3A_637, %get3A_661 : vector<16xf32>
        %get3A_663 = arith.constant 1 : i32
        %get3A_664 = arith.index_cast %get3A_663 : i32 to index
        %get3A_665 = arith.index_cast %add3A_655 : i32 to index
        %get3A_666 = arith.constant 0 : index
        %get3A_667 = tpu.vector_load %arg7[%get3A_664, %get3A_665, %get3A_666] {strides = array<i32>} : memref<16x100x32xf32, #tpu.memory_space<vmem>>, vector<1x1x16xf32>,
        %get3A_668 = vector.shape_cast %get3A_667 : vector<1x1x16xf32> to vector<16xf32>
        %add3A_669 = arith.addf %add3A_662, %get3A_668 : vector<16xf32>
        %get3A_670 = arith.constant 0 : i32
        %get3A_671 = arith.index_cast %get3A_670 : i32 to index
        %get3A_672 = arith.index_cast %add3A_655 : i32 to index
        %get3A_673 = arith.constant 16 : index
        %get3A_674 = tpu.vector_load %arg7[%get3A_671, %get3A_672, %get3A_673] {strides = array<i32>} : memref<16x100x32xf32, #tpu.memory_space<vmem>>, vector<1x1x16xf32>,
        %get3A_675 = vector.shape_cast %get3A_674 : vector<1x1x16xf32> to vector<16xf32>
        %add3A_676 = arith.addf %add3A_651, %get3A_675 : vector<16xf32>
        %get3A_677 = arith.constant 1 : i32
        %get3A_678 = arith.index_cast %get3A_677 : i32 to index
        %get3A_679 = arith.index_cast %add3A_655 : i32 to index
        %get3A_680 = arith.constant 16 : index
        %get3A_681 = tpu.vector_load %arg7[%get3A_678, %get3A_679, %get3A_680] {strides = array<i32>} : memref<16x100x32xf32, #tpu.memory_space<vmem>>, vector<1x1x16xf32>,
        %get3A_682 = vector.shape_cast %get3A_681 : vector<1x1x16xf32> to vector<16xf32>
        %add3A_683 = arith.addf %add3A_676, %get3A_682 : vector<16xf32>
        %mul3A_684 = arith.constant 4 : i32
        %mul3A_685 = arith.muli %scan3A_618, %mul3A_684 : i32
        %add3A_686 = arith.constant 2 : i32
        %add3A_687 = arith.addi %mul3A_685, %add3A_686 : i32
        %get3A_688 = arith.constant 0 : i32
        %get3A_689 = arith.index_cast %get3A_688 : i32 to index
        %get3A_690 = arith.index_cast %add3A_687 : i32 to index
        %get3A_691 = arith.constant 0 : index
        %get3A_692 = tpu.vector_load %arg7[%get3A_689, %get3A_690, %get3A_691] {strides = array<i32>} : memref<16x100x32xf32, #tpu.memory_space<vmem>>, vector<1x1x16xf32>,
        %get3A_693 = vector.shape_cast %get3A_692 : vector<1x1x16xf32> to vector<16xf32>
        %add3A_694 = arith.addf %add3A_669, %get3A_693 : vector<16xf32>
        %get3A_695 = arith.constant 1 : i32
        %get3A_696 = arith.index_cast %get3A_695 : i32 to index
        %get3A_697 = arith.index_cast %add3A_687 : i32 to index
        %get3A_698 = arith.constant 0 : index
        %get3A_699 = tpu.vector_load %arg7[%get3A_696, %get3A_697, %get3A_698] {strides = array<i32>} : memref<16x100x32xf32, #tpu.memory_space<vmem>>, vector<1x1x16xf32>,
        %get3A_700 = vector.shape_cast %get3A_699 : vector<1x1x16xf32> to vector<16xf32>
        %add3A_701 = arith.addf %add3A_694, %get3A_700 : vector<16xf32>
        %get3A_702 = arith.constant 0 : i32
        %get3A_703 = arith.index_cast %get3A_702 : i32 to index
        %get3A_704 = arith.index_cast %add3A_687 : i32 to index
        %get3A_705 = arith.constant 16 : index
        %get3A_706 = tpu.vector_load %arg7[%get3A_703, %get3A_704, %get3A_705] {strides = array<i32>} : memref<16x100x32xf32, #tpu.memory_space<vmem>>, vector<1x1x16xf32>,
        %get3A_707 = vector.shape_cast %get3A_706 : vector<1x1x16xf32> to vector<16xf32>
        %add3A_708 = arith.addf %add3A_683, %get3A_707 : vector<16xf32>
        %get3A_709 = arith.constant 1 : i32
        %get3A_710 = arith.index_cast %get3A_709 : i32 to index
        %get3A_711 = arith.index_cast %add3A_687 : i32 to index
        %get3A_712 = arith.constant 16 : index
        %get3A_713 = tpu.vector_load %arg7[%get3A_710, %get3A_711, %get3A_712] {strides = array<i32>} : memref<16x100x32xf32, #tpu.memory_space<vmem>>, vector<1x1x16xf32>,
        %get3A_714 = vector.shape_cast %get3A_713 : vector<1x1x16xf32> to vector<16xf32>
        %add3A_715 = arith.addf %add3A_708, %get3A_714 : vector<16xf32>
        %mul3A_716 = arith.constant 4 : i32
        %mul3A_717 = arith.muli %scan3A_618, %mul3A_716 : i32
        %add3A_718 = arith.constant 3 : i32
        %add3A_719 = arith.addi %mul3A_717, %add3A_718 : i32
        %get3A_720 = arith.constant 0 : i32
        %get3A_721 = arith.index_cast %get3A_720 : i32 to index
        %get3A_722 = arith.index_cast %add3A_719 : i32 to index
        %get3A_723 = arith.constant 0 : index
        %get3A_724 = tpu.vector_load %arg7[%get3A_721, %get3A_722, %get3A_723] {strides = array<i32>} : memref<16x100x32xf32, #tpu.memory_space<vmem>>, vector<1x1x16xf32>,
        %get3A_725 = vector.shape_cast %get3A_724 : vector<1x1x16xf32> to vector<16xf32>
        %add3A_726 = arith.addf %add3A_701, %get3A_725 : vector<16xf32>
        %get3A_727 = arith.constant 1 : i32
        %get3A_728 = arith.index_cast %get3A_727 : i32 to index
        %get3A_729 = arith.index_cast %add3A_719 : i32 to index
        %get3A_730 = arith.constant 0 : index
        %get3A_731 = tpu.vector_load %arg7[%get3A_728, %get3A_729, %get3A_730] {strides = array<i32>} : memref<16x100x32xf32, #tpu.memory_space<vmem>>, vector<1x1x16xf32>,
        %get3A_732 = vector.shape_cast %get3A_731 : vector<1x1x16xf32> to vector<16xf32>
        %add3A_733 = arith.addf %add3A_726, %get3A_732 : vector<16xf32>
        %get3A_734 = arith.constant 0 : i32
        %get3A_735 = arith.index_cast %get3A_734 : i32 to index
        %get3A_736 = arith.index_cast %add3A_719 : i32 to index
        %get3A_737 = arith.constant 16 : index
        %get3A_738 = tpu.vector_load %arg7[%get3A_735, %get3A_736, %get3A_737] {strides = array<i32>} : memref<16x100x32xf32, #tpu.memory_space<vmem>>, vector<1x1x16xf32>,
        %get3A_739 = vector.shape_cast %get3A_738 : vector<1x1x16xf32> to vector<16xf32>
        %add3A_740 = arith.addf %add3A_715, %get3A_739 : vector<16xf32>
        %get3A_741 = arith.constant 1 : i32
        %get3A_742 = arith.index_cast %get3A_741 : i32 to index
        %get3A_743 = arith.index_cast %add3A_719 : i32 to index
        %get3A_744 = arith.constant 16 : index
        %get3A_745 = tpu.vector_load %arg7[%get3A_742, %get3A_743, %get3A_744] {strides = array<i32>} : memref<16x100x32xf32, #tpu.memory_space<vmem>>, vector<1x1x16xf32>,
        %get3A_746 = vector.shape_cast %get3A_745 : vector<1x1x16xf32> to vector<16xf32>
        %add3A_747 = arith.addf %add3A_740, %get3A_746 : vector<16xf32>
        scf.yield %add3A_733, %add3A_747 : vector<16xf32>, vector<16xf32>
      }
      %scan3A_402 = arith.constant 25 : i32
      %mul3A_403 = arith.constant 8 : i32
      %mul3A_404 = arith.muli %scan3A_10, %mul3A_403 : i32
      %add3A_405 = arith.constant 0 : i32
      %add3A_406 = arith.addi %mul3A_404, %add3A_405 : i32
      %mul3A_407 = arith.constant 5.000000e-03 : f32
      %mul3A_408 = vector.broadcast %mul3A_407 : f32 to vector<16xf32>
      %mul3A_409 = arith.mulf %scan3A_401#0, %mul3A_408 : vector<16xf32>
      %swap3A = arith.index_cast %add3A_406 : i32 to index
      %swap3A_410 = arith.constant 0 : index
      %swap3A_411 = tpu.vector_load %arg8[%swap3A, %swap3A_410] {strides = array<i32>} : memref<128x32xf32, #tpu.memory_space<vmem>>, vector<1x16xf32>,
      %swap3A_412 = vector.shape_cast %swap3A_411 : vector<1x16xf32> to vector<16xf32>
      %swap3A_413 = vector.shape_cast %mul3A_409 : vector<16xf32> to vector<1x16xf32>
      tpu.vector_store %arg8[%swap3A, %swap3A_410], %swap3A_413 {strides = array<i32>} : memref<128x32xf32, #tpu.memory_space<vmem>>, vector<1x16xf32>,
      %mul3A_414 = arith.constant 5.000000e-03 : f32
      %mul3A_415 = vector.broadcast %mul3A_414 : f32 to vector<16xf32>
      %mul3A_416 = arith.mulf %scan3A_401#1, %mul3A_415 : vector<16xf32>
      %swap3A_417 = arith.index_cast %add3A_406 : i32 to index
      %swap3A_418 = arith.constant 16 : index
      %swap3A_419 = tpu.vector_load %arg8[%swap3A_417, %swap3A_418] {strides = array<i32>} : memref<128x32xf32, #tpu.memory_space<vmem>>, vector<1x16xf32>,
      %swap3A_420 = vector.shape_cast %swap3A_419 : vector<1x16xf32> to vector<16xf32>
      %swap3A_421 = vector.shape_cast %mul3A_416 : vector<16xf32> to vector<1x16xf32>
      tpu.vector_store %arg8[%swap3A_417, %swap3A_418], %swap3A_421 {strides = array<i32>} : memref<128x32xf32, #tpu.memory_space<vmem>>, vector<1x16xf32>,
      %broadcast_in_dim3A_422 = arith.constant 0.000000e+00 : f32
      %broadcast_in_dim3A_423 = vector.broadcast %broadcast_in_dim3A_422 : f32 to vector<16xf32>
      %scan3A_424 = arith.constant 0 : i32
      %scan3A_425 = arith.constant 25 : i32
      %scan3A_426 = arith.addi %scan3A_424, %scan3A_425 : i32
      %scan3A_427 = arith.constant 1 : i32
      %scan3A_428:2 = scf.for %scan3A_618 = %scan3A_424 to %scan3A_426 step %scan3A_427 iter_args(%scan3A_619 = %broadcast_in_dim3A_423, %scan3A_620 = %broadcast_in_dim3A_423) -> (vector<16xf32>, vector<16xf32>)  : i32 {
        %mul3A_621 = arith.constant 4 : i32
        %mul3A_622 = arith.muli %scan3A_618, %mul3A_621 : i32
        %add3A_623 = arith.constant 0 : i32
        %add3A_624 = arith.addi %mul3A_622, %add3A_623 : i32
        %get3A = arith.constant 2 : i32
        %get3A_625 = arith.index_cast %get3A : i32 to index
        %get3A_626 = arith.index_cast %add3A_624 : i32 to index
        %get3A_627 = arith.constant 0 : index
        %get3A_628 = tpu.vector_load %arg7[%get3A_625, %get3A_626, %get3A_627] {strides = array<i32>} : memref<16x100x32xf32, #tpu.memory_space<vmem>>, vector<1x1x16xf32>,
        %get3A_629 = vector.shape_cast %get3A_628 : vector<1x1x16xf32> to vector<16xf32>
        %add3A_630 = arith.addf %scan3A_619, %get3A_629 : vector<16xf32>
        %get3A_631 = arith.constant 3 : i32
        %get3A_632 = arith.index_cast %get3A_631 : i32 to index
        %get3A_633 = arith.index_cast %add3A_624 : i32 to index
        %get3A_634 = arith.constant 0 : index
        %get3A_635 = tpu.vector_load %arg7[%get3A_632, %get3A_633, %get3A_634] {strides = array<i32>} : memref<16x100x32xf32, #tpu.memory_space<vmem>>, vector<1x1x16xf32>,
        %get3A_636 = vector.shape_cast %get3A_635 : vector<1x1x16xf32> to vector<16xf32>
        %add3A_637 = arith.addf %add3A_630, %get3A_636 : vector<16xf32>
        %get3A_638 = arith.constant 2 : i32
        %get3A_639 = arith.index_cast %get3A_638 : i32 to index
        %get3A_640 = arith.index_cast %add3A_624 : i32 to index
        %get3A_641 = arith.constant 16 : index
        %get3A_642 = tpu.vector_load %arg7[%get3A_639, %get3A_640, %get3A_641] {strides = array<i32>} : memref<16x100x32xf32, #tpu.memory_space<vmem>>, vector<1x1x16xf32>,
        %get3A_643 = vector.shape_cast %get3A_642 : vector<1x1x16xf32> to vector<16xf32>
        %add3A_644 = arith.addf %scan3A_620, %get3A_643 : vector<16xf32>
        %get3A_645 = arith.constant 3 : i32
        %get3A_646 = arith.index_cast %get3A_645 : i32 to index
        %get3A_647 = arith.index_cast %add3A_624 : i32 to index
        %get3A_648 = arith.constant 16 : index
        %get3A_649 = tpu.vector_load %arg7[%get3A_646, %get3A_647, %get3A_648] {strides = array<i32>} : memref<16x100x32xf32, #tpu.memory_space<vmem>>, vector<1x1x16xf32>,
        %get3A_650 = vector.shape_cast %get3A_649 : vector<1x1x16xf32> to vector<16xf32>
        %add3A_651 = arith.addf %add3A_644, %get3A_650 : vector<16xf32>
        %mul3A_652 = arith.constant 4 : i32
        %mul3A_653 = arith.muli %scan3A_618, %mul3A_652 : i32
        %add3A_654 = arith.constant 1 : i32
        %add3A_655 = arith.addi %mul3A_653, %add3A_654 : i32
        %get3A_656 = arith.constant 2 : i32
        %get3A_657 = arith.index_cast %get3A_656 : i32 to index
        %get3A_658 = arith.index_cast %add3A_655 : i32 to index
        %get3A_659 = arith.constant 0 : index
        %get3A_660 = tpu.vector_load %arg7[%get3A_657, %get3A_658, %get3A_659] {strides = array<i32>} : memref<16x100x32xf32, #tpu.memory_space<vmem>>, vector<1x1x16xf32>,
        %get3A_661 = vector.shape_cast %get3A_660 : vector<1x1x16xf32> to vector<16xf32>
        %add3A_662 = arith.addf %add3A_637, %get3A_661 : vector<16xf32>
        %get3A_663 = arith.constant 3 : i32
        %get3A_664 = arith.index_cast %get3A_663 : i32 to index
        %get3A_665 = arith.index_cast %add3A_655 : i32 to index
        %get3A_666 = arith.constant 0 : index
        %get3A_667 = tpu.vector_load %arg7[%get3A_664, %get3A_665, %get3A_666] {strides = array<i32>} : memref<16x100x32xf32, #tpu.memory_space<vmem>>, vector<1x1x16xf32>,
        %get3A_668 = vector.shape_cast %get3A_667 : vector<1x1x16xf32> to vector<16xf32>
        %add3A_669 = arith.addf %add3A_662, %get3A_668 : vector<16xf32>
        %get3A_670 = arith.constant 2 : i32
        %get3A_671 = arith.index_cast %get3A_670 : i32 to index
        %get3A_672 = arith.index_cast %add3A_655 : i32 to index
        %get3A_673 = arith.constant 16 : index
        %get3A_674 = tpu.vector_load %arg7[%get3A_671, %get3A_672, %get3A_673] {strides = array<i32>} : memref<16x100x32xf32, #tpu.memory_space<vmem>>, vector<1x1x16xf32>,
        %get3A_675 = vector.shape_cast %get3A_674 : vector<1x1x16xf32> to vector<16xf32>
        %add3A_676 = arith.addf %add3A_651, %get3A_675 : vector<16xf32>
        %get3A_677 = arith.constant 3 : i32
        %get3A_678 = arith.index_cast %get3A_677 : i32 to index
        %get3A_679 = arith.index_cast %add3A_655 : i32 to index
        %get3A_680 = arith.constant 16 : index
        %get3A_681 = tpu.vector_load %arg7[%get3A_678, %get3A_679, %get3A_680] {strides = array<i32>} : memref<16x100x32xf32, #tpu.memory_space<vmem>>, vector<1x1x16xf32>,
        %get3A_682 = vector.shape_cast %get3A_681 : vector<1x1x16xf32> to vector<16xf32>
        %add3A_683 = arith.addf %add3A_676, %get3A_682 : vector<16xf32>
        %mul3A_684 = arith.constant 4 : i32
        %mul3A_685 = arith.muli %scan3A_618, %mul3A_684 : i32
        %add3A_686 = arith.constant 2 : i32
        %add3A_687 = arith.addi %mul3A_685, %add3A_686 : i32
        %get3A_688 = arith.constant 2 : i32
        %get3A_689 = arith.index_cast %get3A_688 : i32 to index
        %get3A_690 = arith.index_cast %add3A_687 : i32 to index
        %get3A_691 = arith.constant 0 : index
        %get3A_692 = tpu.vector_load %arg7[%get3A_689, %get3A_690, %get3A_691] {strides = array<i32>} : memref<16x100x32xf32, #tpu.memory_space<vmem>>, vector<1x1x16xf32>,
        %get3A_693 = vector.shape_cast %get3A_692 : vector<1x1x16xf32> to vector<16xf32>
        %add3A_694 = arith.addf %add3A_669, %get3A_693 : vector<16xf32>
        %get3A_695 = arith.constant 3 : i32
        %get3A_696 = arith.index_cast %get3A_695 : i32 to index
        %get3A_697 = arith.index_cast %add3A_687 : i32 to index
        %get3A_698 = arith.constant 0 : index
        %get3A_699 = tpu.vector_load %arg7[%get3A_696, %get3A_697, %get3A_698] {strides = array<i32>} : memref<16x100x32xf32, #tpu.memory_space<vmem>>, vector<1x1x16xf32>,
        %get3A_700 = vector.shape_cast %get3A_699 : vector<1x1x16xf32> to vector<16xf32>
        %add3A_701 = arith.addf %add3A_694, %get3A_700 : vector<16xf32>
        %get3A_702 = arith.constant 2 : i32
        %get3A_703 = arith.index_cast %get3A_702 : i32 to index
        %get3A_704 = arith.index_cast %add3A_687 : i32 to index
        %get3A_705 = arith.constant 16 : index
        %get3A_706 = tpu.vector_load %arg7[%get3A_703, %get3A_704, %get3A_705] {strides = array<i32>} : memref<16x100x32xf32, #tpu.memory_space<vmem>>, vector<1x1x16xf32>,
        %get3A_707 = vector.shape_cast %get3A_706 : vector<1x1x16xf32> to vector<16xf32>
        %add3A_708 = arith.addf %add3A_683, %get3A_707 : vector<16xf32>
        %get3A_709 = arith.constant 3 : i32
        %get3A_710 = arith.index_cast %get3A_709 : i32 to index
        %get3A_711 = arith.index_cast %add3A_687 : i32 to index
        %get3A_712 = arith.constant 16 : index
        %get3A_713 = tpu.vector_load %arg7[%get3A_710, %get3A_711, %get3A_712] {strides = array<i32>} : memref<16x100x32xf32, #tpu.memory_space<vmem>>, vector<1x1x16xf32>,
        %get3A_714 = vector.shape_cast %get3A_713 : vector<1x1x16xf32> to vector<16xf32>
        %add3A_715 = arith.addf %add3A_708, %get3A_714 : vector<16xf32>
        %mul3A_716 = arith.constant 4 : i32
        %mul3A_717 = arith.muli %scan3A_618, %mul3A_716 : i32
        %add3A_718 = arith.constant 3 : i32
        %add3A_719 = arith.addi %mul3A_717, %add3A_718 : i32
        %get3A_720 = arith.constant 2 : i32
        %get3A_721 = arith.index_cast %get3A_720 : i32 to index
        %get3A_722 = arith.index_cast %add3A_719 : i32 to index
        %get3A_723 = arith.constant 0 : index
        %get3A_724 = tpu.vector_load %arg7[%get3A_721, %get3A_722, %get3A_723] {strides = array<i32>} : memref<16x100x32xf32, #tpu.memory_space<vmem>>, vector<1x1x16xf32>,
        %get3A_725 = vector.shape_cast %get3A_724 : vector<1x1x16xf32> to vector<16xf32>
        %add3A_726 = arith.addf %add3A_701, %get3A_725 : vector<16xf32>
        %get3A_727 = arith.constant 3 : i32
        %get3A_728 = arith.index_cast %get3A_727 : i32 to index
        %get3A_729 = arith.index_cast %add3A_719 : i32 to index
        %get3A_730 = arith.constant 0 : index
        %get3A_731 = tpu.vector_load %arg7[%get3A_728, %get3A_729, %get3A_730] {strides = array<i32>} : memref<16x100x32xf32, #tpu.memory_space<vmem>>, vector<1x1x16xf32>,
        %get3A_732 = vector.shape_cast %get3A_731 : vector<1x1x16xf32> to vector<16xf32>
        %add3A_733 = arith.addf %add3A_726, %get3A_732 : vector<16xf32>
        %get3A_734 = arith.constant 2 : i32
        %get3A_735 = arith.index_cast %get3A_734 : i32 to index
        %get3A_736 = arith.index_cast %add3A_719 : i32 to index
        %get3A_737 = arith.constant 16 : index
        %get3A_738 = tpu.vector_load %arg7[%get3A_735, %get3A_736, %get3A_737] {strides = array<i32>} : memref<16x100x32xf32, #tpu.memory_space<vmem>>, vector<1x1x16xf32>,
        %get3A_739 = vector.shape_cast %get3A_738 : vector<1x1x16xf32> to vector<16xf32>
        %add3A_740 = arith.addf %add3A_715, %get3A_739 : vector<16xf32>
        %get3A_741 = arith.constant 3 : i32
        %get3A_742 = arith.index_cast %get3A_741 : i32 to index
        %get3A_743 = arith.index_cast %add3A_719 : i32 to index
        %get3A_744 = arith.constant 16 : index
        %get3A_745 = tpu.vector_load %arg7[%get3A_742, %get3A_743, %get3A_744] {strides = array<i32>} : memref<16x100x32xf32, #tpu.memory_space<vmem>>, vector<1x1x16xf32>,
        %get3A_746 = vector.shape_cast %get3A_745 : vector<1x1x16xf32> to vector<16xf32>
        %add3A_747 = arith.addf %add3A_740, %get3A_746 : vector<16xf32>
        scf.yield %add3A_733, %add3A_747 : vector<16xf32>, vector<16xf32>
      }
      %scan3A_429 = arith.constant 25 : i32
      %mul3A_430 = arith.constant 8 : i32
      %mul3A_431 = arith.muli %scan3A_10, %mul3A_430 : i32
      %add3A_432 = arith.constant 1 : i32
      %add3A_433 = arith.addi %mul3A_431, %add3A_432 : i32
      %mul3A_434 = arith.constant 5.000000e-03 : f32
      %mul3A_435 = vector.broadcast %mul3A_434 : f32 to vector<16xf32>
      %mul3A_436 = arith.mulf %scan3A_428#0, %mul3A_435 : vector<16xf32>
      %swap3A_437 = arith.index_cast %add3A_433 : i32 to index
      %swap3A_438 = arith.constant 0 : index
      %swap3A_439 = tpu.vector_load %arg8[%swap3A_437, %swap3A_438] {strides = array<i32>} : memref<128x32xf32, #tpu.memory_space<vmem>>, vector<1x16xf32>,
      %swap3A_440 = vector.shape_cast %swap3A_439 : vector<1x16xf32> to vector<16xf32>
      %swap3A_441 = vector.shape_cast %mul3A_436 : vector<16xf32> to vector<1x16xf32>
      tpu.vector_store %arg8[%swap3A_437, %swap3A_438], %swap3A_441 {strides = array<i32>} : memref<128x32xf32, #tpu.memory_space<vmem>>, vector<1x16xf32>,
      %mul3A_442 = arith.constant 5.000000e-03 : f32
      %mul3A_443 = vector.broadcast %mul3A_442 : f32 to vector<16xf32>
      %mul3A_444 = arith.mulf %scan3A_428#1, %mul3A_443 : vector<16xf32>
      %swap3A_445 = arith.index_cast %add3A_433 : i32 to index
      %swap3A_446 = arith.constant 16 : index
      %swap3A_447 = tpu.vector_load %arg8[%swap3A_445, %swap3A_446] {strides = array<i32>} : memref<128x32xf32, #tpu.memory_space<vmem>>, vector<1x16xf32>,
      %swap3A_448 = vector.shape_cast %swap3A_447 : vector<1x16xf32> to vector<16xf32>
      %swap3A_449 = vector.shape_cast %mul3A_444 : vector<16xf32> to vector<1x16xf32>
      tpu.vector_store %arg8[%swap3A_445, %swap3A_446], %swap3A_449 {strides = array<i32>} : memref<128x32xf32, #tpu.memory_space<vmem>>, vector<1x16xf32>,
      %broadcast_in_dim3A_450 = arith.constant 0.000000e+00 : f32
      %broadcast_in_dim3A_451 = vector.broadcast %broadcast_in_dim3A_450 : f32 to vector<16xf32>
      %scan3A_452 = arith.constant 0 : i32
      %scan3A_453 = arith.constant 25 : i32
      %scan3A_454 = arith.addi %scan3A_452, %scan3A_453 : i32
      %scan3A_455 = arith.constant 1 : i32
      %scan3A_456:2 = scf.for %scan3A_618 = %scan3A_452 to %scan3A_454 step %scan3A_455 iter_args(%scan3A_619 = %broadcast_in_dim3A_451, %scan3A_620 = %broadcast_in_dim3A_451) -> (vector<16xf32>, vector<16xf32>)  : i32 {
        %mul3A_621 = arith.constant 4 : i32
        %mul3A_622 = arith.muli %scan3A_618, %mul3A_621 : i32
        %add3A_623 = arith.constant 0 : i32
        %add3A_624 = arith.addi %mul3A_622, %add3A_623 : i32
        %get3A = arith.constant 4 : i32
        %get3A_625 = arith.index_cast %get3A : i32 to index
        %get3A_626 = arith.index_cast %add3A_624 : i32 to index
        %get3A_627 = arith.constant 0 : index
        %get3A_628 = tpu.vector_load %arg7[%get3A_625, %get3A_626, %get3A_627] {strides = array<i32>} : memref<16x100x32xf32, #tpu.memory_space<vmem>>, vector<1x1x16xf32>,
        %get3A_629 = vector.shape_cast %get3A_628 : vector<1x1x16xf32> to vector<16xf32>
        %add3A_630 = arith.addf %scan3A_619, %get3A_629 : vector<16xf32>
        %get3A_631 = arith.constant 5 : i32
        %get3A_632 = arith.index_cast %get3A_631 : i32 to index
        %get3A_633 = arith.index_cast %add3A_624 : i32 to index
        %get3A_634 = arith.constant 0 : index
        %get3A_635 = tpu.vector_load %arg7[%get3A_632, %get3A_633, %get3A_634] {strides = array<i32>} : memref<16x100x32xf32, #tpu.memory_space<vmem>>, vector<1x1x16xf32>,
        %get3A_636 = vector.shape_cast %get3A_635 : vector<1x1x16xf32> to vector<16xf32>
        %add3A_637 = arith.addf %add3A_630, %get3A_636 : vector<16xf32>
        %get3A_638 = arith.constant 4 : i32
        %get3A_639 = arith.index_cast %get3A_638 : i32 to index
        %get3A_640 = arith.index_cast %add3A_624 : i32 to index
        %get3A_641 = arith.constant 16 : index
        %get3A_642 = tpu.vector_load %arg7[%get3A_639, %get3A_640, %get3A_641] {strides = array<i32>} : memref<16x100x32xf32, #tpu.memory_space<vmem>>, vector<1x1x16xf32>,
        %get3A_643 = vector.shape_cast %get3A_642 : vector<1x1x16xf32> to vector<16xf32>
        %add3A_644 = arith.addf %scan3A_620, %get3A_643 : vector<16xf32>
        %get3A_645 = arith.constant 5 : i32
        %get3A_646 = arith.index_cast %get3A_645 : i32 to index
        %get3A_647 = arith.index_cast %add3A_624 : i32 to index
        %get3A_648 = arith.constant 16 : index
        %get3A_649 = tpu.vector_load %arg7[%get3A_646, %get3A_647, %get3A_648] {strides = array<i32>} : memref<16x100x32xf32, #tpu.memory_space<vmem>>, vector<1x1x16xf32>,
        %get3A_650 = vector.shape_cast %get3A_649 : vector<1x1x16xf32> to vector<16xf32>
        %add3A_651 = arith.addf %add3A_644, %get3A_650 : vector<16xf32>
        %mul3A_652 = arith.constant 4 : i32
        %mul3A_653 = arith.muli %scan3A_618, %mul3A_652 : i32
        %add3A_654 = arith.constant 1 : i32
        %add3A_655 = arith.addi %mul3A_653, %add3A_654 : i32
        %get3A_656 = arith.constant 4 : i32
        %get3A_657 = arith.index_cast %get3A_656 : i32 to index
        %get3A_658 = arith.index_cast %add3A_655 : i32 to index
        %get3A_659 = arith.constant 0 : index
        %get3A_660 = tpu.vector_load %arg7[%get3A_657, %get3A_658, %get3A_659] {strides = array<i32>} : memref<16x100x32xf32, #tpu.memory_space<vmem>>, vector<1x1x16xf32>,
        %get3A_661 = vector.shape_cast %get3A_660 : vector<1x1x16xf32> to vector<16xf32>
        %add3A_662 = arith.addf %add3A_637, %get3A_661 : vector<16xf32>
        %get3A_663 = arith.constant 5 : i32
        %get3A_664 = arith.index_cast %get3A_663 : i32 to index
        %get3A_665 = arith.index_cast %add3A_655 : i32 to index
        %get3A_666 = arith.constant 0 : index
        %get3A_667 = tpu.vector_load %arg7[%get3A_664, %get3A_665, %get3A_666] {strides = array<i32>} : memref<16x100x32xf32, #tpu.memory_space<vmem>>, vector<1x1x16xf32>,
        %get3A_668 = vector.shape_cast %get3A_667 : vector<1x1x16xf32> to vector<16xf32>
        %add3A_669 = arith.addf %add3A_662, %get3A_668 : vector<16xf32>
        %get3A_670 = arith.constant 4 : i32
        %get3A_671 = arith.index_cast %get3A_670 : i32 to index
        %get3A_672 = arith.index_cast %add3A_655 : i32 to index
        %get3A_673 = arith.constant 16 : index
        %get3A_674 = tpu.vector_load %arg7[%get3A_671, %get3A_672, %get3A_673] {strides = array<i32>} : memref<16x100x32xf32, #tpu.memory_space<vmem>>, vector<1x1x16xf32>,
        %get3A_675 = vector.shape_cast %get3A_674 : vector<1x1x16xf32> to vector<16xf32>
        %add3A_676 = arith.addf %add3A_651, %get3A_675 : vector<16xf32>
        %get3A_677 = arith.constant 5 : i32
        %get3A_678 = arith.index_cast %get3A_677 : i32 to index
        %get3A_679 = arith.index_cast %add3A_655 : i32 to index
        %get3A_680 = arith.constant 16 : index
        %get3A_681 = tpu.vector_load %arg7[%get3A_678, %get3A_679, %get3A_680] {strides = array<i32>} : memref<16x100x32xf32, #tpu.memory_space<vmem>>, vector<1x1x16xf32>,
        %get3A_682 = vector.shape_cast %get3A_681 : vector<1x1x16xf32> to vector<16xf32>
        %add3A_683 = arith.addf %add3A_676, %get3A_682 : vector<16xf32>
        %mul3A_684 = arith.constant 4 : i32
        %mul3A_685 = arith.muli %scan3A_618, %mul3A_684 : i32
        %add3A_686 = arith.constant 2 : i32
        %add3A_687 = arith.addi %mul3A_685, %add3A_686 : i32
        %get3A_688 = arith.constant 4 : i32
        %get3A_689 = arith.index_cast %get3A_688 : i32 to index
        %get3A_690 = arith.index_cast %add3A_687 : i32 to index
        %get3A_691 = arith.constant 0 : index
        %get3A_692 = tpu.vector_load %arg7[%get3A_689, %get3A_690, %get3A_691] {strides = array<i32>} : memref<16x100x32xf32, #tpu.memory_space<vmem>>, vector<1x1x16xf32>,
        %get3A_693 = vector.shape_cast %get3A_692 : vector<1x1x16xf32> to vector<16xf32>
        %add3A_694 = arith.addf %add3A_669, %get3A_693 : vector<16xf32>
        %get3A_695 = arith.constant 5 : i32
        %get3A_696 = arith.index_cast %get3A_695 : i32 to index
        %get3A_697 = arith.index_cast %add3A_687 : i32 to index
        %get3A_698 = arith.constant 0 : index
        %get3A_699 = tpu.vector_load %arg7[%get3A_696, %get3A_697, %get3A_698] {strides = array<i32>} : memref<16x100x32xf32, #tpu.memory_space<vmem>>, vector<1x1x16xf32>,
        %get3A_700 = vector.shape_cast %get3A_699 : vector<1x1x16xf32> to vector<16xf32>
        %add3A_701 = arith.addf %add3A_694, %get3A_700 : vector<16xf32>
        %get3A_702 = arith.constant 4 : i32
        %get3A_703 = arith.index_cast %get3A_702 : i32 to index
        %get3A_704 = arith.index_cast %add3A_687 : i32 to index
        %get3A_705 = arith.constant 16 : index
        %get3A_706 = tpu.vector_load %arg7[%get3A_703, %get3A_704, %get3A_705] {strides = array<i32>} : memref<16x100x32xf32, #tpu.memory_space<vmem>>, vector<1x1x16xf32>,
        %get3A_707 = vector.shape_cast %get3A_706 : vector<1x1x16xf32> to vector<16xf32>
        %add3A_708 = arith.addf %add3A_683, %get3A_707 : vector<16xf32>
        %get3A_709 = arith.constant 5 : i32
        %get3A_710 = arith.index_cast %get3A_709 : i32 to index
        %get3A_711 = arith.index_cast %add3A_687 : i32 to index
        %get3A_712 = arith.constant 16 : index
        %get3A_713 = tpu.vector_load %arg7[%get3A_710, %get3A_711, %get3A_712] {strides = array<i32>} : memref<16x100x32xf32, #tpu.memory_space<vmem>>, vector<1x1x16xf32>,
        %get3A_714 = vector.shape_cast %get3A_713 : vector<1x1x16xf32> to vector<16xf32>
        %add3A_715 = arith.addf %add3A_708, %get3A_714 : vector<16xf32>
        %mul3A_716 = arith.constant 4 : i32
        %mul3A_717 = arith.muli %scan3A_618, %mul3A_716 : i32
        %add3A_718 = arith.constant 3 : i32
        %add3A_719 = arith.addi %mul3A_717, %add3A_718 : i32
        %get3A_720 = arith.constant 4 : i32
        %get3A_721 = arith.index_cast %get3A_720 : i32 to index
        %get3A_722 = arith.index_cast %add3A_719 : i32 to index
        %get3A_723 = arith.constant 0 : index
        %get3A_724 = tpu.vector_load %arg7[%get3A_721, %get3A_722, %get3A_723] {strides = array<i32>} : memref<16x100x32xf32, #tpu.memory_space<vmem>>, vector<1x1x16xf32>,
        %get3A_725 = vector.shape_cast %get3A_724 : vector<1x1x16xf32> to vector<16xf32>
        %add3A_726 = arith.addf %add3A_701, %get3A_725 : vector<16xf32>
        %get3A_727 = arith.constant 5 : i32
        %get3A_728 = arith.index_cast %get3A_727 : i32 to index
        %get3A_729 = arith.index_cast %add3A_719 : i32 to index
        %get3A_730 = arith.constant 0 : index
        %get3A_731 = tpu.vector_load %arg7[%get3A_728, %get3A_729, %get3A_730] {strides = array<i32>} : memref<16x100x32xf32, #tpu.memory_space<vmem>>, vector<1x1x16xf32>,
        %get3A_732 = vector.shape_cast %get3A_731 : vector<1x1x16xf32> to vector<16xf32>
        %add3A_733 = arith.addf %add3A_726, %get3A_732 : vector<16xf32>
        %get3A_734 = arith.constant 4 : i32
        %get3A_735 = arith.index_cast %get3A_734 : i32 to index
        %get3A_736 = arith.index_cast %add3A_719 : i32 to index
        %get3A_737 = arith.constant 16 : index
        %get3A_738 = tpu.vector_load %arg7[%get3A_735, %get3A_736, %get3A_737] {strides = array<i32>} : memref<16x100x32xf32, #tpu.memory_space<vmem>>, vector<1x1x16xf32>,
        %get3A_739 = vector.shape_cast %get3A_738 : vector<1x1x16xf32> to vector<16xf32>
        %add3A_740 = arith.addf %add3A_715, %get3A_739 : vector<16xf32>
        %get3A_741 = arith.constant 5 : i32
        %get3A_742 = arith.index_cast %get3A_741 : i32 to index
        %get3A_743 = arith.index_cast %add3A_719 : i32 to index
        %get3A_744 = arith.constant 16 : index
        %get3A_745 = tpu.vector_load %arg7[%get3A_742, %get3A_743, %get3A_744] {strides = array<i32>} : memref<16x100x32xf32, #tpu.memory_space<vmem>>, vector<1x1x16xf32>,
        %get3A_746 = vector.shape_cast %get3A_745 : vector<1x1x16xf32> to vector<16xf32>
        %add3A_747 = arith.addf %add3A_740, %get3A_746 : vector<16xf32>
        scf.yield %add3A_733, %add3A_747 : vector<16xf32>, vector<16xf32>
      }
      %scan3A_457 = arith.constant 25 : i32
      %mul3A_458 = arith.constant 8 : i32
      %mul3A_459 = arith.muli %scan3A_10, %mul3A_458 : i32
      %add3A_460 = arith.constant 2 : i32
      %add3A_461 = arith.addi %mul3A_459, %add3A_460 : i32
      %mul3A_462 = arith.constant 5.000000e-03 : f32
      %mul3A_463 = vector.broadcast %mul3A_462 : f32 to vector<16xf32>
      %mul3A_464 = arith.mulf %scan3A_456#0, %mul3A_463 : vector<16xf32>
      %swap3A_465 = arith.index_cast %add3A_461 : i32 to index
      %swap3A_466 = arith.constant 0 : index
      %swap3A_467 = tpu.vector_load %arg8[%swap3A_465, %swap3A_466] {strides = array<i32>} : memref<128x32xf32, #tpu.memory_space<vmem>>, vector<1x16xf32>,
      %swap3A_468 = vector.shape_cast %swap3A_467 : vector<1x16xf32> to vector<16xf32>
      %swap3A_469 = vector.shape_cast %mul3A_464 : vector<16xf32> to vector<1x16xf32>
      tpu.vector_store %arg8[%swap3A_465, %swap3A_466], %swap3A_469 {strides = array<i32>} : memref<128x32xf32, #tpu.memory_space<vmem>>, vector<1x16xf32>,
      %mul3A_470 = arith.constant 5.000000e-03 : f32
      %mul3A_471 = vector.broadcast %mul3A_470 : f32 to vector<16xf32>
      %mul3A_472 = arith.mulf %scan3A_456#1, %mul3A_471 : vector<16xf32>
      %swap3A_473 = arith.index_cast %add3A_461 : i32 to index
      %swap3A_474 = arith.constant 16 : index
      %swap3A_475 = tpu.vector_load %arg8[%swap3A_473, %swap3A_474] {strides = array<i32>} : memref<128x32xf32, #tpu.memory_space<vmem>>, vector<1x16xf32>,
      %swap3A_476 = vector.shape_cast %swap3A_475 : vector<1x16xf32> to vector<16xf32>
      %swap3A_477 = vector.shape_cast %mul3A_472 : vector<16xf32> to vector<1x16xf32>
      tpu.vector_store %arg8[%swap3A_473, %swap3A_474], %swap3A_477 {strides = array<i32>} : memref<128x32xf32, #tpu.memory_space<vmem>>, vector<1x16xf32>,
      %broadcast_in_dim3A_478 = arith.constant 0.000000e+00 : f32
      %broadcast_in_dim3A_479 = vector.broadcast %broadcast_in_dim3A_478 : f32 to vector<16xf32>
      %scan3A_480 = arith.constant 0 : i32
      %scan3A_481 = arith.constant 25 : i32
      %scan3A_482 = arith.addi %scan3A_480, %scan3A_481 : i32
      %scan3A_483 = arith.constant 1 : i32
      %scan3A_484:2 = scf.for %scan3A_618 = %scan3A_480 to %scan3A_482 step %scan3A_483 iter_args(%scan3A_619 = %broadcast_in_dim3A_479, %scan3A_620 = %broadcast_in_dim3A_479) -> (vector<16xf32>, vector<16xf32>)  : i32 {
        %mul3A_621 = arith.constant 4 : i32
        %mul3A_622 = arith.muli %scan3A_618, %mul3A_621 : i32
        %add3A_623 = arith.constant 0 : i32
        %add3A_624 = arith.addi %mul3A_622, %add3A_623 : i32
        %get3A = arith.constant 6 : i32
        %get3A_625 = arith.index_cast %get3A : i32 to index
        %get3A_626 = arith.index_cast %add3A_624 : i32 to index
        %get3A_627 = arith.constant 0 : index
        %get3A_628 = tpu.vector_load %arg7[%get3A_625, %get3A_626, %get3A_627] {strides = array<i32>} : memref<16x100x32xf32, #tpu.memory_space<vmem>>, vector<1x1x16xf32>,
        %get3A_629 = vector.shape_cast %get3A_628 : vector<1x1x16xf32> to vector<16xf32>
        %add3A_630 = arith.addf %scan3A_619, %get3A_629 : vector<16xf32>
        %get3A_631 = arith.constant 7 : i32
        %get3A_632 = arith.index_cast %get3A_631 : i32 to index
        %get3A_633 = arith.index_cast %add3A_624 : i32 to index
        %get3A_634 = arith.constant 0 : index
        %get3A_635 = tpu.vector_load %arg7[%get3A_632, %get3A_633, %get3A_634] {strides = array<i32>} : memref<16x100x32xf32, #tpu.memory_space<vmem>>, vector<1x1x16xf32>,
        %get3A_636 = vector.shape_cast %get3A_635 : vector<1x1x16xf32> to vector<16xf32>
        %add3A_637 = arith.addf %add3A_630, %get3A_636 : vector<16xf32>
        %get3A_638 = arith.constant 6 : i32
        %get3A_639 = arith.index_cast %get3A_638 : i32 to index
        %get3A_640 = arith.index_cast %add3A_624 : i32 to index
        %get3A_641 = arith.constant 16 : index
        %get3A_642 = tpu.vector_load %arg7[%get3A_639, %get3A_640, %get3A_641] {strides = array<i32>} : memref<16x100x32xf32, #tpu.memory_space<vmem>>, vector<1x1x16xf32>,
        %get3A_643 = vector.shape_cast %get3A_642 : vector<1x1x16xf32> to vector<16xf32>
        %add3A_644 = arith.addf %scan3A_620, %get3A_643 : vector<16xf32>
        %get3A_645 = arith.constant 7 : i32
        %get3A_646 = arith.index_cast %get3A_645 : i32 to index
        %get3A_647 = arith.index_cast %add3A_624 : i32 to index
        %get3A_648 = arith.constant 16 : index
        %get3A_649 = tpu.vector_load %arg7[%get3A_646, %get3A_647, %get3A_648] {strides = array<i32>} : memref<16x100x32xf32, #tpu.memory_space<vmem>>, vector<1x1x16xf32>,
        %get3A_650 = vector.shape_cast %get3A_649 : vector<1x1x16xf32> to vector<16xf32>
        %add3A_651 = arith.addf %add3A_644, %get3A_650 : vector<16xf32>
        %mul3A_652 = arith.constant 4 : i32
        %mul3A_653 = arith.muli %scan3A_618, %mul3A_652 : i32
        %add3A_654 = arith.constant 1 : i32
        %add3A_655 = arith.addi %mul3A_653, %add3A_654 : i32
        %get3A_656 = arith.constant 6 : i32
        %get3A_657 = arith.index_cast %get3A_656 : i32 to index
        %get3A_658 = arith.index_cast %add3A_655 : i32 to index
        %get3A_659 = arith.constant 0 : index
        %get3A_660 = tpu.vector_load %arg7[%get3A_657, %get3A_658, %get3A_659] {strides = array<i32>} : memref<16x100x32xf32, #tpu.memory_space<vmem>>, vector<1x1x16xf32>,
        %get3A_661 = vector.shape_cast %get3A_660 : vector<1x1x16xf32> to vector<16xf32>
        %add3A_662 = arith.addf %add3A_637, %get3A_661 : vector<16xf32>
        %get3A_663 = arith.constant 7 : i32
        %get3A_664 = arith.index_cast %get3A_663 : i32 to index
        %get3A_665 = arith.index_cast %add3A_655 : i32 to index
        %get3A_666 = arith.constant 0 : index
        %get3A_667 = tpu.vector_load %arg7[%get3A_664, %get3A_665, %get3A_666] {strides = array<i32>} : memref<16x100x32xf32, #tpu.memory_space<vmem>>, vector<1x1x16xf32>,
        %get3A_668 = vector.shape_cast %get3A_667 : vector<1x1x16xf32> to vector<16xf32>
        %add3A_669 = arith.addf %add3A_662, %get3A_668 : vector<16xf32>
        %get3A_670 = arith.constant 6 : i32
        %get3A_671 = arith.index_cast %get3A_670 : i32 to index
        %get3A_672 = arith.index_cast %add3A_655 : i32 to index
        %get3A_673 = arith.constant 16 : index
        %get3A_674 = tpu.vector_load %arg7[%get3A_671, %get3A_672, %get3A_673] {strides = array<i32>} : memref<16x100x32xf32, #tpu.memory_space<vmem>>, vector<1x1x16xf32>,
        %get3A_675 = vector.shape_cast %get3A_674 : vector<1x1x16xf32> to vector<16xf32>
        %add3A_676 = arith.addf %add3A_651, %get3A_675 : vector<16xf32>
        %get3A_677 = arith.constant 7 : i32
        %get3A_678 = arith.index_cast %get3A_677 : i32 to index
        %get3A_679 = arith.index_cast %add3A_655 : i32 to index
        %get3A_680 = arith.constant 16 : index
        %get3A_681 = tpu.vector_load %arg7[%get3A_678, %get3A_679, %get3A_680] {strides = array<i32>} : memref<16x100x32xf32, #tpu.memory_space<vmem>>, vector<1x1x16xf32>,
        %get3A_682 = vector.shape_cast %get3A_681 : vector<1x1x16xf32> to vector<16xf32>
        %add3A_683 = arith.addf %add3A_676, %get3A_682 : vector<16xf32>
        %mul3A_684 = arith.constant 4 : i32
        %mul3A_685 = arith.muli %scan3A_618, %mul3A_684 : i32
        %add3A_686 = arith.constant 2 : i32
        %add3A_687 = arith.addi %mul3A_685, %add3A_686 : i32
        %get3A_688 = arith.constant 6 : i32
        %get3A_689 = arith.index_cast %get3A_688 : i32 to index
        %get3A_690 = arith.index_cast %add3A_687 : i32 to index
        %get3A_691 = arith.constant 0 : index
        %get3A_692 = tpu.vector_load %arg7[%get3A_689, %get3A_690, %get3A_691] {strides = array<i32>} : memref<16x100x32xf32, #tpu.memory_space<vmem>>, vector<1x1x16xf32>,
        %get3A_693 = vector.shape_cast %get3A_692 : vector<1x1x16xf32> to vector<16xf32>
        %add3A_694 = arith.addf %add3A_669, %get3A_693 : vector<16xf32>
        %get3A_695 = arith.constant 7 : i32
        %get3A_696 = arith.index_cast %get3A_695 : i32 to index
        %get3A_697 = arith.index_cast %add3A_687 : i32 to index
        %get3A_698 = arith.constant 0 : index
        %get3A_699 = tpu.vector_load %arg7[%get3A_696, %get3A_697, %get3A_698] {strides = array<i32>} : memref<16x100x32xf32, #tpu.memory_space<vmem>>, vector<1x1x16xf32>,
        %get3A_700 = vector.shape_cast %get3A_699 : vector<1x1x16xf32> to vector<16xf32>
        %add3A_701 = arith.addf %add3A_694, %get3A_700 : vector<16xf32>
        %get3A_702 = arith.constant 6 : i32
        %get3A_703 = arith.index_cast %get3A_702 : i32 to index
        %get3A_704 = arith.index_cast %add3A_687 : i32 to index
        %get3A_705 = arith.constant 16 : index
        %get3A_706 = tpu.vector_load %arg7[%get3A_703, %get3A_704, %get3A_705] {strides = array<i32>} : memref<16x100x32xf32, #tpu.memory_space<vmem>>, vector<1x1x16xf32>,
        %get3A_707 = vector.shape_cast %get3A_706 : vector<1x1x16xf32> to vector<16xf32>
        %add3A_708 = arith.addf %add3A_683, %get3A_707 : vector<16xf32>
        %get3A_709 = arith.constant 7 : i32
        %get3A_710 = arith.index_cast %get3A_709 : i32 to index
        %get3A_711 = arith.index_cast %add3A_687 : i32 to index
        %get3A_712 = arith.constant 16 : index
        %get3A_713 = tpu.vector_load %arg7[%get3A_710, %get3A_711, %get3A_712] {strides = array<i32>} : memref<16x100x32xf32, #tpu.memory_space<vmem>>, vector<1x1x16xf32>,
        %get3A_714 = vector.shape_cast %get3A_713 : vector<1x1x16xf32> to vector<16xf32>
        %add3A_715 = arith.addf %add3A_708, %get3A_714 : vector<16xf32>
        %mul3A_716 = arith.constant 4 : i32
        %mul3A_717 = arith.muli %scan3A_618, %mul3A_716 : i32
        %add3A_718 = arith.constant 3 : i32
        %add3A_719 = arith.addi %mul3A_717, %add3A_718 : i32
        %get3A_720 = arith.constant 6 : i32
        %get3A_721 = arith.index_cast %get3A_720 : i32 to index
        %get3A_722 = arith.index_cast %add3A_719 : i32 to index
        %get3A_723 = arith.constant 0 : index
        %get3A_724 = tpu.vector_load %arg7[%get3A_721, %get3A_722, %get3A_723] {strides = array<i32>} : memref<16x100x32xf32, #tpu.memory_space<vmem>>, vector<1x1x16xf32>,
        %get3A_725 = vector.shape_cast %get3A_724 : vector<1x1x16xf32> to vector<16xf32>
        %add3A_726 = arith.addf %add3A_701, %get3A_725 : vector<16xf32>
        %get3A_727 = arith.constant 7 : i32
        %get3A_728 = arith.index_cast %get3A_727 : i32 to index
        %get3A_729 = arith.index_cast %add3A_719 : i32 to index
        %get3A_730 = arith.constant 0 : index
        %get3A_731 = tpu.vector_load %arg7[%get3A_728, %get3A_729, %get3A_730] {strides = array<i32>} : memref<16x100x32xf32, #tpu.memory_space<vmem>>, vector<1x1x16xf32>,
        %get3A_732 = vector.shape_cast %get3A_731 : vector<1x1x16xf32> to vector<16xf32>
        %add3A_733 = arith.addf %add3A_726, %get3A_732 : vector<16xf32>
        %get3A_734 = arith.constant 6 : i32
        %get3A_735 = arith.index_cast %get3A_734 : i32 to index
        %get3A_736 = arith.index_cast %add3A_719 : i32 to index
        %get3A_737 = arith.constant 16 : index
        %get3A_738 = tpu.vector_load %arg7[%get3A_735, %get3A_736, %get3A_737] {strides = array<i32>} : memref<16x100x32xf32, #tpu.memory_space<vmem>>, vector<1x1x16xf32>,
        %get3A_739 = vector.shape_cast %get3A_738 : vector<1x1x16xf32> to vector<16xf32>
        %add3A_740 = arith.addf %add3A_715, %get3A_739 : vector<16xf32>
        %get3A_741 = arith.constant 7 : i32
        %get3A_742 = arith.index_cast %get3A_741 : i32 to index
        %get3A_743 = arith.index_cast %add3A_719 : i32 to index
        %get3A_744 = arith.constant 16 : index
        %get3A_745 = tpu.vector_load %arg7[%get3A_742, %get3A_743, %get3A_744] {strides = array<i32>} : memref<16x100x32xf32, #tpu.memory_space<vmem>>, vector<1x1x16xf32>,
        %get3A_746 = vector.shape_cast %get3A_745 : vector<1x1x16xf32> to vector<16xf32>
        %add3A_747 = arith.addf %add3A_740, %get3A_746 : vector<16xf32>
        scf.yield %add3A_733, %add3A_747 : vector<16xf32>, vector<16xf32>
      }
      %scan3A_485 = arith.constant 25 : i32
      %mul3A_486 = arith.constant 8 : i32
      %mul3A_487 = arith.muli %scan3A_10, %mul3A_486 : i32
      %add3A_488 = arith.constant 3 : i32
      %add3A_489 = arith.addi %mul3A_487, %add3A_488 : i32
      %mul3A_490 = arith.constant 5.000000e-03 : f32
      %mul3A_491 = vector.broadcast %mul3A_490 : f32 to vector<16xf32>
      %mul3A_492 = arith.mulf %scan3A_484#0, %mul3A_491 : vector<16xf32>
      %swap3A_493 = arith.index_cast %add3A_489 : i32 to index
      %swap3A_494 = arith.constant 0 : index
      %swap3A_495 = tpu.vector_load %arg8[%swap3A_493, %swap3A_494] {strides = array<i32>} : memref<128x32xf32, #tpu.memory_space<vmem>>, vector<1x16xf32>,
      %swap3A_496 = vector.shape_cast %swap3A_495 : vector<1x16xf32> to vector<16xf32>
      %swap3A_497 = vector.shape_cast %mul3A_492 : vector<16xf32> to vector<1x16xf32>
      tpu.vector_store %arg8[%swap3A_493, %swap3A_494], %swap3A_497 {strides = array<i32>} : memref<128x32xf32, #tpu.memory_space<vmem>>, vector<1x16xf32>,
      %mul3A_498 = arith.constant 5.000000e-03 : f32
      %mul3A_499 = vector.broadcast %mul3A_498 : f32 to vector<16xf32>
      %mul3A_500 = arith.mulf %scan3A_484#1, %mul3A_499 : vector<16xf32>
      %swap3A_501 = arith.index_cast %add3A_489 : i32 to index
      %swap3A_502 = arith.constant 16 : index
      %swap3A_503 = tpu.vector_load %arg8[%swap3A_501, %swap3A_502] {strides = array<i32>} : memref<128x32xf32, #tpu.memory_space<vmem>>, vector<1x16xf32>,
      %swap3A_504 = vector.shape_cast %swap3A_503 : vector<1x16xf32> to vector<16xf32>
      %swap3A_505 = vector.shape_cast %mul3A_500 : vector<16xf32> to vector<1x16xf32>
      tpu.vector_store %arg8[%swap3A_501, %swap3A_502], %swap3A_505 {strides = array<i32>} : memref<128x32xf32, #tpu.memory_space<vmem>>, vector<1x16xf32>,
      %broadcast_in_dim3A_506 = arith.constant 0.000000e+00 : f32
      %broadcast_in_dim3A_507 = vector.broadcast %broadcast_in_dim3A_506 : f32 to vector<16xf32>
      %scan3A_508 = arith.constant 0 : i32
      %scan3A_509 = arith.constant 25 : i32
      %scan3A_510 = arith.addi %scan3A_508, %scan3A_509 : i32
      %scan3A_511 = arith.constant 1 : i32
      %scan3A_512:2 = scf.for %scan3A_618 = %scan3A_508 to %scan3A_510 step %scan3A_511 iter_args(%scan3A_619 = %broadcast_in_dim3A_507, %scan3A_620 = %broadcast_in_dim3A_507) -> (vector<16xf32>, vector<16xf32>)  : i32 {
        %mul3A_621 = arith.constant 4 : i32
        %mul3A_622 = arith.muli %scan3A_618, %mul3A_621 : i32
        %add3A_623 = arith.constant 0 : i32
        %add3A_624 = arith.addi %mul3A_622, %add3A_623 : i32
        %get3A = arith.constant 8 : i32
        %get3A_625 = arith.index_cast %get3A : i32 to index
        %get3A_626 = arith.index_cast %add3A_624 : i32 to index
        %get3A_627 = arith.constant 0 : index
        %get3A_628 = tpu.vector_load %arg7[%get3A_625, %get3A_626, %get3A_627] {strides = array<i32>} : memref<16x100x32xf32, #tpu.memory_space<vmem>>, vector<1x1x16xf32>,
        %get3A_629 = vector.shape_cast %get3A_628 : vector<1x1x16xf32> to vector<16xf32>
        %add3A_630 = arith.addf %scan3A_619, %get3A_629 : vector<16xf32>
        %get3A_631 = arith.constant 9 : i32
        %get3A_632 = arith.index_cast %get3A_631 : i32 to index
        %get3A_633 = arith.index_cast %add3A_624 : i32 to index
        %get3A_634 = arith.constant 0 : index
        %get3A_635 = tpu.vector_load %arg7[%get3A_632, %get3A_633, %get3A_634] {strides = array<i32>} : memref<16x100x32xf32, #tpu.memory_space<vmem>>, vector<1x1x16xf32>,
        %get3A_636 = vector.shape_cast %get3A_635 : vector<1x1x16xf32> to vector<16xf32>
        %add3A_637 = arith.addf %add3A_630, %get3A_636 : vector<16xf32>
        %get3A_638 = arith.constant 8 : i32
        %get3A_639 = arith.index_cast %get3A_638 : i32 to index
        %get3A_640 = arith.index_cast %add3A_624 : i32 to index
        %get3A_641 = arith.constant 16 : index
        %get3A_642 = tpu.vector_load %arg7[%get3A_639, %get3A_640, %get3A_641] {strides = array<i32>} : memref<16x100x32xf32, #tpu.memory_space<vmem>>, vector<1x1x16xf32>,
        %get3A_643 = vector.shape_cast %get3A_642 : vector<1x1x16xf32> to vector<16xf32>
        %add3A_644 = arith.addf %scan3A_620, %get3A_643 : vector<16xf32>
        %get3A_645 = arith.constant 9 : i32
        %get3A_646 = arith.index_cast %get3A_645 : i32 to index
        %get3A_647 = arith.index_cast %add3A_624 : i32 to index
        %get3A_648 = arith.constant 16 : index
        %get3A_649 = tpu.vector_load %arg7[%get3A_646, %get3A_647, %get3A_648] {strides = array<i32>} : memref<16x100x32xf32, #tpu.memory_space<vmem>>, vector<1x1x16xf32>,
        %get3A_650 = vector.shape_cast %get3A_649 : vector<1x1x16xf32> to vector<16xf32>
        %add3A_651 = arith.addf %add3A_644, %get3A_650 : vector<16xf32>
        %mul3A_652 = arith.constant 4 : i32
        %mul3A_653 = arith.muli %scan3A_618, %mul3A_652 : i32
        %add3A_654 = arith.constant 1 : i32
        %add3A_655 = arith.addi %mul3A_653, %add3A_654 : i32
        %get3A_656 = arith.constant 8 : i32
        %get3A_657 = arith.index_cast %get3A_656 : i32 to index
        %get3A_658 = arith.index_cast %add3A_655 : i32 to index
        %get3A_659 = arith.constant 0 : index
        %get3A_660 = tpu.vector_load %arg7[%get3A_657, %get3A_658, %get3A_659] {strides = array<i32>} : memref<16x100x32xf32, #tpu.memory_space<vmem>>, vector<1x1x16xf32>,
        %get3A_661 = vector.shape_cast %get3A_660 : vector<1x1x16xf32> to vector<16xf32>
        %add3A_662 = arith.addf %add3A_637, %get3A_661 : vector<16xf32>
        %get3A_663 = arith.constant 9 : i32
        %get3A_664 = arith.index_cast %get3A_663 : i32 to index
        %get3A_665 = arith.index_cast %add3A_655 : i32 to index
        %get3A_666 = arith.constant 0 : index
        %get3A_667 = tpu.vector_load %arg7[%get3A_664, %get3A_665, %get3A_666] {strides = array<i32>} : memref<16x100x32xf32, #tpu.memory_space<vmem>>, vector<1x1x16xf32>,
        %get3A_668 = vector.shape_cast %get3A_667 : vector<1x1x16xf32> to vector<16xf32>
        %add3A_669 = arith.addf %add3A_662, %get3A_668 : vector<16xf32>
        %get3A_670 = arith.constant 8 : i32
        %get3A_671 = arith.index_cast %get3A_670 : i32 to index
        %get3A_672 = arith.index_cast %add3A_655 : i32 to index
        %get3A_673 = arith.constant 16 : index
        %get3A_674 = tpu.vector_load %arg7[%get3A_671, %get3A_672, %get3A_673] {strides = array<i32>} : memref<16x100x32xf32, #tpu.memory_space<vmem>>, vector<1x1x16xf32>,
        %get3A_675 = vector.shape_cast %get3A_674 : vector<1x1x16xf32> to vector<16xf32>
        %add3A_676 = arith.addf %add3A_651, %get3A_675 : vector<16xf32>
        %get3A_677 = arith.constant 9 : i32
        %get3A_678 = arith.index_cast %get3A_677 : i32 to index
        %get3A_679 = arith.index_cast %add3A_655 : i32 to index
        %get3A_680 = arith.constant 16 : index
        %get3A_681 = tpu.vector_load %arg7[%get3A_678, %get3A_679, %get3A_680] {strides = array<i32>} : memref<16x100x32xf32, #tpu.memory_space<vmem>>, vector<1x1x16xf32>,
        %get3A_682 = vector.shape_cast %get3A_681 : vector<1x1x16xf32> to vector<16xf32>
        %add3A_683 = arith.addf %add3A_676, %get3A_682 : vector<16xf32>
        %mul3A_684 = arith.constant 4 : i32
        %mul3A_685 = arith.muli %scan3A_618, %mul3A_684 : i32
        %add3A_686 = arith.constant 2 : i32
        %add3A_687 = arith.addi %mul3A_685, %add3A_686 : i32
        %get3A_688 = arith.constant 8 : i32
        %get3A_689 = arith.index_cast %get3A_688 : i32 to index
        %get3A_690 = arith.index_cast %add3A_687 : i32 to index
        %get3A_691 = arith.constant 0 : index
        %get3A_692 = tpu.vector_load %arg7[%get3A_689, %get3A_690, %get3A_691] {strides = array<i32>} : memref<16x100x32xf32, #tpu.memory_space<vmem>>, vector<1x1x16xf32>,
        %get3A_693 = vector.shape_cast %get3A_692 : vector<1x1x16xf32> to vector<16xf32>
        %add3A_694 = arith.addf %add3A_669, %get3A_693 : vector<16xf32>
        %get3A_695 = arith.constant 9 : i32
        %get3A_696 = arith.index_cast %get3A_695 : i32 to index
        %get3A_697 = arith.index_cast %add3A_687 : i32 to index
        %get3A_698 = arith.constant 0 : index
        %get3A_699 = tpu.vector_load %arg7[%get3A_696, %get3A_697, %get3A_698] {strides = array<i32>} : memref<16x100x32xf32, #tpu.memory_space<vmem>>, vector<1x1x16xf32>,
        %get3A_700 = vector.shape_cast %get3A_699 : vector<1x1x16xf32> to vector<16xf32>
        %add3A_701 = arith.addf %add3A_694, %get3A_700 : vector<16xf32>
        %get3A_702 = arith.constant 8 : i32
        %get3A_703 = arith.index_cast %get3A_702 : i32 to index
        %get3A_704 = arith.index_cast %add3A_687 : i32 to index
        %get3A_705 = arith.constant 16 : index
        %get3A_706 = tpu.vector_load %arg7[%get3A_703, %get3A_704, %get3A_705] {strides = array<i32>} : memref<16x100x32xf32, #tpu.memory_space<vmem>>, vector<1x1x16xf32>,
        %get3A_707 = vector.shape_cast %get3A_706 : vector<1x1x16xf32> to vector<16xf32>
        %add3A_708 = arith.addf %add3A_683, %get3A_707 : vector<16xf32>
        %get3A_709 = arith.constant 9 : i32
        %get3A_710 = arith.index_cast %get3A_709 : i32 to index
        %get3A_711 = arith.index_cast %add3A_687 : i32 to index
        %get3A_712 = arith.constant 16 : index
        %get3A_713 = tpu.vector_load %arg7[%get3A_710, %get3A_711, %get3A_712] {strides = array<i32>} : memref<16x100x32xf32, #tpu.memory_space<vmem>>, vector<1x1x16xf32>,
        %get3A_714 = vector.shape_cast %get3A_713 : vector<1x1x16xf32> to vector<16xf32>
        %add3A_715 = arith.addf %add3A_708, %get3A_714 : vector<16xf32>
        %mul3A_716 = arith.constant 4 : i32
        %mul3A_717 = arith.muli %scan3A_618, %mul3A_716 : i32
        %add3A_718 = arith.constant 3 : i32
        %add3A_719 = arith.addi %mul3A_717, %add3A_718 : i32
        %get3A_720 = arith.constant 8 : i32
        %get3A_721 = arith.index_cast %get3A_720 : i32 to index
        %get3A_722 = arith.index_cast %add3A_719 : i32 to index
        %get3A_723 = arith.constant 0 : index
        %get3A_724 = tpu.vector_load %arg7[%get3A_721, %get3A_722, %get3A_723] {strides = array<i32>} : memref<16x100x32xf32, #tpu.memory_space<vmem>>, vector<1x1x16xf32>,
        %get3A_725 = vector.shape_cast %get3A_724 : vector<1x1x16xf32> to vector<16xf32>
        %add3A_726 = arith.addf %add3A_701, %get3A_725 : vector<16xf32>
        %get3A_727 = arith.constant 9 : i32
        %get3A_728 = arith.index_cast %get3A_727 : i32 to index
        %get3A_729 = arith.index_cast %add3A_719 : i32 to index
        %get3A_730 = arith.constant 0 : index
        %get3A_731 = tpu.vector_load %arg7[%get3A_728, %get3A_729, %get3A_730] {strides = array<i32>} : memref<16x100x32xf32, #tpu.memory_space<vmem>>, vector<1x1x16xf32>,
        %get3A_732 = vector.shape_cast %get3A_731 : vector<1x1x16xf32> to vector<16xf32>
        %add3A_733 = arith.addf %add3A_726, %get3A_732 : vector<16xf32>
        %get3A_734 = arith.constant 8 : i32
        %get3A_735 = arith.index_cast %get3A_734 : i32 to index
        %get3A_736 = arith.index_cast %add3A_719 : i32 to index
        %get3A_737 = arith.constant 16 : index
        %get3A_738 = tpu.vector_load %arg7[%get3A_735, %get3A_736, %get3A_737] {strides = array<i32>} : memref<16x100x32xf32, #tpu.memory_space<vmem>>, vector<1x1x16xf32>,
        %get3A_739 = vector.shape_cast %get3A_738 : vector<1x1x16xf32> to vector<16xf32>
        %add3A_740 = arith.addf %add3A_715, %get3A_739 : vector<16xf32>
        %get3A_741 = arith.constant 9 : i32
        %get3A_742 = arith.index_cast %get3A_741 : i32 to index
        %get3A_743 = arith.index_cast %add3A_719 : i32 to index
        %get3A_744 = arith.constant 16 : index
        %get3A_745 = tpu.vector_load %arg7[%get3A_742, %get3A_743, %get3A_744] {strides = array<i32>} : memref<16x100x32xf32, #tpu.memory_space<vmem>>, vector<1x1x16xf32>,
        %get3A_746 = vector.shape_cast %get3A_745 : vector<1x1x16xf32> to vector<16xf32>
        %add3A_747 = arith.addf %add3A_740, %get3A_746 : vector<16xf32>
        scf.yield %add3A_733, %add3A_747 : vector<16xf32>, vector<16xf32>
      }
      %scan3A_513 = arith.constant 25 : i32
      %mul3A_514 = arith.constant 8 : i32
      %mul3A_515 = arith.muli %scan3A_10, %mul3A_514 : i32
      %add3A_516 = arith.constant 4 : i32
      %add3A_517 = arith.addi %mul3A_515, %add3A_516 : i32
      %mul3A_518 = arith.constant 5.000000e-03 : f32
      %mul3A_519 = vector.broadcast %mul3A_518 : f32 to vector<16xf32>
      %mul3A_520 = arith.mulf %scan3A_512#0, %mul3A_519 : vector<16xf32>
      %swap3A_521 = arith.index_cast %add3A_517 : i32 to index
      %swap3A_522 = arith.constant 0 : index
      %swap3A_523 = tpu.vector_load %arg8[%swap3A_521, %swap3A_522] {strides = array<i32>} : memref<128x32xf32, #tpu.memory_space<vmem>>, vector<1x16xf32>,
      %swap3A_524 = vector.shape_cast %swap3A_523 : vector<1x16xf32> to vector<16xf32>
      %swap3A_525 = vector.shape_cast %mul3A_520 : vector<16xf32> to vector<1x16xf32>
      tpu.vector_store %arg8[%swap3A_521, %swap3A_522], %swap3A_525 {strides = array<i32>} : memref<128x32xf32, #tpu.memory_space<vmem>>, vector<1x16xf32>,
      %mul3A_526 = arith.constant 5.000000e-03 : f32
      %mul3A_527 = vector.broadcast %mul3A_526 : f32 to vector<16xf32>
      %mul3A_528 = arith.mulf %scan3A_512#1, %mul3A_527 : vector<16xf32>
      %swap3A_529 = arith.index_cast %add3A_517 : i32 to index
      %swap3A_530 = arith.constant 16 : index
      %swap3A_531 = tpu.vector_load %arg8[%swap3A_529, %swap3A_530] {strides = array<i32>} : memref<128x32xf32, #tpu.memory_space<vmem>>, vector<1x16xf32>,
      %swap3A_532 = vector.shape_cast %swap3A_531 : vector<1x16xf32> to vector<16xf32>
      %swap3A_533 = vector.shape_cast %mul3A_528 : vector<16xf32> to vector<1x16xf32>
      tpu.vector_store %arg8[%swap3A_529, %swap3A_530], %swap3A_533 {strides = array<i32>} : memref<128x32xf32, #tpu.memory_space<vmem>>, vector<1x16xf32>,
      %broadcast_in_dim3A_534 = arith.constant 0.000000e+00 : f32
      %broadcast_in_dim3A_535 = vector.broadcast %broadcast_in_dim3A_534 : f32 to vector<16xf32>
      %scan3A_536 = arith.constant 0 : i32
      %scan3A_537 = arith.constant 25 : i32
      %scan3A_538 = arith.addi %scan3A_536, %scan3A_537 : i32
      %scan3A_539 = arith.constant 1 : i32
      %scan3A_540:2 = scf.for %scan3A_618 = %scan3A_536 to %scan3A_538 step %scan3A_539 iter_args(%scan3A_619 = %broadcast_in_dim3A_535, %scan3A_620 = %broadcast_in_dim3A_535) -> (vector<16xf32>, vector<16xf32>)  : i32 {
        %mul3A_621 = arith.constant 4 : i32
        %mul3A_622 = arith.muli %scan3A_618, %mul3A_621 : i32
        %add3A_623 = arith.constant 0 : i32
        %add3A_624 = arith.addi %mul3A_622, %add3A_623 : i32
        %get3A = arith.constant 10 : i32
        %get3A_625 = arith.index_cast %get3A : i32 to index
        %get3A_626 = arith.index_cast %add3A_624 : i32 to index
        %get3A_627 = arith.constant 0 : index
        %get3A_628 = tpu.vector_load %arg7[%get3A_625, %get3A_626, %get3A_627] {strides = array<i32>} : memref<16x100x32xf32, #tpu.memory_space<vmem>>, vector<1x1x16xf32>,
        %get3A_629 = vector.shape_cast %get3A_628 : vector<1x1x16xf32> to vector<16xf32>
        %add3A_630 = arith.addf %scan3A_619, %get3A_629 : vector<16xf32>
        %get3A_631 = arith.constant 11 : i32
        %get3A_632 = arith.index_cast %get3A_631 : i32 to index
        %get3A_633 = arith.index_cast %add3A_624 : i32 to index
        %get3A_634 = arith.constant 0 : index
        %get3A_635 = tpu.vector_load %arg7[%get3A_632, %get3A_633, %get3A_634] {strides = array<i32>} : memref<16x100x32xf32, #tpu.memory_space<vmem>>, vector<1x1x16xf32>,
        %get3A_636 = vector.shape_cast %get3A_635 : vector<1x1x16xf32> to vector<16xf32>
        %add3A_637 = arith.addf %add3A_630, %get3A_636 : vector<16xf32>
        %get3A_638 = arith.constant 10 : i32
        %get3A_639 = arith.index_cast %get3A_638 : i32 to index
        %get3A_640 = arith.index_cast %add3A_624 : i32 to index
        %get3A_641 = arith.constant 16 : index
        %get3A_642 = tpu.vector_load %arg7[%get3A_639, %get3A_640, %get3A_641] {strides = array<i32>} : memref<16x100x32xf32, #tpu.memory_space<vmem>>, vector<1x1x16xf32>,
        %get3A_643 = vector.shape_cast %get3A_642 : vector<1x1x16xf32> to vector<16xf32>
        %add3A_644 = arith.addf %scan3A_620, %get3A_643 : vector<16xf32>
        %get3A_645 = arith.constant 11 : i32
        %get3A_646 = arith.index_cast %get3A_645 : i32 to index
        %get3A_647 = arith.index_cast %add3A_624 : i32 to index
        %get3A_648 = arith.constant 16 : index
        %get3A_649 = tpu.vector_load %arg7[%get3A_646, %get3A_647, %get3A_648] {strides = array<i32>} : memref<16x100x32xf32, #tpu.memory_space<vmem>>, vector<1x1x16xf32>,
        %get3A_650 = vector.shape_cast %get3A_649 : vector<1x1x16xf32> to vector<16xf32>
        %add3A_651 = arith.addf %add3A_644, %get3A_650 : vector<16xf32>
        %mul3A_652 = arith.constant 4 : i32
        %mul3A_653 = arith.muli %scan3A_618, %mul3A_652 : i32
        %add3A_654 = arith.constant 1 : i32
        %add3A_655 = arith.addi %mul3A_653, %add3A_654 : i32
        %get3A_656 = arith.constant 10 : i32
        %get3A_657 = arith.index_cast %get3A_656 : i32 to index
        %get3A_658 = arith.index_cast %add3A_655 : i32 to index
        %get3A_659 = arith.constant 0 : index
        %get3A_660 = tpu.vector_load %arg7[%get3A_657, %get3A_658, %get3A_659] {strides = array<i32>} : memref<16x100x32xf32, #tpu.memory_space<vmem>>, vector<1x1x16xf32>,
        %get3A_661 = vector.shape_cast %get3A_660 : vector<1x1x16xf32> to vector<16xf32>
        %add3A_662 = arith.addf %add3A_637, %get3A_661 : vector<16xf32>
        %get3A_663 = arith.constant 11 : i32
        %get3A_664 = arith.index_cast %get3A_663 : i32 to index
        %get3A_665 = arith.index_cast %add3A_655 : i32 to index
        %get3A_666 = arith.constant 0 : index
        %get3A_667 = tpu.vector_load %arg7[%get3A_664, %get3A_665, %get3A_666] {strides = array<i32>} : memref<16x100x32xf32, #tpu.memory_space<vmem>>, vector<1x1x16xf32>,
        %get3A_668 = vector.shape_cast %get3A_667 : vector<1x1x16xf32> to vector<16xf32>
        %add3A_669 = arith.addf %add3A_662, %get3A_668 : vector<16xf32>
        %get3A_670 = arith.constant 10 : i32
        %get3A_671 = arith.index_cast %get3A_670 : i32 to index
        %get3A_672 = arith.index_cast %add3A_655 : i32 to index
        %get3A_673 = arith.constant 16 : index
        %get3A_674 = tpu.vector_load %arg7[%get3A_671, %get3A_672, %get3A_673] {strides = array<i32>} : memref<16x100x32xf32, #tpu.memory_space<vmem>>, vector<1x1x16xf32>,
        %get3A_675 = vector.shape_cast %get3A_674 : vector<1x1x16xf32> to vector<16xf32>
        %add3A_676 = arith.addf %add3A_651, %get3A_675 : vector<16xf32>
        %get3A_677 = arith.constant 11 : i32
        %get3A_678 = arith.index_cast %get3A_677 : i32 to index
        %get3A_679 = arith.index_cast %add3A_655 : i32 to index
        %get3A_680 = arith.constant 16 : index
        %get3A_681 = tpu.vector_load %arg7[%get3A_678, %get3A_679, %get3A_680] {strides = array<i32>} : memref<16x100x32xf32, #tpu.memory_space<vmem>>, vector<1x1x16xf32>,
        %get3A_682 = vector.shape_cast %get3A_681 : vector<1x1x16xf32> to vector<16xf32>
        %add3A_683 = arith.addf %add3A_676, %get3A_682 : vector<16xf32>
        %mul3A_684 = arith.constant 4 : i32
        %mul3A_685 = arith.muli %scan3A_618, %mul3A_684 : i32
        %add3A_686 = arith.constant 2 : i32
        %add3A_687 = arith.addi %mul3A_685, %add3A_686 : i32
        %get3A_688 = arith.constant 10 : i32
        %get3A_689 = arith.index_cast %get3A_688 : i32 to index
        %get3A_690 = arith.index_cast %add3A_687 : i32 to index
        %get3A_691 = arith.constant 0 : index
        %get3A_692 = tpu.vector_load %arg7[%get3A_689, %get3A_690, %get3A_691] {strides = array<i32>} : memref<16x100x32xf32, #tpu.memory_space<vmem>>, vector<1x1x16xf32>,
        %get3A_693 = vector.shape_cast %get3A_692 : vector<1x1x16xf32> to vector<16xf32>
        %add3A_694 = arith.addf %add3A_669, %get3A_693 : vector<16xf32>
        %get3A_695 = arith.constant 11 : i32
        %get3A_696 = arith.index_cast %get3A_695 : i32 to index
        %get3A_697 = arith.index_cast %add3A_687 : i32 to index
        %get3A_698 = arith.constant 0 : index
        %get3A_699 = tpu.vector_load %arg7[%get3A_696, %get3A_697, %get3A_698] {strides = array<i32>} : memref<16x100x32xf32, #tpu.memory_space<vmem>>, vector<1x1x16xf32>,
        %get3A_700 = vector.shape_cast %get3A_699 : vector<1x1x16xf32> to vector<16xf32>
        %add3A_701 = arith.addf %add3A_694, %get3A_700 : vector<16xf32>
        %get3A_702 = arith.constant 10 : i32
        %get3A_703 = arith.index_cast %get3A_702 : i32 to index
        %get3A_704 = arith.index_cast %add3A_687 : i32 to index
        %get3A_705 = arith.constant 16 : index
        %get3A_706 = tpu.vector_load %arg7[%get3A_703, %get3A_704, %get3A_705] {strides = array<i32>} : memref<16x100x32xf32, #tpu.memory_space<vmem>>, vector<1x1x16xf32>,
        %get3A_707 = vector.shape_cast %get3A_706 : vector<1x1x16xf32> to vector<16xf32>
        %add3A_708 = arith.addf %add3A_683, %get3A_707 : vector<16xf32>
        %get3A_709 = arith.constant 11 : i32
        %get3A_710 = arith.index_cast %get3A_709 : i32 to index
        %get3A_711 = arith.index_cast %add3A_687 : i32 to index
        %get3A_712 = arith.constant 16 : index
        %get3A_713 = tpu.vector_load %arg7[%get3A_710, %get3A_711, %get3A_712] {strides = array<i32>} : memref<16x100x32xf32, #tpu.memory_space<vmem>>, vector<1x1x16xf32>,
        %get3A_714 = vector.shape_cast %get3A_713 : vector<1x1x16xf32> to vector<16xf32>
        %add3A_715 = arith.addf %add3A_708, %get3A_714 : vector<16xf32>
        %mul3A_716 = arith.constant 4 : i32
        %mul3A_717 = arith.muli %scan3A_618, %mul3A_716 : i32
        %add3A_718 = arith.constant 3 : i32
        %add3A_719 = arith.addi %mul3A_717, %add3A_718 : i32
        %get3A_720 = arith.constant 10 : i32
        %get3A_721 = arith.index_cast %get3A_720 : i32 to index
        %get3A_722 = arith.index_cast %add3A_719 : i32 to index
        %get3A_723 = arith.constant 0 : index
        %get3A_724 = tpu.vector_load %arg7[%get3A_721, %get3A_722, %get3A_723] {strides = array<i32>} : memref<16x100x32xf32, #tpu.memory_space<vmem>>, vector<1x1x16xf32>,
        %get3A_725 = vector.shape_cast %get3A_724 : vector<1x1x16xf32> to vector<16xf32>
        %add3A_726 = arith.addf %add3A_701, %get3A_725 : vector<16xf32>
        %get3A_727 = arith.constant 11 : i32
        %get3A_728 = arith.index_cast %get3A_727 : i32 to index
        %get3A_729 = arith.index_cast %add3A_719 : i32 to index
        %get3A_730 = arith.constant 0 : index
        %get3A_731 = tpu.vector_load %arg7[%get3A_728, %get3A_729, %get3A_730] {strides = array<i32>} : memref<16x100x32xf32, #tpu.memory_space<vmem>>, vector<1x1x16xf32>,
        %get3A_732 = vector.shape_cast %get3A_731 : vector<1x1x16xf32> to vector<16xf32>
        %add3A_733 = arith.addf %add3A_726, %get3A_732 : vector<16xf32>
        %get3A_734 = arith.constant 10 : i32
        %get3A_735 = arith.index_cast %get3A_734 : i32 to index
        %get3A_736 = arith.index_cast %add3A_719 : i32 to index
        %get3A_737 = arith.constant 16 : index
        %get3A_738 = tpu.vector_load %arg7[%get3A_735, %get3A_736, %get3A_737] {strides = array<i32>} : memref<16x100x32xf32, #tpu.memory_space<vmem>>, vector<1x1x16xf32>,
        %get3A_739 = vector.shape_cast %get3A_738 : vector<1x1x16xf32> to vector<16xf32>
        %add3A_740 = arith.addf %add3A_715, %get3A_739 : vector<16xf32>
        %get3A_741 = arith.constant 11 : i32
        %get3A_742 = arith.index_cast %get3A_741 : i32 to index
        %get3A_743 = arith.index_cast %add3A_719 : i32 to index
        %get3A_744 = arith.constant 16 : index
        %get3A_745 = tpu.vector_load %arg7[%get3A_742, %get3A_743, %get3A_744] {strides = array<i32>} : memref<16x100x32xf32, #tpu.memory_space<vmem>>, vector<1x1x16xf32>,
        %get3A_746 = vector.shape_cast %get3A_745 : vector<1x1x16xf32> to vector<16xf32>
        %add3A_747 = arith.addf %add3A_740, %get3A_746 : vector<16xf32>
        scf.yield %add3A_733, %add3A_747 : vector<16xf32>, vector<16xf32>
      }
      %scan3A_541 = arith.constant 25 : i32
      %mul3A_542 = arith.constant 8 : i32
      %mul3A_543 = arith.muli %scan3A_10, %mul3A_542 : i32
      %add3A_544 = arith.constant 5 : i32
      %add3A_545 = arith.addi %mul3A_543, %add3A_544 : i32
      %mul3A_546 = arith.constant 5.000000e-03 : f32
      %mul3A_547 = vector.broadcast %mul3A_546 : f32 to vector<16xf32>
      %mul3A_548 = arith.mulf %scan3A_540#0, %mul3A_547 : vector<16xf32>
      %swap3A_549 = arith.index_cast %add3A_545 : i32 to index
      %swap3A_550 = arith.constant 0 : index
      %swap3A_551 = tpu.vector_load %arg8[%swap3A_549, %swap3A_550] {strides = array<i32>} : memref<128x32xf32, #tpu.memory_space<vmem>>, vector<1x16xf32>,
      %swap3A_552 = vector.shape_cast %swap3A_551 : vector<1x16xf32> to vector<16xf32>
      %swap3A_553 = vector.shape_cast %mul3A_548 : vector<16xf32> to vector<1x16xf32>
      tpu.vector_store %arg8[%swap3A_549, %swap3A_550], %swap3A_553 {strides = array<i32>} : memref<128x32xf32, #tpu.memory_space<vmem>>, vector<1x16xf32>,
      %mul3A_554 = arith.constant 5.000000e-03 : f32
      %mul3A_555 = vector.broadcast %mul3A_554 : f32 to vector<16xf32>
      %mul3A_556 = arith.mulf %scan3A_540#1, %mul3A_555 : vector<16xf32>
      %swap3A_557 = arith.index_cast %add3A_545 : i32 to index
      %swap3A_558 = arith.constant 16 : index
      %swap3A_559 = tpu.vector_load %arg8[%swap3A_557, %swap3A_558] {strides = array<i32>} : memref<128x32xf32, #tpu.memory_space<vmem>>, vector<1x16xf32>,
      %swap3A_560 = vector.shape_cast %swap3A_559 : vector<1x16xf32> to vector<16xf32>
      %swap3A_561 = vector.shape_cast %mul3A_556 : vector<16xf32> to vector<1x16xf32>
      tpu.vector_store %arg8[%swap3A_557, %swap3A_558], %swap3A_561 {strides = array<i32>} : memref<128x32xf32, #tpu.memory_space<vmem>>, vector<1x16xf32>,
      %broadcast_in_dim3A_562 = arith.constant 0.000000e+00 : f32
      %broadcast_in_dim3A_563 = vector.broadcast %broadcast_in_dim3A_562 : f32 to vector<16xf32>
      %scan3A_564 = arith.constant 0 : i32
      %scan3A_565 = arith.constant 25 : i32
      %scan3A_566 = arith.addi %scan3A_564, %scan3A_565 : i32
      %scan3A_567 = arith.constant 1 : i32
      %scan3A_568:2 = scf.for %scan3A_618 = %scan3A_564 to %scan3A_566 step %scan3A_567 iter_args(%scan3A_619 = %broadcast_in_dim3A_563, %scan3A_620 = %broadcast_in_dim3A_563) -> (vector<16xf32>, vector<16xf32>)  : i32 {
        %mul3A_621 = arith.constant 4 : i32
        %mul3A_622 = arith.muli %scan3A_618, %mul3A_621 : i32
        %add3A_623 = arith.constant 0 : i32
        %add3A_624 = arith.addi %mul3A_622, %add3A_623 : i32
        %get3A = arith.constant 12 : i32
        %get3A_625 = arith.index_cast %get3A : i32 to index
        %get3A_626 = arith.index_cast %add3A_624 : i32 to index
        %get3A_627 = arith.constant 0 : index
        %get3A_628 = tpu.vector_load %arg7[%get3A_625, %get3A_626, %get3A_627] {strides = array<i32>} : memref<16x100x32xf32, #tpu.memory_space<vmem>>, vector<1x1x16xf32>,
        %get3A_629 = vector.shape_cast %get3A_628 : vector<1x1x16xf32> to vector<16xf32>
        %add3A_630 = arith.addf %scan3A_619, %get3A_629 : vector<16xf32>
        %get3A_631 = arith.constant 13 : i32
        %get3A_632 = arith.index_cast %get3A_631 : i32 to index
        %get3A_633 = arith.index_cast %add3A_624 : i32 to index
        %get3A_634 = arith.constant 0 : index
        %get3A_635 = tpu.vector_load %arg7[%get3A_632, %get3A_633, %get3A_634] {strides = array<i32>} : memref<16x100x32xf32, #tpu.memory_space<vmem>>, vector<1x1x16xf32>,
        %get3A_636 = vector.shape_cast %get3A_635 : vector<1x1x16xf32> to vector<16xf32>
        %add3A_637 = arith.addf %add3A_630, %get3A_636 : vector<16xf32>
        %get3A_638 = arith.constant 12 : i32
        %get3A_639 = arith.index_cast %get3A_638 : i32 to index
        %get3A_640 = arith.index_cast %add3A_624 : i32 to index
        %get3A_641 = arith.constant 16 : index
        %get3A_642 = tpu.vector_load %arg7[%get3A_639, %get3A_640, %get3A_641] {strides = array<i32>} : memref<16x100x32xf32, #tpu.memory_space<vmem>>, vector<1x1x16xf32>,
        %get3A_643 = vector.shape_cast %get3A_642 : vector<1x1x16xf32> to vector<16xf32>
        %add3A_644 = arith.addf %scan3A_620, %get3A_643 : vector<16xf32>
        %get3A_645 = arith.constant 13 : i32
        %get3A_646 = arith.index_cast %get3A_645 : i32 to index
        %get3A_647 = arith.index_cast %add3A_624 : i32 to index
        %get3A_648 = arith.constant 16 : index
        %get3A_649 = tpu.vector_load %arg7[%get3A_646, %get3A_647, %get3A_648] {strides = array<i32>} : memref<16x100x32xf32, #tpu.memory_space<vmem>>, vector<1x1x16xf32>,
        %get3A_650 = vector.shape_cast %get3A_649 : vector<1x1x16xf32> to vector<16xf32>
        %add3A_651 = arith.addf %add3A_644, %get3A_650 : vector<16xf32>
        %mul3A_652 = arith.constant 4 : i32
        %mul3A_653 = arith.muli %scan3A_618, %mul3A_652 : i32
        %add3A_654 = arith.constant 1 : i32
        %add3A_655 = arith.addi %mul3A_653, %add3A_654 : i32
        %get3A_656 = arith.constant 12 : i32
        %get3A_657 = arith.index_cast %get3A_656 : i32 to index
        %get3A_658 = arith.index_cast %add3A_655 : i32 to index
        %get3A_659 = arith.constant 0 : index
        %get3A_660 = tpu.vector_load %arg7[%get3A_657, %get3A_658, %get3A_659] {strides = array<i32>} : memref<16x100x32xf32, #tpu.memory_space<vmem>>, vector<1x1x16xf32>,
        %get3A_661 = vector.shape_cast %get3A_660 : vector<1x1x16xf32> to vector<16xf32>
        %add3A_662 = arith.addf %add3A_637, %get3A_661 : vector<16xf32>
        %get3A_663 = arith.constant 13 : i32
        %get3A_664 = arith.index_cast %get3A_663 : i32 to index
        %get3A_665 = arith.index_cast %add3A_655 : i32 to index
        %get3A_666 = arith.constant 0 : index
        %get3A_667 = tpu.vector_load %arg7[%get3A_664, %get3A_665, %get3A_666] {strides = array<i32>} : memref<16x100x32xf32, #tpu.memory_space<vmem>>, vector<1x1x16xf32>,
        %get3A_668 = vector.shape_cast %get3A_667 : vector<1x1x16xf32> to vector<16xf32>
        %add3A_669 = arith.addf %add3A_662, %get3A_668 : vector<16xf32>
        %get3A_670 = arith.constant 12 : i32
        %get3A_671 = arith.index_cast %get3A_670 : i32 to index
        %get3A_672 = arith.index_cast %add3A_655 : i32 to index
        %get3A_673 = arith.constant 16 : index
        %get3A_674 = tpu.vector_load %arg7[%get3A_671, %get3A_672, %get3A_673] {strides = array<i32>} : memref<16x100x32xf32, #tpu.memory_space<vmem>>, vector<1x1x16xf32>,
        %get3A_675 = vector.shape_cast %get3A_674 : vector<1x1x16xf32> to vector<16xf32>
        %add3A_676 = arith.addf %add3A_651, %get3A_675 : vector<16xf32>
        %get3A_677 = arith.constant 13 : i32
        %get3A_678 = arith.index_cast %get3A_677 : i32 to index
        %get3A_679 = arith.index_cast %add3A_655 : i32 to index
        %get3A_680 = arith.constant 16 : index
        %get3A_681 = tpu.vector_load %arg7[%get3A_678, %get3A_679, %get3A_680] {strides = array<i32>} : memref<16x100x32xf32, #tpu.memory_space<vmem>>, vector<1x1x16xf32>,
        %get3A_682 = vector.shape_cast %get3A_681 : vector<1x1x16xf32> to vector<16xf32>
        %add3A_683 = arith.addf %add3A_676, %get3A_682 : vector<16xf32>
        %mul3A_684 = arith.constant 4 : i32
        %mul3A_685 = arith.muli %scan3A_618, %mul3A_684 : i32
        %add3A_686 = arith.constant 2 : i32
        %add3A_687 = arith.addi %mul3A_685, %add3A_686 : i32
        %get3A_688 = arith.constant 12 : i32
        %get3A_689 = arith.index_cast %get3A_688 : i32 to index
        %get3A_690 = arith.index_cast %add3A_687 : i32 to index
        %get3A_691 = arith.constant 0 : index
        %get3A_692 = tpu.vector_load %arg7[%get3A_689, %get3A_690, %get3A_691] {strides = array<i32>} : memref<16x100x32xf32, #tpu.memory_space<vmem>>, vector<1x1x16xf32>,
        %get3A_693 = vector.shape_cast %get3A_692 : vector<1x1x16xf32> to vector<16xf32>
        %add3A_694 = arith.addf %add3A_669, %get3A_693 : vector<16xf32>
        %get3A_695 = arith.constant 13 : i32
        %get3A_696 = arith.index_cast %get3A_695 : i32 to index
        %get3A_697 = arith.index_cast %add3A_687 : i32 to index
        %get3A_698 = arith.constant 0 : index
        %get3A_699 = tpu.vector_load %arg7[%get3A_696, %get3A_697, %get3A_698] {strides = array<i32>} : memref<16x100x32xf32, #tpu.memory_space<vmem>>, vector<1x1x16xf32>,
        %get3A_700 = vector.shape_cast %get3A_699 : vector<1x1x16xf32> to vector<16xf32>
        %add3A_701 = arith.addf %add3A_694, %get3A_700 : vector<16xf32>
        %get3A_702 = arith.constant 12 : i32
        %get3A_703 = arith.index_cast %get3A_702 : i32 to index
        %get3A_704 = arith.index_cast %add3A_687 : i32 to index
        %get3A_705 = arith.constant 16 : index
        %get3A_706 = tpu.vector_load %arg7[%get3A_703, %get3A_704, %get3A_705] {strides = array<i32>} : memref<16x100x32xf32, #tpu.memory_space<vmem>>, vector<1x1x16xf32>,
        %get3A_707 = vector.shape_cast %get3A_706 : vector<1x1x16xf32> to vector<16xf32>
        %add3A_708 = arith.addf %add3A_683, %get3A_707 : vector<16xf32>
        %get3A_709 = arith.constant 13 : i32
        %get3A_710 = arith.index_cast %get3A_709 : i32 to index
        %get3A_711 = arith.index_cast %add3A_687 : i32 to index
        %get3A_712 = arith.constant 16 : index
        %get3A_713 = tpu.vector_load %arg7[%get3A_710, %get3A_711, %get3A_712] {strides = array<i32>} : memref<16x100x32xf32, #tpu.memory_space<vmem>>, vector<1x1x16xf32>,
        %get3A_714 = vector.shape_cast %get3A_713 : vector<1x1x16xf32> to vector<16xf32>
        %add3A_715 = arith.addf %add3A_708, %get3A_714 : vector<16xf32>
        %mul3A_716 = arith.constant 4 : i32
        %mul3A_717 = arith.muli %scan3A_618, %mul3A_716 : i32
        %add3A_718 = arith.constant 3 : i32
        %add3A_719 = arith.addi %mul3A_717, %add3A_718 : i32
        %get3A_720 = arith.constant 12 : i32
        %get3A_721 = arith.index_cast %get3A_720 : i32 to index
        %get3A_722 = arith.index_cast %add3A_719 : i32 to index
        %get3A_723 = arith.constant 0 : index
        %get3A_724 = tpu.vector_load %arg7[%get3A_721, %get3A_722, %get3A_723] {strides = array<i32>} : memref<16x100x32xf32, #tpu.memory_space<vmem>>, vector<1x1x16xf32>,
        %get3A_725 = vector.shape_cast %get3A_724 : vector<1x1x16xf32> to vector<16xf32>
        %add3A_726 = arith.addf %add3A_701, %get3A_725 : vector<16xf32>
        %get3A_727 = arith.constant 13 : i32
        %get3A_728 = arith.index_cast %get3A_727 : i32 to index
        %get3A_729 = arith.index_cast %add3A_719 : i32 to index
        %get3A_730 = arith.constant 0 : index
        %get3A_731 = tpu.vector_load %arg7[%get3A_728, %get3A_729, %get3A_730] {strides = array<i32>} : memref<16x100x32xf32, #tpu.memory_space<vmem>>, vector<1x1x16xf32>,
        %get3A_732 = vector.shape_cast %get3A_731 : vector<1x1x16xf32> to vector<16xf32>
        %add3A_733 = arith.addf %add3A_726, %get3A_732 : vector<16xf32>
        %get3A_734 = arith.constant 12 : i32
        %get3A_735 = arith.index_cast %get3A_734 : i32 to index
        %get3A_736 = arith.index_cast %add3A_719 : i32 to index
        %get3A_737 = arith.constant 16 : index
        %get3A_738 = tpu.vector_load %arg7[%get3A_735, %get3A_736, %get3A_737] {strides = array<i32>} : memref<16x100x32xf32, #tpu.memory_space<vmem>>, vector<1x1x16xf32>,
        %get3A_739 = vector.shape_cast %get3A_738 : vector<1x1x16xf32> to vector<16xf32>
        %add3A_740 = arith.addf %add3A_715, %get3A_739 : vector<16xf32>
        %get3A_741 = arith.constant 13 : i32
        %get3A_742 = arith.index_cast %get3A_741 : i32 to index
        %get3A_743 = arith.index_cast %add3A_719 : i32 to index
        %get3A_744 = arith.constant 16 : index
        %get3A_745 = tpu.vector_load %arg7[%get3A_742, %get3A_743, %get3A_744] {strides = array<i32>} : memref<16x100x32xf32, #tpu.memory_space<vmem>>, vector<1x1x16xf32>,
        %get3A_746 = vector.shape_cast %get3A_745 : vector<1x1x16xf32> to vector<16xf32>
        %add3A_747 = arith.addf %add3A_740, %get3A_746 : vector<16xf32>
        scf.yield %add3A_733, %add3A_747 : vector<16xf32>, vector<16xf32>
      }
      %scan3A_569 = arith.constant 25 : i32
      %mul3A_570 = arith.constant 8 : i32
      %mul3A_571 = arith.muli %scan3A_10, %mul3A_570 : i32
      %add3A_572 = arith.constant 6 : i32
      %add3A_573 = arith.addi %mul3A_571, %add3A_572 : i32
      %mul3A_574 = arith.constant 5.000000e-03 : f32
      %mul3A_575 = vector.broadcast %mul3A_574 : f32 to vector<16xf32>
      %mul3A_576 = arith.mulf %scan3A_568#0, %mul3A_575 : vector<16xf32>
      %swap3A_577 = arith.index_cast %add3A_573 : i32 to index
      %swap3A_578 = arith.constant 0 : index
      %swap3A_579 = tpu.vector_load %arg8[%swap3A_577, %swap3A_578] {strides = array<i32>} : memref<128x32xf32, #tpu.memory_space<vmem>>, vector<1x16xf32>,
      %swap3A_580 = vector.shape_cast %swap3A_579 : vector<1x16xf32> to vector<16xf32>
      %swap3A_581 = vector.shape_cast %mul3A_576 : vector<16xf32> to vector<1x16xf32>
      tpu.vector_store %arg8[%swap3A_577, %swap3A_578], %swap3A_581 {strides = array<i32>} : memref<128x32xf32, #tpu.memory_space<vmem>>, vector<1x16xf32>,
      %mul3A_582 = arith.constant 5.000000e-03 : f32
      %mul3A_583 = vector.broadcast %mul3A_582 : f32 to vector<16xf32>
      %mul3A_584 = arith.mulf %scan3A_568#1, %mul3A_583 : vector<16xf32>
      %swap3A_585 = arith.index_cast %add3A_573 : i32 to index
      %swap3A_586 = arith.constant 16 : index
      %swap3A_587 = tpu.vector_load %arg8[%swap3A_585, %swap3A_586] {strides = array<i32>} : memref<128x32xf32, #tpu.memory_space<vmem>>, vector<1x16xf32>,
      %swap3A_588 = vector.shape_cast %swap3A_587 : vector<1x16xf32> to vector<16xf32>
      %swap3A_589 = vector.shape_cast %mul3A_584 : vector<16xf32> to vector<1x16xf32>
      tpu.vector_store %arg8[%swap3A_585, %swap3A_586], %swap3A_589 {strides = array<i32>} : memref<128x32xf32, #tpu.memory_space<vmem>>, vector<1x16xf32>,
      %broadcast_in_dim3A_590 = arith.constant 0.000000e+00 : f32
      %broadcast_in_dim3A_591 = vector.broadcast %broadcast_in_dim3A_590 : f32 to vector<16xf32>
      %scan3A_592 = arith.constant 0 : i32
      %scan3A_593 = arith.constant 25 : i32
      %scan3A_594 = arith.addi %scan3A_592, %scan3A_593 : i32
      %scan3A_595 = arith.constant 1 : i32
      %scan3A_596:2 = scf.for %scan3A_618 = %scan3A_592 to %scan3A_594 step %scan3A_595 iter_args(%scan3A_619 = %broadcast_in_dim3A_591, %scan3A_620 = %broadcast_in_dim3A_591) -> (vector<16xf32>, vector<16xf32>)  : i32 {
        %mul3A_621 = arith.constant 4 : i32
        %mul3A_622 = arith.muli %scan3A_618, %mul3A_621 : i32
        %add3A_623 = arith.constant 0 : i32
        %add3A_624 = arith.addi %mul3A_622, %add3A_623 : i32
        %get3A = arith.constant 14 : i32
        %get3A_625 = arith.index_cast %get3A : i32 to index
        %get3A_626 = arith.index_cast %add3A_624 : i32 to index
        %get3A_627 = arith.constant 0 : index
        %get3A_628 = tpu.vector_load %arg7[%get3A_625, %get3A_626, %get3A_627] {strides = array<i32>} : memref<16x100x32xf32, #tpu.memory_space<vmem>>, vector<1x1x16xf32>,
        %get3A_629 = vector.shape_cast %get3A_628 : vector<1x1x16xf32> to vector<16xf32>
        %add3A_630 = arith.addf %scan3A_619, %get3A_629 : vector<16xf32>
        %get3A_631 = arith.constant 15 : i32
        %get3A_632 = arith.index_cast %get3A_631 : i32 to index
        %get3A_633 = arith.index_cast %add3A_624 : i32 to index
        %get3A_634 = arith.constant 0 : index
        %get3A_635 = tpu.vector_load %arg7[%get3A_632, %get3A_633, %get3A_634] {strides = array<i32>} : memref<16x100x32xf32, #tpu.memory_space<vmem>>, vector<1x1x16xf32>,
        %get3A_636 = vector.shape_cast %get3A_635 : vector<1x1x16xf32> to vector<16xf32>
        %add3A_637 = arith.addf %add3A_630, %get3A_636 : vector<16xf32>
        %get3A_638 = arith.constant 14 : i32
        %get3A_639 = arith.index_cast %get3A_638 : i32 to index
        %get3A_640 = arith.index_cast %add3A_624 : i32 to index
        %get3A_641 = arith.constant 16 : index
        %get3A_642 = tpu.vector_load %arg7[%get3A_639, %get3A_640, %get3A_641] {strides = array<i32>} : memref<16x100x32xf32, #tpu.memory_space<vmem>>, vector<1x1x16xf32>,
        %get3A_643 = vector.shape_cast %get3A_642 : vector<1x1x16xf32> to vector<16xf32>
        %add3A_644 = arith.addf %scan3A_620, %get3A_643 : vector<16xf32>
        %get3A_645 = arith.constant 15 : i32
        %get3A_646 = arith.index_cast %get3A_645 : i32 to index
        %get3A_647 = arith.index_cast %add3A_624 : i32 to index
        %get3A_648 = arith.constant 16 : index
        %get3A_649 = tpu.vector_load %arg7[%get3A_646, %get3A_647, %get3A_648] {strides = array<i32>} : memref<16x100x32xf32, #tpu.memory_space<vmem>>, vector<1x1x16xf32>,
        %get3A_650 = vector.shape_cast %get3A_649 : vector<1x1x16xf32> to vector<16xf32>
        %add3A_651 = arith.addf %add3A_644, %get3A_650 : vector<16xf32>
        %mul3A_652 = arith.constant 4 : i32
        %mul3A_653 = arith.muli %scan3A_618, %mul3A_652 : i32
        %add3A_654 = arith.constant 1 : i32
        %add3A_655 = arith.addi %mul3A_653, %add3A_654 : i32
        %get3A_656 = arith.constant 14 : i32
        %get3A_657 = arith.index_cast %get3A_656 : i32 to index
        %get3A_658 = arith.index_cast %add3A_655 : i32 to index
        %get3A_659 = arith.constant 0 : index
        %get3A_660 = tpu.vector_load %arg7[%get3A_657, %get3A_658, %get3A_659] {strides = array<i32>} : memref<16x100x32xf32, #tpu.memory_space<vmem>>, vector<1x1x16xf32>,
        %get3A_661 = vector.shape_cast %get3A_660 : vector<1x1x16xf32> to vector<16xf32>
        %add3A_662 = arith.addf %add3A_637, %get3A_661 : vector<16xf32>
        %get3A_663 = arith.constant 15 : i32
        %get3A_664 = arith.index_cast %get3A_663 : i32 to index
        %get3A_665 = arith.index_cast %add3A_655 : i32 to index
        %get3A_666 = arith.constant 0 : index
        %get3A_667 = tpu.vector_load %arg7[%get3A_664, %get3A_665, %get3A_666] {strides = array<i32>} : memref<16x100x32xf32, #tpu.memory_space<vmem>>, vector<1x1x16xf32>,
        %get3A_668 = vector.shape_cast %get3A_667 : vector<1x1x16xf32> to vector<16xf32>
        %add3A_669 = arith.addf %add3A_662, %get3A_668 : vector<16xf32>
        %get3A_670 = arith.constant 14 : i32
        %get3A_671 = arith.index_cast %get3A_670 : i32 to index
        %get3A_672 = arith.index_cast %add3A_655 : i32 to index
        %get3A_673 = arith.constant 16 : index
        %get3A_674 = tpu.vector_load %arg7[%get3A_671, %get3A_672, %get3A_673] {strides = array<i32>} : memref<16x100x32xf32, #tpu.memory_space<vmem>>, vector<1x1x16xf32>,
        %get3A_675 = vector.shape_cast %get3A_674 : vector<1x1x16xf32> to vector<16xf32>
        %add3A_676 = arith.addf %add3A_651, %get3A_675 : vector<16xf32>
        %get3A_677 = arith.constant 15 : i32
        %get3A_678 = arith.index_cast %get3A_677 : i32 to index
        %get3A_679 = arith.index_cast %add3A_655 : i32 to index
        %get3A_680 = arith.constant 16 : index
        %get3A_681 = tpu.vector_load %arg7[%get3A_678, %get3A_679, %get3A_680] {strides = array<i32>} : memref<16x100x32xf32, #tpu.memory_space<vmem>>, vector<1x1x16xf32>,
        %get3A_682 = vector.shape_cast %get3A_681 : vector<1x1x16xf32> to vector<16xf32>
        %add3A_683 = arith.addf %add3A_676, %get3A_682 : vector<16xf32>
        %mul3A_684 = arith.constant 4 : i32
        %mul3A_685 = arith.muli %scan3A_618, %mul3A_684 : i32
        %add3A_686 = arith.constant 2 : i32
        %add3A_687 = arith.addi %mul3A_685, %add3A_686 : i32
        %get3A_688 = arith.constant 14 : i32
        %get3A_689 = arith.index_cast %get3A_688 : i32 to index
        %get3A_690 = arith.index_cast %add3A_687 : i32 to index
        %get3A_691 = arith.constant 0 : index
        %get3A_692 = tpu.vector_load %arg7[%get3A_689, %get3A_690, %get3A_691] {strides = array<i32>} : memref<16x100x32xf32, #tpu.memory_space<vmem>>, vector<1x1x16xf32>,
        %get3A_693 = vector.shape_cast %get3A_692 : vector<1x1x16xf32> to vector<16xf32>
        %add3A_694 = arith.addf %add3A_669, %get3A_693 : vector<16xf32>
        %get3A_695 = arith.constant 15 : i32
        %get3A_696 = arith.index_cast %get3A_695 : i32 to index
        %get3A_697 = arith.index_cast %add3A_687 : i32 to index
        %get3A_698 = arith.constant 0 : index
        %get3A_699 = tpu.vector_load %arg7[%get3A_696, %get3A_697, %get3A_698] {strides = array<i32>} : memref<16x100x32xf32, #tpu.memory_space<vmem>>, vector<1x1x16xf32>,
        %get3A_700 = vector.shape_cast %get3A_699 : vector<1x1x16xf32> to vector<16xf32>
        %add3A_701 = arith.addf %add3A_694, %get3A_700 : vector<16xf32>
        %get3A_702 = arith.constant 14 : i32
        %get3A_703 = arith.index_cast %get3A_702 : i32 to index
        %get3A_704 = arith.index_cast %add3A_687 : i32 to index
        %get3A_705 = arith.constant 16 : index
        %get3A_706 = tpu.vector_load %arg7[%get3A_703, %get3A_704, %get3A_705] {strides = array<i32>} : memref<16x100x32xf32, #tpu.memory_space<vmem>>, vector<1x1x16xf32>,
        %get3A_707 = vector.shape_cast %get3A_706 : vector<1x1x16xf32> to vector<16xf32>
        %add3A_708 = arith.addf %add3A_683, %get3A_707 : vector<16xf32>
        %get3A_709 = arith.constant 15 : i32
        %get3A_710 = arith.index_cast %get3A_709 : i32 to index
        %get3A_711 = arith.index_cast %add3A_687 : i32 to index
        %get3A_712 = arith.constant 16 : index
        %get3A_713 = tpu.vector_load %arg7[%get3A_710, %get3A_711, %get3A_712] {strides = array<i32>} : memref<16x100x32xf32, #tpu.memory_space<vmem>>, vector<1x1x16xf32>,
        %get3A_714 = vector.shape_cast %get3A_713 : vector<1x1x16xf32> to vector<16xf32>
        %add3A_715 = arith.addf %add3A_708, %get3A_714 : vector<16xf32>
        %mul3A_716 = arith.constant 4 : i32
        %mul3A_717 = arith.muli %scan3A_618, %mul3A_716 : i32
        %add3A_718 = arith.constant 3 : i32
        %add3A_719 = arith.addi %mul3A_717, %add3A_718 : i32
        %get3A_720 = arith.constant 14 : i32
        %get3A_721 = arith.index_cast %get3A_720 : i32 to index
        %get3A_722 = arith.index_cast %add3A_719 : i32 to index
        %get3A_723 = arith.constant 0 : index
        %get3A_724 = tpu.vector_load %arg7[%get3A_721, %get3A_722, %get3A_723] {strides = array<i32>} : memref<16x100x32xf32, #tpu.memory_space<vmem>>, vector<1x1x16xf32>,
        %get3A_725 = vector.shape_cast %get3A_724 : vector<1x1x16xf32> to vector<16xf32>
        %add3A_726 = arith.addf %add3A_701, %get3A_725 : vector<16xf32>
        %get3A_727 = arith.constant 15 : i32
        %get3A_728 = arith.index_cast %get3A_727 : i32 to index
        %get3A_729 = arith.index_cast %add3A_719 : i32 to index
        %get3A_730 = arith.constant 0 : index
        %get3A_731 = tpu.vector_load %arg7[%get3A_728, %get3A_729, %get3A_730] {strides = array<i32>} : memref<16x100x32xf32, #tpu.memory_space<vmem>>, vector<1x1x16xf32>,
        %get3A_732 = vector.shape_cast %get3A_731 : vector<1x1x16xf32> to vector<16xf32>
        %add3A_733 = arith.addf %add3A_726, %get3A_732 : vector<16xf32>
        %get3A_734 = arith.constant 14 : i32
        %get3A_735 = arith.index_cast %get3A_734 : i32 to index
        %get3A_736 = arith.index_cast %add3A_719 : i32 to index
        %get3A_737 = arith.constant 16 : index
        %get3A_738 = tpu.vector_load %arg7[%get3A_735, %get3A_736, %get3A_737] {strides = array<i32>} : memref<16x100x32xf32, #tpu.memory_space<vmem>>, vector<1x1x16xf32>,
        %get3A_739 = vector.shape_cast %get3A_738 : vector<1x1x16xf32> to vector<16xf32>
        %add3A_740 = arith.addf %add3A_715, %get3A_739 : vector<16xf32>
        %get3A_741 = arith.constant 15 : i32
        %get3A_742 = arith.index_cast %get3A_741 : i32 to index
        %get3A_743 = arith.index_cast %add3A_719 : i32 to index
        %get3A_744 = arith.constant 16 : index
        %get3A_745 = tpu.vector_load %arg7[%get3A_742, %get3A_743, %get3A_744] {strides = array<i32>} : memref<16x100x32xf32, #tpu.memory_space<vmem>>, vector<1x1x16xf32>,
        %get3A_746 = vector.shape_cast %get3A_745 : vector<1x1x16xf32> to vector<16xf32>
        %add3A_747 = arith.addf %add3A_740, %get3A_746 : vector<16xf32>
        scf.yield %add3A_733, %add3A_747 : vector<16xf32>, vector<16xf32>
      }
      %scan3A_597 = arith.constant 25 : i32
      %mul3A_598 = arith.constant 8 : i32
      %mul3A_599 = arith.muli %scan3A_10, %mul3A_598 : i32
      %add3A_600 = arith.constant 7 : i32
      %add3A_601 = arith.addi %mul3A_599, %add3A_600 : i32
      %mul3A_602 = arith.constant 5.000000e-03 : f32
      %mul3A_603 = vector.broadcast %mul3A_602 : f32 to vector<16xf32>
      %mul3A_604 = arith.mulf %scan3A_596#0, %mul3A_603 : vector<16xf32>
      %swap3A_605 = arith.index_cast %add3A_601 : i32 to index
      %swap3A_606 = arith.constant 0 : index
      %swap3A_607 = tpu.vector_load %arg8[%swap3A_605, %swap3A_606] {strides = array<i32>} : memref<128x32xf32, #tpu.memory_space<vmem>>, vector<1x16xf32>,
      %swap3A_608 = vector.shape_cast %swap3A_607 : vector<1x16xf32> to vector<16xf32>
      %swap3A_609 = vector.shape_cast %mul3A_604 : vector<16xf32> to vector<1x16xf32>
      tpu.vector_store %arg8[%swap3A_605, %swap3A_606], %swap3A_609 {strides = array<i32>} : memref<128x32xf32, #tpu.memory_space<vmem>>, vector<1x16xf32>,
      %mul3A_610 = arith.constant 5.000000e-03 : f32
      %mul3A_611 = vector.broadcast %mul3A_610 : f32 to vector<16xf32>
      %mul3A_612 = arith.mulf %scan3A_596#1, %mul3A_611 : vector<16xf32>
      %swap3A_613 = arith.index_cast %add3A_601 : i32 to index
      %swap3A_614 = arith.constant 16 : index
      %swap3A_615 = tpu.vector_load %arg8[%swap3A_613, %swap3A_614] {strides = array<i32>} : memref<128x32xf32, #tpu.memory_space<vmem>>, vector<1x16xf32>,
      %swap3A_616 = vector.shape_cast %swap3A_615 : vector<1x16xf32> to vector<16xf32>
      %swap3A_617 = vector.shape_cast %mul3A_612 : vector<16xf32> to vector<1x16xf32>
      tpu.vector_store %arg8[%swap3A_613, %swap3A_614], %swap3A_617 {strides = array<i32>} : memref<128x32xf32, #tpu.memory_space<vmem>>, vector<1x16xf32>,
      "tpu.region"() ({
        %run_scoped3A = tpu.sem_alloc : memref<!tpu.dma_semaphore, #tpu.memory_space<semaphore_mem>>
        %dma_start3A_618 = arith.constant 0 : i32
        %dma_start3A_619 = arith.constant 0 : i32
        %dma_start3A_620 = tpu.memref_slice %arg4[%add3A_13, %dma_start3A_618, %dma_start3A_619] : memref<8192x100x32xf32, #tpu.memory_space<hbm>> -> memref<16x100x32xf32, #tpu.memory_space<hbm>>
        %dma_start3A_621 = arith.constant 0 : i32
        %dma_start3A_622 = arith.constant 0 : i32
        %dma_start3A_623 = tpu.memref_slice %arg4[%add3A_13, %dma_start3A_621, %dma_start3A_622] : memref<8192x100x32xf32, #tpu.memory_space<hbm>> -> memref<16x100x32xf32, #tpu.memory_space<hbm>>
        tpu.enqueue_dma source(%arg7 : memref<16x100x32xf32, #tpu.memory_space<vmem>>) target(%dma_start3A_623 : memref<16x100x32xf32, #tpu.memory_space<hbm>>) target_semaphore(%run_scoped3A : memref<!tpu.dma_semaphore, #tpu.memory_space<semaphore_mem>>)
        %dma_wait3A_624 = arith.constant 0 : i32
        %dma_wait3A_625 = arith.constant 0 : i32
        %dma_wait3A_626 = tpu.memref_slice %arg4[%add3A_13, %dma_wait3A_624, %dma_wait3A_625] : memref<8192x100x32xf32, #tpu.memory_space<hbm>> -> memref<16x100x32xf32, #tpu.memory_space<hbm>>
        %dma_wait3A_627 = arith.constant 0 : i32
        %dma_wait3A_628 = arith.constant 0 : i32
        %dma_wait3A_629 = tpu.memref_slice %arg4[%add3A_13, %dma_wait3A_627, %dma_wait3A_628] : memref<8192x100x32xf32, #tpu.memory_space<hbm>> -> memref<16x100x32xf32, #tpu.memory_space<hbm>>
        tpu.wait_dma2 semaphore(%run_scoped3A : memref<!tpu.dma_semaphore, #tpu.memory_space<semaphore_mem>>) src(%arg7 : memref<16x100x32xf32, #tpu.memory_space<vmem>>) dst(%dma_wait3A_629 : memref<16x100x32xf32, #tpu.memory_space<hbm>>)
        tpu.yield
      }) : () -> ()
    }
    %scan3A_7 = arith.constant 16 : i32
    %mul3A_8 = arith.constant 128 : i32
    %mul3A_9 = arith.muli %add3A, %mul3A_8 : i32
    "tpu.region"() ({
      %run_scoped3A = tpu.sem_alloc : memref<!tpu.dma_semaphore, #tpu.memory_space<semaphore_mem>>
      %dma_start3A = arith.constant 0 : i32
      %dma_start3A_10 = tpu.memref_slice %arg5[%mul3A_9, %dma_start3A] : memref<4096x32xf32, #tpu.memory_space<hbm>> -> memref<128x32xf32, #tpu.memory_space<hbm>>
      %dma_start3A_11 = arith.constant 0 : i32
      %dma_start3A_12 = tpu.memref_slice %arg5[%mul3A_9, %dma_start3A_11] : memref<4096x32xf32, #tpu.memory_space<hbm>> -> memref<128x32xf32, #tpu.memory_space<hbm>>
      tpu.enqueue_dma source(%arg8 : memref<128x32xf32, #tpu.memory_space<vmem>>) target(%dma_start3A_12 : memref<128x32xf32, #tpu.memory_space<hbm>>) target_semaphore(%run_scoped3A : memref<!tpu.dma_semaphore, #tpu.memory_space<semaphore_mem>>)
      %dma_wait3A = arith.constant 0 : i32
      %dma_wait3A_13 = tpu.memref_slice %arg5[%mul3A_9, %dma_wait3A] : memref<4096x32xf32, #tpu.memory_space<hbm>> -> memref<128x32xf32, #tpu.memory_space<hbm>>
      %dma_wait3A_14 = arith.constant 0 : i32
      %dma_wait3A_15 = tpu.memref_slice %arg5[%mul3A_9, %dma_wait3A_14] : memref<4096x32xf32, #tpu.memory_space<hbm>> -> memref<128x32xf32, #tpu.memory_space<hbm>>
      tpu.wait_dma2 semaphore(%run_scoped3A : memref<!tpu.dma_semaphore, #tpu.memory_space<semaphore_mem>>) src(%arg8 : memref<128x32xf32, #tpu.memory_space<vmem>>) dst(%dma_wait3A_15 : memref<128x32xf32, #tpu.memory_space<hbm>>)
      tpu.yield
    }) : () -> ()
    return
  }
}

</mosaic_0001>

<sc_bundles>
// kernel: kernel.3.cloned.1.call-start
scs
__scs_entry_jumppad:
0x0: {  	(pc) =	sbr.rel $0x88, $3  }
0x1: {  	(tag) =	ssettag $0x0;
	lr =	simm.s32 $0x1  }
0x2: {  	[smem:$0x3F9E] =	sst lr;
	_ =	strace $0xD0000000  }
0x3: {  	_ = 	snop  }
0x4: {  	_ = 	snop  }
0x5: {  	_ = 	snop  }
0x6: {  	_ = 	snop  }
0x7: {  	_ = 	snop  }
__scs_overlays_trampoline_lowered:
0x8: {  	[smem:$0x3FAD] =	sst s0  }
0x9: {  	[smem:$0x3FAE] =	sst s1  }
0xa: {  	[smem:$0x3FAF] =	sst s2  }
0xb: {  	[smem:$0x3FB0] =	sst s3  }
0xc: {  	[smem:$0x3FB1] =	sst s4  }
0xd: {  	[smem:$0x3FB2] =	sst s5  }
0xe: {  	[smem:$0x3FB3] =	sst s6  }
0xf: {  	[smem:$0x3FB4] =	sst s7  }
0x10: {  	[smem:$0x3FB5] =	sst s8  }
0x11: {  	[smem:$0x3FB6] =	sst s9;
	s0 =	simm.s32 @!p0 $0x0  }
0x12: {  	s1 =	sld [smem:$0x3F9C];
	s0 =	simm.s32 @p0 $0x1  }
0x13: {  	[smem:$0x3FB7] =	sst s0;
	s0 =	simm.s32 @!p1 $0x0  }
0x14: {  	s2 =	sld [smem:$0x3F9B];
	s0 =	simm.s32 @p1 $0x1  }
0x15: {  	[smem:$0x3FB8] =	sst s0;
	s0 =	simm.s32 @!p2 $0x0  }
0x16: {  	s3 =	sld [smem:$0x3FDB];
	s0 =	simm.s32 @p2 $0x1  }
0x17: {  	s4 =	simm.s32 $0x1BF5;
	[smem:$0x3FBA] =	sst s0  }
0x18: {  	s0 =	sld [smem:$0x3F9D];
	_ =	swait.ge [sflag:s4], $0x0  }
0x19: {  	s7 =	sld [smem:$0x3F9E]  }
0x1a: {  	s8 =	sadd.s32 $0xFFFFE003, lr  }
0x1b: {  	s9 =	sadd.s32 $0xFFFFFEF7, lr;
	s5 =	simm.s32 $0xFFFFFFFF;
	p2 =	slt.u32 s8, $0xFFFFF086  }
0x1c: {  	p1 =	slt.u32 s9, $0xF7A;
	s5 =	simm.s32 @!p2 $0x0  }
0x1d: {  	s5 =	simm.s32 @p1 $0x1;
	p0 =	seq.s32 s7, s2  }
0x1e: {  	s7 =	smul.u32 @!p0 $0xF7A, s2;
	p2 =	seq.s32 @!p0 s5, $0x0  }
0x1f: {  	s9 =	smul.u32 $0xF7A, s1;
	s8 =	simm.s32 @!p0 $0x1BF5;
	p2 =	por !p2, p0  }
0x20: {  	[sflag:s8] =	ssyncset.s32 @!p0 $0xFFFFF086;
	s6 =	sadd.s32 @!p0 s3, s7;
	s7 =	simm.s32 @!p0 $0x108  }
0x21: {  	s3 =	sadd.s32 s3, s9;
	s6 =	sadd.s32 @!p0 $0x88, s6;
	s7 =	simm.s32 @p2 $0x1082  }
0x22: {  	[simem:s7], [sflag:s8] =	dma.local @!p0 [hbm:s6], $0xF7A  }
0x23: {  	s9 =	sor.u32 $0xD0000000, s2;
	s6 =	simm.s32 $0x108;
	_ =	swait.ge @!p0 [sflag:s8], $0x0  }
0x24: {  	s3 =	sadd.s32 $0x88, s3;
	s6 =	simm.s32 @!p1 $0x1082;
	[sflag:s4] =	ssyncset.s32 $0xFFFFF086  }
0x25: {  	[simem:s6], [sflag:s4] =	dma.local [hbm:s3], $0xF7A  }
0x26: {  	[smem:$0x3F9E] =	sst s1;
	(tag) =	ssettag s2;
	_ =	strace s9  }
0x27: {  	s1 =	sld [smem:$0x3FAE]  }
0x28: {  	s2 =	sld [smem:$0x3FAF]  }
0x29: {  	s4 =	sld [smem:$0x3FB1]  }
0x2a: {  	p0 =	seq.s32 s5, $0x0;
	s5 =	sld [smem:$0x3FB2]  }
0x2b: {  	s6 =	sld [smem:$0x3FB3]  }
0x2c: {  	s7 =	sld [smem:$0x3FB4]  }
0x2d: {  	s3 =	simm.s32 $0x108;
	s8 =	sld [smem:$0x3FB5]  }
0x2e: {  	s3 =	simm.s32 @!p0 $0x1082;
	s9 =	sld [smem:$0x3FB6]  }
0x2f: {  	lr =	sadd.s32 s0, s3;
	s0 =	sld [smem:$0x3FAD]  }
0x30: {  	s3 =	sld [smem:$0x3FB0]  }
0x31: {  	[smem:$0x3FB9] =	sst s10  }
0x32: {  	s10 =	sld [smem:$0x3FB7];
	_ =	sdelay $0x3  }
0x33: {  	p0 =	seq.s32 s10, $0x1;
	s10 =	sld [smem:$0x3FB9];
	_ =	sdelay $0x3  }
0x34: {  	[smem:$0x3FB9] =	sst s10  }
0x35: {  	s10 =	sld [smem:$0x3FB8];
	_ =	sdelay $0x3  }
0x36: {  	p1 =	seq.s32 s10, $0x1;
	s10 =	sld [smem:$0x3FB9];
	_ =	sdelay $0x3  }
0x37: {  	[smem:$0x3FB9] =	sst s10  }
0x38: {  	s10 =	sld [smem:$0x3FBA]  }
0x39: {  	_ = 	snop;
	(pc) =	sbr.ind lr, $3  }
0x3a: {  	_ = 	snop  }
0x3b: {  	_ = 	snop  }
0x3c: {  	p2 =	seq.s32 s10, $0x1;
	s10 =	sld [smem:$0x3FB9]  }
0x3d: {  	_ =	shalt  }
0x3e: {  	_ =	shalt  }
0x3f: {  	_ =	shalt  }
0x40: {  	_ =	shalt  }
0x41: {  	_ =	shalt  }
0x42: {  	_ =	shalt  }
0x43: {  	_ =	shalt  }
0x44: {  	_ =	shalt  }
0x45: {  	_ =	shalt  }
0x46: {  	_ =	shalt  }
0x47: {  	_ =	shalt  }
0x48: {  	_ =	shalt  }
0x49: {  	_ =	shalt  }
0x4a: {  	_ =	shalt  }
0x4b: {  	_ =	shalt  }
0x4c: {  	_ =	shalt  }
0x4d: {  	_ =	shalt  }
0x4e: {  	_ =	shalt  }
0x4f: {  	_ =	shalt  }
0x50: {  	_ =	shalt  }
0x51: {  	_ =	shalt  }
0x52: {  	_ =	shalt  }
0x53: {  	_ =	shalt  }
0x54: {  	_ =	shalt  }
0x55: {  	_ =	shalt  }
0x56: {  	_ =	shalt  }
0x57: {  	_ =	shalt  }
0x58: {  	_ =	shalt  }
0x59: {  	_ =	shalt  }
0x5a: {  	_ =	shalt  }
0x5b: {  	_ =	shalt  }
0x5c: {  	_ =	shalt  }
0x5d: {  	_ =	shalt  }
0x5e: {  	_ =	shalt  }
0x5f: {  	_ =	shalt  }
0x60: {  	_ =	shalt  }
0x61: {  	_ =	shalt  }
0x62: {  	_ =	shalt  }
0x63: {  	_ =	shalt  }
0x64: {  	_ =	shalt  }
0x65: {  	_ =	shalt  }
0x66: {  	_ =	shalt  }
0x67: {  	_ =	shalt  }
0x68: {  	_ =	shalt  }
0x69: {  	_ =	shalt  }
0x6a: {  	_ =	shalt  }
0x6b: {  	_ =	shalt  }
0x6c: {  	_ =	shalt  }
0x6d: {  	_ =	shalt  }
0x6e: {  	_ =	shalt  }
0x6f: {  	_ =	shalt  }
0x70: {  	_ =	shalt  }
0x71: {  	_ =	shalt  }
0x72: {  	_ =	shalt  }
0x73: {  	_ =	shalt  }
0x74: {  	_ =	shalt  }
0x75: {  	_ =	shalt  }
0x76: {  	_ =	shalt  }
0x77: {  	_ =	shalt  }
0x78: {  	_ =	shalt  }
0x79: {  	_ =	shalt  }
0x7a: {  	_ =	shalt  }
0x7b: {  	_ =	shalt  }
0x7c: {  	_ =	shalt  }
0x7d: {  	_ =	shalt  }
0x7e: {  	_ =	shalt  }
0x7f: {  	_ =	shalt  }
0x80: {  	_ =	shalt  }
0x81: {  	_ =	shalt  }
0x82: {  	_ =	shalt  }
0x83: {  	_ =	shalt  }
0x84: {  	_ =	shalt  }
0x85: {  	_ =	shalt  }
0x86: {  	_ =	shalt  }
0x87: {  	_ =	shalt  }
.Lfunc_end0:
.L_simem_size_0:
called_computation.2_lowered:
.L_overlay_start_0:
0x88: {  	s2 =	sld [smem:$0x3FD9]  }
0x89: {  	s3 =	sld [smem:$0x3FFE];
	_ =	sdelay $0x1  }
0x8a: {  	s1 =	srdreg.scid  }
0x8b: {  	s0 =	sand.u32 $0x1, s1  }
0x8c: {  	s14 =	sshll.u32 s0, $0xA;
	s2 =	sadd.s32 s3, s2  }
0x8d: {  	s2 =	sadd.s32 s2, s14  }
0x8e: {  	[smem:$0x3FC5] =	sst s2  }
0x8f: {  	_ = 	snop  }
0x90: {  	s2 =	sld [smem:$0x3FD0];
	_ =	sdelay $0x2  }
0x91: {  	s15 =	simm.s32 $0xA;
	s4 =	simm.s32 $0x10  }
0x92: {  	[smem:s4], [sflag:s15] =	dma.local [hbm:s2], $0x1  }
0x93: {  	_ =	swait.eq [sflag:s15], $0x1  }
0x94: {  	[sflag:s15] =	ssyncset.done $0x0  }
0x95: {  	s16 =	sld [smem:$0x10];
	[sflag:s15] =	ssyncadd.s32 $0xFFFFFFFF  }
0x96: {  	s17 =	sld [smem:$0x11];
	(tm) =	ssettm $0x1  }
0x97: {  	s18 =	sld [smem:$0x3FFB];
	_ =	sdelay $0x3  }
0x98: {  	_ =	strace s18  }
0x99: {  	s4 =	sld [smem:$0x3FFC];
	_ =	sdelay $0x3  }
0x9a: {  	_ =	strace s4  }
0x9b: {  	s4 =	sld [smem:$0x3FFD];
	_ =	sdelay $0x3  }
0x9c: {  	_ =	strace s4  }
0x9d: {  	_ =	strace $0x8FFFFFFF  }
0x9e: {  	s19 =	sld [smem:$0x3FDB];
	_ =	sdelay $0x1  }
0x9f: {  	s5 =	simm.s32 $_scs_section_size  }
0xa0: {  	s6 =	simm.s32 $_size__tile_overlayer_lowered;
	s7 =	simm.s32 $_tile_overlayer_lowered  }
0xa1: {  	s22 =	simm.s32 $0x1BFF;
	s21 =	sshll.u32 s7, $0x1;
	s4 =	sadd.s32 s5, s19  }
0xa2: {  	s8 =	simm.s32 $0x0;
	s20 =	sshll.u32 s6, $0x1;
	s6 =	sadd.s32 s21, s4  }
0xa3: {  	[timem:s8], [sflag:s22] =	dma.local [hbm:s6], s20  }
0xa4: {  	_ =	swait.ge [sflag:s22], s20  }
0xa5: {  	s5 =	ssub.s32 $0x0, s20;
	[sflag:s22] =	ssyncset.done $0x0  }
0xa6: {  	[sflag:s22] =	ssyncadd.s32 s5;
	_ =	sdelay $0x1  }
0xa7: {  	s23 =	simm.s32 $0x1B8B  }
0xa8: {  	_ =	swait.ge [sflag:s23], $0x1  }
0xa9: {  	[sflag:s23] =	ssyncset.done $0x0  }
0xaa: {  	s25 =	simm.s32 $0x1B8E;
	s24 =	sld [smem:$0x3FFE];
	[sflag:s23] =	ssyncadd.s32 $0xFFFFFFFF  }
0xab: {  	s26 =	simm.s32 $execute0_lowered;
	[smem:$0x3FD2] =	sst s25  }
0xac: {  	s6 =	sshll.u32 s26, $0x1;
	_ =	strace $0x80000046;
	[dreg:$0x1] =	wrdreg $0xFFFFFFFF  }
0xad: {  	s28 =	simm.s32 $_size_execute0_lowered;
	s4 =	sadd.s32 s4, s6;
	[dreg:$0x0] =	wrdreg $0x0  }
0xae: {  	s6 =	sshll.u32 s28, $0x1;
	[dreg:$0x2] =	wrdreg s4  }
0xaf: {  	[dreg:$0x3] =	wrdreg s6  }
0xb0: {  	[dreg:$0x4] =	wrdreg $0xC0  }
0xb1: {  	_ =	task [dreg:s8], $0x5FFFF  }
0xb2: {  	[dreg:$0x1] =	wrdreg $0xFFFFFFFF  }
0xb3: {  	[dreg:$0x0] =	wrdreg $0x60  }
0xb4: {  	[dreg:$0x2] =	wrdreg s24  }
0xb5: {  	[dreg:$0x3] =	wrdreg s17  }
0xb6: {  	[dreg:$0x4] =	wrdreg s16  }
0xb7: {  	[dreg:$0x5] =	wrdreg $0x9  }
0xb8: {  	_ =	task.clear_ibuf [dreg:s8], $0x6FFFF;
	_ =	strace $0x90000046  }
0xb9: {  	s29 =	simm.s32 $0x9;
	_ =	strace $0x80000048  }
0xba: {  	_ =	swait.ge [sflag:s29], $0x1  }
0xbb: {  	[sflag:s29] =	ssyncadd.s32 $0xFFFFFFFF  }
0xbc: {  	_ =	strace $0x90000048  }
0xbd: {  	_ =	sfence  }
0xbe: {  	s30 =	sld [smem:$0x0];
	_ =	sdelay $0x2  }
0xbf: {  	s31 =	sshll.u32 s1, $0xD;
	s1 =	sshrl.u32 s1, $0x2  }
0xc0: {  	s3 =	sand.u32 $0x4000, s31;
	s1 =	sadd.s32 s1, s30  }
0xc1: {  	s0 =	sor.u32 s3, s0;
	s1 =	sshll.u32 s1, $0x11  }
0xc2: {  	s0 =	sor.u32 s1, s0  }
0xc3: {  	s0 =	sadd.s32 $0x8F2B, s0  }
0xc4: {  	[sflag:s0] =	ssyncadd.remote.s32 $0x1  }
0xc5: {  	_ =	sfence.sel $0xFFFF  }
0xc6: {  	[dreg:$0x0] =	wrdreg $0xFFFFFFFF;
	(pc) =	sbr.abs _section_cstart, $3  }
0xc7: {  	[dreg:$0x1] =	wrdreg $0xFFFFFFFF  }
0xc8: {  	_ =	task.clear_ibuf [dreg:s8], $0x2FFFF;
	_ =	strace $0x9FFFFFFF  }
0xc9: {  	(tm) =	ssettm $0x7FFFFFFF  }
tec
execute0_lowered:
.L_overlay_start_1:
0x0: {  	(tag) =	ssettag $0x1  }
0x1: {  	s0 =	rddreg [dreg:$0x0]  }
0x2: {  	s1 =	rddreg [dreg:$0x2]  }
0x3: {  	s3 =	simm.s32 $0x0;
	s2 =	srdreg.scid;
	s4 =	stileid.u32  }
0x4: {  	s9 =	simm.s32 $0x2;
	s10 =	simm.s32 $0x64;
	s11 =	simm.s32 $0x680  }
0x5: {  	s24 =	simm.s32 $0x2D8;
	s28 =	simm.s32 $0x6A80;
	s29 =	simm.s32 $0x3A8  }
0x6: {  	s30 =	simm.s32 $0x7700;
	s31 =	simm.s32 $0x410;
	s8 =	simm.s32 $0x4E0  }
0x7: {  	s12 =	simm.s32 $0x548;
	s13 =	simm.s32 $0xA900;
	s14 =	simm.s32 $0x5B0  }
0x8: {  	s15 =	simm.s32 $0xB580;
	s16 =	simm.s32 $0x618;
	s17 =	simm.s32 $0xC200  }
0x9: {  	s18 =	simm.s32 $0x1;
	s20 =	simm.s32 $0x0;
	[smem:$0x7FF] =	sst s3  }
0xa: {  	s2 =	sand.u32 $0x1, s2;
	s5 =	sshll.u32 s4, $0x1;
	s4 =	sadd.s32 $0xF43A00, s0  }
0xb: {  	_ =	strace $0x80000047;
	s6 =	ssub.s32 $0x2, s2;
	s2 =	sor.u32 s2, s5  }
0xc: {  	s5 =	sadd.s32 $0x1600, s0;
	s7 =	sshrl.u32 s6, $0x1;
	s26 =	sshll.u32 s2, $0x9  }
0xd: {  	s25 =	ssub.s32 s6, s7;
	s6 =	sshll.u32 s2, $0x8;
	s1 =	sadd.s32 s1, s26  }
0xe: {  	s26 =	simm.s32 $0x340;
	s2 =	simm.s32 $0x478;
	s7 =	simm.s32 $0x9000  }
0xf: {  	[dreg:$0x4] =	wrdreg s1;
	s0 =	smax.u32 s25, $0x1;
	s25 =	simm.s32 $0x5E00  }
0x10: {  	s1 =	simm.s32 $0x9C80;
	[dreg:$0x5] =	wrdreg s0;
	s0 =	simm.s32 $0x8380  }
.LBB2_1:
0x11: {  	[dreg:$0x6] =	wrdreg s20;
	s19 =	simm.s32 $0x0  }
.LBB2_2:
0x12: {  	s20 =	sshll.u32 s19, $0x4  }
0x13: {  	s20 =	sadd.s32 s6, s20  }
0x14: {  	s21 =	smul.u32 $0xD, s20;
	_ =	sdelay $0x1  }
0x15: {  	s21 =	sadd.s32 s5, s21  }
0x16: {  	[tilespmem:s3], [sflag:$0x2] =	stream.linear.gather [hbm4b:s21+s3], $0x680, $0x38;
	[tilespmem:$0xDE80] =	vst v63  }
0x17: {  	_ =	swait.ge [sflag:s9], $0x680  }
0x18: {  	[sflag:s9] =	ssyncset.done $0x0  }
0x19: {  	[sflag:s9] =	ssyncadd.s32 $0xFFFFF980  }
0x1a: {  	[tilespmem:s11], [sflag:$0x1] =	stream.indirect.gather [hbm4b:s4+s10], $0x20, s3, s10, $0xb8;
	[tilespmem:$0xDE80] =	vst v63  }
0x1b: {  	s23 =	simm.s32 $0x68;
	s22 =	simm.s32 $0x1300  }
0x1c: {  	[tilespmem:s22], [sflag:$0x1] =	stream.indirect.gather [hbm4b:s4+s10], $0x20, s23, s10, $0xb8;
	[tilespmem:$0xDE80] =	vst v63  }
0x1d: {  	s22 =	simm.s32 $0xD0;
	s23 =	simm.s32 $0x1F80  }
0x1e: {  	[tilespmem:s23], [sflag:$0x1] =	stream.indirect.gather [hbm4b:s4+s10], $0x20, s22, s10, $0xb8;
	[tilespmem:$0xDE80] =	vst v63  }
0x1f: {  	s22 =	simm.s32 $0x138;
	s23 =	simm.s32 $0x2C00  }
0x20: {  	[tilespmem:s23], [sflag:$0x1] =	stream.indirect.gather [hbm4b:s4+s10], $0x20, s22, s10, $0xb8;
	[tilespmem:$0xDE80] =	vst v63  }
0x21: {  	s22 =	simm.s32 $0x1A0;
	s23 =	simm.s32 $0x3880  }
0x22: {  	[tilespmem:s23], [sflag:$0x1] =	stream.indirect.gather [hbm4b:s4+s10], $0x20, s22, s10, $0xb8;
	[tilespmem:$0xDE80] =	vst v63  }
0x23: {  	s22 =	simm.s32 $0x208;
	s23 =	simm.s32 $0x4500  }
0x24: {  	[tilespmem:s23], [sflag:$0x1] =	stream.indirect.gather [hbm4b:s4+s10], $0x20, s22, s10, $0xb8;
	[tilespmem:$0xDE80] =	vst v63  }
0x25: {  	s22 =	simm.s32 $0x270;
	s23 =	simm.s32 $0x5180  }
0x26: {  	[tilespmem:s23], [sflag:$0x1] =	stream.indirect.gather [hbm4b:s4+s10], $0x20, s22, s10, $0xb8;
	[tilespmem:$0xDE80] =	vst v63  }
0x27: {  	_ = 	snop  }
0x28: {  	[tilespmem:s25], [sflag:$0x1] =	stream.indirect.gather [hbm4b:s4+s10], $0x20, s24, s10, $0xb8;
	[tilespmem:$0xDE80] =	vst v63  }
0x29: {  	_ = 	snop  }
0x2a: {  	[tilespmem:s28], [sflag:$0x1] =	stream.indirect.gather [hbm4b:s4+s10], $0x20, s26, s10, $0xb8;
	[tilespmem:$0xDE80] =	vst v63  }
0x2b: {  	_ = 	snop  }
0x2c: {  	[tilespmem:s30], [sflag:$0x1] =	stream.indirect.gather [hbm4b:s4+s10], $0x20, s29, s10, $0xb8;
	[tilespmem:$0xDE80] =	vst v63  }
0x2d: {  	_ = 	snop  }
0x2e: {  	[tilespmem:s0], [sflag:$0x1] =	stream.indirect.gather [hbm4b:s4+s10], $0x20, s31, s10, $0xb8;
	[tilespmem:$0xDE80] =	vst v63  }
0x2f: {  	_ = 	snop  }
0x30: {  	[tilespmem:s7], [sflag:$0x1] =	stream.indirect.gather [hbm4b:s4+s10], $0x20, s2, s10, $0xb8;
	[tilespmem:$0xDE80] =	vst v63  }
0x31: {  	_ = 	snop  }
0x32: {  	[tilespmem:s1], [sflag:$0x1] =	stream.indirect.gather [hbm4b:s4+s10], $0x20, s8, s10, $0xb8;
	[tilespmem:$0xDE80] =	vst v63  }
0x33: {  	_ = 	snop  }
0x34: {  	[tilespmem:s13], [sflag:$0x1] =	stream.indirect.gather [hbm4b:s4+s10], $0x20, s12, s10, $0xb8;
	[tilespmem:$0xDE80] =	vst v63  }
0x35: {  	_ = 	snop  }
0x36: {  	[tilespmem:s15], [sflag:$0x1] =	stream.indirect.gather [hbm4b:s4+s10], $0x20, s14, s10, $0xb8;
	[tilespmem:$0xDE80] =	vst v63  }
0x37: {  	_ = 	snop  }
0x38: {  	[tilespmem:s17], [sflag:$0x1] =	stream.indirect.gather [hbm4b:s4+s10], $0x20, s16, s10, $0xb8;
	[tilespmem:$0xDE80] =	vst v63  }
0x39: {  	_ =	swait.ge [sflag:s18], $0xC80  }
0x3a: {  	[sflag:s18] =	ssyncset.done $0x0  }
0x3b: {  	[sflag:s18] =	ssyncadd.s32 $0xFFFFF380  }
0x3c: {  	_ =	swait.ge [sflag:s18], $0xC80  }
0x3d: {  	[sflag:s18] =	ssyncset.done $0x0  }
0x3e: {  	[sflag:s18] =	ssyncadd.s32 $0xFFFFF380  }
0x3f: {  	_ =	swait.ge [sflag:s18], $0xC80  }
0x40: {  	[sflag:s18] =	ssyncset.done $0x0  }
0x41: {  	[sflag:s18] =	ssyncadd.s32 $0xFFFFF380  }
0x42: {  	_ =	swait.ge [sflag:s18], $0xC80  }
0x43: {  	[sflag:s18] =	ssyncset.done $0x0  }
0x44: {  	[sflag:s18] =	ssyncadd.s32 $0xFFFFF380  }
0x45: {  	_ =	swait.ge [sflag:s18], $0xC80  }
0x46: {  	[sflag:s18] =	ssyncset.done $0x0  }
0x47: {  	[sflag:s18] =	ssyncadd.s32 $0xFFFFF380  }
0x48: {  	_ =	swait.ge [sflag:s18], $0xC80  }
0x49: {  	[sflag:s18] =	ssyncset.done $0x0  }
0x4a: {  	[sflag:s18] =	ssyncadd.s32 $0xFFFFF380  }
0x4b: {  	_ =	swait.ge [sflag:s18], $0xC80  }
0x4c: {  	[sflag:s18] =	ssyncset.done $0x0  }
0x4d: {  	[sflag:s18] =	ssyncadd.s32 $0xFFFFF380  }
0x4e: {  	_ =	swait.ge [sflag:s18], $0xC80  }
0x4f: {  	[sflag:s18] =	ssyncset.done $0x0  }
0x50: {  	[sflag:s18] =	ssyncadd.s32 $0xFFFFF380  }
0x51: {  	_ =	swait.ge [sflag:s18], $0xC80  }
0x52: {  	[sflag:s18] =	ssyncset.done $0x0  }
0x53: {  	[sflag:s18] =	ssyncadd.s32 $0xFFFFF380  }
0x54: {  	_ =	swait.ge [sflag:s18], $0xC80  }
0x55: {  	[sflag:s18] =	ssyncset.done $0x0  }
0x56: {  	[sflag:s18] =	ssyncadd.s32 $0xFFFFF380  }
0x57: {  	_ =	swait.ge [sflag:s18], $0xC80  }
0x58: {  	[sflag:s18] =	ssyncset.done $0x0  }
0x59: {  	[sflag:s18] =	ssyncadd.s32 $0xFFFFF380  }
0x5a: {  	_ =	swait.ge [sflag:s18], $0xC80  }
0x5b: {  	[sflag:s18] =	ssyncset.done $0x0  }
0x5c: {  	[sflag:s18] =	ssyncadd.s32 $0xFFFFF380  }
0x5d: {  	_ =	swait.ge [sflag:s18], $0xC80  }
0x5e: {  	[sflag:s18] =	ssyncset.done $0x0  }
0x5f: {  	[sflag:s18] =	ssyncadd.s32 $0xFFFFF380  }
0x60: {  	_ =	swait.ge [sflag:s18], $0xC80  }
0x61: {  	[sflag:s18] =	ssyncset.done $0x0  }
0x62: {  	[sflag:s18] =	ssyncadd.s32 $0xFFFFF380  }
0x63: {  	_ =	swait.ge [sflag:s18], $0xC80  }
0x64: {  	[sflag:s18] =	ssyncset.done $0x0  }
0x65: {  	[sflag:s18] =	ssyncadd.s32 $0xFFFFF380  }
0x66: {  	_ =	swait.ge [sflag:s18], $0xC80  }
0x67: {  	[sflag:s18] =	ssyncset.done $0x0  }
0x68: {  	s23 =	simm.s32 $0x40;
	[sflag:s18] =	ssyncadd.s32 $0xFFFFF380  }
0x69: {  	v0 =	vld [tilespmem:s23+$0x640]  }
0x6a: {  	v1 =	vld [tilespmem:s23+$0x650]  }
0x6b: {  	v2 =	vld [tilespmem:s23+$0x12C0]  }
0x6c: {  	v3 =	vld [tilespmem:s23+$0x12D0]  }
0x6d: {  	v4 =	vld [tilespmem:s23+$0x660]  }
0x6e: {  	v5 =	vimm.f32 $0.0e+00;
	v6 =	vld [tilespmem:s23+$0x670]  }
0x6f: {  	v7 =	vld [tilespmem:s23+$0x12F0];
	v0 =	vadd.f32 v0, v5;
	v1 =	vadd.f32 v1, v5  }
0x70: {  	v5 =	vld [tilespmem:s23+$0x12E0]  }
0x71: {  	v8 =	vld [tilespmem:s23+$0x690];
	v0 =	vadd.f32 v2, v0;
	v1 =	vadd.f32 v3, v1  }
0x72: {  	v3 =	vld [tilespmem:s23+$0x680]  }
0x73: {  	v9 =	vld [tilespmem:s23+$0x1310];
	v0 =	vadd.f32 v4, v0;
	v1 =	vadd.f32 v6, v1  }
0x74: {  	v6 =	vld [tilespmem:s23+$0x1300]  }
0x75: {  	v2 =	vld [tilespmem:s23+$0x6B0];
	v0 =	vadd.f32 v5, v0;
	v4 =	vadd.f32 v7, v1  }
0x76: {  	v1 =	vld [tilespmem:s23+$0x6A0]  }
0x77: {  	v5 =	vadd.f32 v3, v0;
	v7 =	vadd.f32 v8, v4;
	v3 =	vld [tilespmem:s23+$0x1320]  }
0x78: {  	s21 =	simm.s32 $0xC0;
	v4 =	vld [tilespmem:s23+$0x1330]  }
0x79: {  	s22 =	simm.s32 $0x500;
	v0 =	vld [tilespmem:s21+$0x640];
	v6 =	vadd.f32 v6, v5;
	v5 =	vadd.f32 v9, v7  }
.LBB2_3:
0x7a: {  	p0 =	sne.s32 s22, $0x3100;
	v7 =	vld [tilespmem:s21+$0x650]  }
0x7b: {  	v8 =	vld [tilespmem:s21+$0x12C0];
	v1 =	vadd.f32 v1, v6;
	v2 =	vadd.f32 v2, v5  }
0x7c: {  	v5 =	vld [tilespmem:s21+$0x12D0]  }
0x7d: {  	v6 =	vld [tilespmem:s21+$0x660];
	v1 =	vadd.f32 v3, v1;
	v2 =	vadd.f32 v4, v2  }
0x7e: {  	v3 =	vld [tilespmem:s21+$0x670]  }
0x7f: {  	v0 =	vadd.f32 v0, v1;
	v1 =	vadd.f32 v7, v2;
	v2 =	vld [tilespmem:s21+$0x12E0]  }
0x80: {  	v4 =	vld [tilespmem:s21+$0x12F0]  }
0x81: {  	v0 =	vadd.f32 v8, v0;
	v1 =	vadd.f32 v5, v1;
	v5 =	vld [tilespmem:s21+$0x680]  }
0x82: {  	v7 =	vld [tilespmem:s21+$0x690]  }
0x83: {  	v0 =	vadd.f32 v6, v0;
	v1 =	vadd.f32 v3, v1;
	v6 =	vld [tilespmem:s21+$0x1300]  }
0x84: {  	v8 =	vld [tilespmem:s21+$0x1310]  }
.Ltmp0:
0x85: {  	v0 =	vadd.f32 v2, v0;
	v3 =	vadd.f32 v4, v1;
	v1 =	vld [tilespmem:s21+$0x6A0];
	(pc) =	sbr.rel @p0 .LBB2_3-.Ltmp0, $4  }
0x86: {  	v2 =	vld [tilespmem:s21+$0x6B0]  }
0x87: {  	v5 =	vadd.f32 v5, v0;
	v7 =	vadd.f32 v7, v3;
	v3 =	vld [tilespmem:s21+$0x1320]  }
0x88: {  	v4 =	vld [tilespmem:s21+$0x1330];
	s21 =	sshra.s32 s22, $0x2  }
0x89: {  	s22 =	sadd.s32 $0x200, s22;
	v0 =	vld [tilespmem:s21+$0x640];
	v6 =	vadd.f32 v6, v5;
	v5 =	vadd.f32 v8, v7  }
0x8a: {  	_ = 	snop  }
0x8b: {  	v7 =	vld [tilespmem:s21+$0x650];
	v1 =	vadd.f32 v1, v6  }
0x8c: {  	v6 =	vld [tilespmem:s21+$0x12C0];
	v2 =	vadd.f32 v2, v5  }
0x8d: {  	v5 =	vld [tilespmem:s21+$0x12D0];
	v1 =	vadd.f32 v3, v1  }
0x8e: {  	v3 =	vld [tilespmem:s21+$0x660];
	v2 =	vadd.f32 v4, v2  }
0x8f: {  	v4 =	vld [tilespmem:s21+$0x670];
	v0 =	vadd.f32 v0, v1  }
0x90: {  	v1 =	vadd.f32 v7, v2;
	v2 =	vld [tilespmem:s21+$0x12E0]  }
0x91: {  	v7 =	vld [tilespmem:s21+$0x12F0];
	v0 =	vadd.f32 v6, v0  }
0x92: {  	v1 =	vadd.f32 v5, v1;
	v5 =	vld [tilespmem:s21+$0x680]  }
0x93: {  	v6 =	vld [tilespmem:s21+$0x690];
	v0 =	vadd.f32 v3, v0  }
0x94: {  	v1 =	vadd.f32 v4, v1;
	v3 =	vld [tilespmem:s21+$0x1300]  }
0x95: {  	v4 =	vld [tilespmem:s21+$0x1310];
	v0 =	vadd.f32 v2, v0  }
0x96: {  	v1 =	vadd.f32 v7, v1;
	v2 =	vld [tilespmem:s21+$0x6A0]  }
0x97: {  	v7 =	vld [tilespmem:s21+$0x6B0];
	v0 =	vadd.f32 v5, v0  }
0x98: {  	v1 =	vadd.f32 v6, v1;
	v5 =	vld [tilespmem:s21+$0x1320]  }
0x99: {  	v6 =	vld [tilespmem:s21+$0x1330];
	v0 =	vadd.f32 v3, v0  }
0x9a: {  	v1 =	vadd.f32 v4, v1  }
0x9b: {  	v0 =	vadd.f32 v2, v0  }
0x9c: {  	v1 =	vadd.f32 v7, v1  }
0x9d: {  	v0 =	vadd.f32 v5, v0  }
0x9e: {  	v1 =	vadd.f32 v6, v1  }
0x9f: {  	s23 =	sshll.u32 s19, $0x8;
	v0 =	vmul.f32 $4.999999890e-03, v0  }
0xa0: {  	s21 =	sand.u32 $0x3FFFFF00, s23;
	v1 =	vmul.f32 $4.999999890e-03, v1  }
0xa1: {  	[tilespmem:s21+$0xCE80] =	vst v0  }
0xa2: {  	s23 =	simm.s32 $0xFFFFF380;
	[tilespmem:s21+$0xCE90] =	vst v1  }
0xa3: {  	v0 =	vld [tilespmem:s23+$0x2C00]  }
0xa4: {  	v1 =	vld [tilespmem:s23+$0x2C10]  }
0xa5: {  	v2 =	vld [tilespmem:s23+$0x3880]  }
0xa6: {  	v3 =	vld [tilespmem:s23+$0x3890]  }
0xa7: {  	v4 =	vld [tilespmem:s23+$0x2C20]  }
0xa8: {  	v5 =	vimm.f32 $0.0e+00;
	v6 =	vld [tilespmem:s23+$0x2C30]  }
0xa9: {  	v7 =	vld [tilespmem:s23+$0x38B0];
	v0 =	vadd.f32 v0, v5;
	v1 =	vadd.f32 v1, v5  }
0xaa: {  	v5 =	vld [tilespmem:s23+$0x38A0]  }
0xab: {  	v8 =	vld [tilespmem:s23+$0x2C50];
	v0 =	vadd.f32 v2, v0;
	v1 =	vadd.f32 v3, v1  }
0xac: {  	v3 =	vld [tilespmem:s23+$0x2C40]  }
0xad: {  	v9 =	vld [tilespmem:s23+$0x38D0];
	v0 =	vadd.f32 v4, v0;
	v1 =	vadd.f32 v6, v1  }
0xae: {  	v6 =	vld [tilespmem:s23+$0x38C0]  }
0xaf: {  	v2 =	vld [tilespmem:s23+$0x2C70];
	v0 =	vadd.f32 v5, v0;
	v4 =	vadd.f32 v7, v1  }
0xb0: {  	v1 =	vld [tilespmem:s23+$0x2C60]  }
0xb1: {  	v5 =	vadd.f32 v3, v0;
	v7 =	vadd.f32 v8, v4;
	v3 =	vld [tilespmem:s23+$0x38E0]  }
0xb2: {  	s22 =	simm.s32 $0xFFFFF400;
	v4 =	vld [tilespmem:s23+$0x38F0]  }
0xb3: {  	v0 =	vld [tilespmem:s22+$0x2C00];
	s23 =	simm.s32 $0xFFFFD200;
	v6 =	vadd.f32 v6, v5;
	v5 =	vadd.f32 v9, v7  }
.LBB2_5:
0xb4: {  	p0 =	sne.s32 s23, $0xFFFFFE00;
	v7 =	vld [tilespmem:s22+$0x2C10]  }
0xb5: {  	v8 =	vld [tilespmem:s22+$0x3880];
	v1 =	vadd.f32 v1, v6;
	v2 =	vadd.f32 v2, v5  }
0xb6: {  	v5 =	vld [tilespmem:s22+$0x3890]  }
0xb7: {  	v6 =	vld [tilespmem:s22+$0x2C20];
	v1 =	vadd.f32 v3, v1;
	v2 =	vadd.f32 v4, v2  }
0xb8: {  	v3 =	vld [tilespmem:s22+$0x2C30]  }
0xb9: {  	v0 =	vadd.f32 v0, v1;
	v1 =	vadd.f32 v7, v2;
	v2 =	vld [tilespmem:s22+$0x38A0]  }
0xba: {  	v4 =	vld [tilespmem:s22+$0x38B0]  }
0xbb: {  	v0 =	vadd.f32 v8, v0;
	v1 =	vadd.f32 v5, v1;
	v5 =	vld [tilespmem:s22+$0x2C40]  }
0xbc: {  	v7 =	vld [tilespmem:s22+$0x2C50]  }
0xbd: {  	v0 =	vadd.f32 v6, v0;
	v1 =	vadd.f32 v3, v1;
	v6 =	vld [tilespmem:s22+$0x38C0]  }
0xbe: {  	v8 =	vld [tilespmem:s22+$0x38D0]  }
.Ltmp1:
0xbf: {  	v0 =	vadd.f32 v2, v0;
	v3 =	vadd.f32 v4, v1;
	v1 =	vld [tilespmem:s22+$0x2C60];
	(pc) =	sbr.rel @p0 .LBB2_5-.Ltmp1, $4  }
0xc0: {  	v2 =	vld [tilespmem:s22+$0x2C70]  }
0xc1: {  	v5 =	vadd.f32 v5, v0;
	v7 =	vadd.f32 v7, v3;
	v3 =	vld [tilespmem:s22+$0x38E0]  }
0xc2: {  	v4 =	vld [tilespmem:s22+$0x38F0];
	s22 =	sshra.s32 s23, $0x2  }
0xc3: {  	s23 =	sadd.s32 $0x200, s23;
	v0 =	vld [tilespmem:s22+$0x2C00];
	v6 =	vadd.f32 v6, v5;
	v5 =	vadd.f32 v8, v7  }
0xc4: {  	_ = 	snop  }
0xc5: {  	v7 =	vld [tilespmem:s22+$0x2C10];
	v1 =	vadd.f32 v1, v6  }
0xc6: {  	v6 =	vld [tilespmem:s22+$0x3880];
	v2 =	vadd.f32 v2, v5  }
0xc7: {  	v5 =	vld [tilespmem:s22+$0x3890];
	v1 =	vadd.f32 v3, v1  }
0xc8: {  	v3 =	vld [tilespmem:s22+$0x2C20];
	v2 =	vadd.f32 v4, v2  }
0xc9: {  	v4 =	vld [tilespmem:s22+$0x2C30];
	v0 =	vadd.f32 v0, v1  }
0xca: {  	v1 =	vadd.f32 v7, v2;
	v2 =	vld [tilespmem:s22+$0x38A0]  }
0xcb: {  	v7 =	vld [tilespmem:s22+$0x38B0];
	v0 =	vadd.f32 v6, v0  }
0xcc: {  	v1 =	vadd.f32 v5, v1;
	v5 =	vld [tilespmem:s22+$0x2C40]  }
0xcd: {  	v6 =	vld [tilespmem:s22+$0x2C50];
	v0 =	vadd.f32 v3, v0  }
0xce: {  	v1 =	vadd.f32 v4, v1;
	v3 =	vld [tilespmem:s22+$0x38C0]  }
0xcf: {  	v4 =	vld [tilespmem:s22+$0x38D0];
	v0 =	vadd.f32 v2, v0  }
0xd0: {  	v1 =	vadd.f32 v7, v1;
	v2 =	vld [tilespmem:s22+$0x2C60]  }
0xd1: {  	v7 =	vld [tilespmem:s22+$0x2C70];
	v0 =	vadd.f32 v5, v0  }
0xd2: {  	v1 =	vadd.f32 v6, v1;
	v5 =	vld [tilespmem:s22+$0x38E0]  }
0xd3: {  	v6 =	vld [tilespmem:s22+$0x38F0];
	v0 =	vadd.f32 v3, v0  }
0xd4: {  	v1 =	vadd.f32 v4, v1  }
0xd5: {  	v0 =	vadd.f32 v2, v0  }
0xd6: {  	v1 =	vadd.f32 v7, v1  }
0xd7: {  	v0 =	vadd.f32 v5, v0  }
0xd8: {  	v1 =	vadd.f32 v6, v1  }
0xd9: {  	v0 =	vmul.f32 $4.999999890e-03, v0  }
0xda: {  	v1 =	vmul.f32 $4.999999890e-03, v1  }
0xdb: {  	[tilespmem:s21+$0xCEA0] =	vst v0  }
0xdc: {  	s23 =	simm.s32 $0xFFFFF380;
	[tilespmem:s21+$0xCEB0] =	vst v1  }
0xdd: {  	v0 =	vld [tilespmem:s23+$0x4500]  }
0xde: {  	v1 =	vld [tilespmem:s23+$0x4510]  }
0xdf: {  	v2 =	vld [tilespmem:s23+$0x5180]  }
0xe0: {  	v3 =	vld [tilespmem:s23+$0x5190]  }
0xe1: {  	v4 =	vld [tilespmem:s23+$0x4520]  }
0xe2: {  	v5 =	vimm.f32 $0.0e+00;
	v6 =	vld [tilespmem:s23+$0x4530]  }
0xe3: {  	v7 =	vld [tilespmem:s23+$0x51B0];
	v0 =	vadd.f32 v0, v5;
	v1 =	vadd.f32 v1, v5  }
0xe4: {  	v5 =	vld [tilespmem:s23+$0x51A0]  }
0xe5: {  	v8 =	vld [tilespmem:s23+$0x4550];
	v0 =	vadd.f32 v2, v0;
	v1 =	vadd.f32 v3, v1  }
0xe6: {  	v3 =	vld [tilespmem:s23+$0x4540]  }
0xe7: {  	v9 =	vld [tilespmem:s23+$0x51D0];
	v0 =	vadd.f32 v4, v0;
	v1 =	vadd.f32 v6, v1  }
0xe8: {  	v6 =	vld [tilespmem:s23+$0x51C0]  }
0xe9: {  	v2 =	vld [tilespmem:s23+$0x4570];
	v0 =	vadd.f32 v5, v0;
	v4 =	vadd.f32 v7, v1  }
0xea: {  	v1 =	vld [tilespmem:s23+$0x4560]  }
0xeb: {  	v5 =	vadd.f32 v3, v0;
	v7 =	vadd.f32 v8, v4;
	v3 =	vld [tilespmem:s23+$0x51E0]  }
0xec: {  	s22 =	simm.s32 $0xFFFFF400;
	v4 =	vld [tilespmem:s23+$0x51F0]  }
0xed: {  	v0 =	vld [tilespmem:s22+$0x4500];
	s23 =	simm.s32 $0xFFFFD200;
	v6 =	vadd.f32 v6, v5;
	v5 =	vadd.f32 v9, v7  }
.LBB2_7:
0xee: {  	p0 =	sne.s32 s23, $0xFFFFFE00;
	v7 =	vld [tilespmem:s22+$0x4510]  }
0xef: {  	v8 =	vld [tilespmem:s22+$0x5180];
	v1 =	vadd.f32 v1, v6;
	v2 =	vadd.f32 v2, v5  }
0xf0: {  	v5 =	vld [tilespmem:s22+$0x5190]  }
0xf1: {  	v6 =	vld [tilespmem:s22+$0x4520];
	v1 =	vadd.f32 v3, v1;
	v2 =	vadd.f32 v4, v2  }
0xf2: {  	v3 =	vld [tilespmem:s22+$0x4530]  }
0xf3: {  	v0 =	vadd.f32 v0, v1;
	v1 =	vadd.f32 v7, v2;
	v2 =	vld [tilespmem:s22+$0x51A0]  }
0xf4: {  	v4 =	vld [tilespmem:s22+$0x51B0]  }
0xf5: {  	v0 =	vadd.f32 v8, v0;
	v1 =	vadd.f32 v5, v1;
	v5 =	vld [tilespmem:s22+$0x4540]  }
0xf6: {  	v7 =	vld [tilespmem:s22+$0x4550]  }
0xf7: {  	v0 =	vadd.f32 v6, v0;
	v1 =	vadd.f32 v3, v1;
	v6 =	vld [tilespmem:s22+$0x51C0]  }
0xf8: {  	v8 =	vld [tilespmem:s22+$0x51D0]  }
.Ltmp2:
0xf9: {  	v0 =	vadd.f32 v2, v0;
	v3 =	vadd.f32 v4, v1;
	v1 =	vld [tilespmem:s22+$0x4560];
	(pc) =	sbr.rel @p0 .LBB2_7-.Ltmp2, $4  }
0xfa: {  	v2 =	vld [tilespmem:s22+$0x4570]  }
0xfb: {  	v5 =	vadd.f32 v5, v0;
	v7 =	vadd.f32 v7, v3;
	v3 =	vld [tilespmem:s22+$0x51E0]  }
0xfc: {  	v4 =	vld [tilespmem:s22+$0x51F0];
	s22 =	sshra.s32 s23, $0x2  }
0xfd: {  	s23 =	sadd.s32 $0x200, s23;
	v0 =	vld [tilespmem:s22+$0x4500];
	v6 =	vadd.f32 v6, v5;
	v5 =	vadd.f32 v8, v7  }
0xfe: {  	_ = 	snop  }
0xff: {  	v7 =	vld [tilespmem:s22+$0x4510];
	v1 =	vadd.f32 v1, v6  }
0x100: {  	v6 =	vld [tilespmem:s22+$0x5180];
	v2 =	vadd.f32 v2, v5  }
0x101: {  	v5 =	vld [tilespmem:s22+$0x5190];
	v1 =	vadd.f32 v3, v1  }
0x102: {  	v3 =	vld [tilespmem:s22+$0x4520];
	v2 =	vadd.f32 v4, v2  }
0x103: {  	v4 =	vld [tilespmem:s22+$0x4530];
	v0 =	vadd.f32 v0, v1  }
0x104: {  	v1 =	vadd.f32 v7, v2;
	v2 =	vld [tilespmem:s22+$0x51A0]  }
0x105: {  	v7 =	vld [tilespmem:s22+$0x51B0];
	v0 =	vadd.f32 v6, v0  }
0x106: {  	v1 =	vadd.f32 v5, v1;
	v5 =	vld [tilespmem:s22+$0x4540]  }
0x107: {  	v6 =	vld [tilespmem:s22+$0x4550];
	v0 =	vadd.f32 v3, v0  }
0x108: {  	v1 =	vadd.f32 v4, v1;
	v3 =	vld [tilespmem:s22+$0x51C0]  }
0x109: {  	v4 =	vld [tilespmem:s22+$0x51D0];
	v0 =	vadd.f32 v2, v0  }
0x10a: {  	v1 =	vadd.f32 v7, v1;
	v2 =	vld [tilespmem:s22+$0x4560]  }
0x10b: {  	v7 =	vld [tilespmem:s22+$0x4570];
	v0 =	vadd.f32 v5, v0  }
0x10c: {  	v1 =	vadd.f32 v6, v1;
	v5 =	vld [tilespmem:s22+$0x51E0]  }
0x10d: {  	v6 =	vld [tilespmem:s22+$0x51F0];
	v0 =	vadd.f32 v3, v0  }
0x10e: {  	v1 =	vadd.f32 v4, v1  }
0x10f: {  	v0 =	vadd.f32 v2, v0  }
0x110: {  	v1 =	vadd.f32 v7, v1  }
0x111: {  	v0 =	vadd.f32 v5, v0  }
0x112: {  	v1 =	vadd.f32 v6, v1  }
0x113: {  	v0 =	vmul.f32 $4.999999890e-03, v0  }
0x114: {  	v1 =	vmul.f32 $4.999999890e-03, v1  }
0x115: {  	[tilespmem:s21+$0xCEC0] =	vst v0  }
0x116: {  	s23 =	simm.s32 $0x0;
	[tilespmem:s21+$0xCED0] =	vst v1  }
0x117: {  	v0 =	vld [tilespmem:s23+$0x5180]  }
0x118: {  	v1 =	vld [tilespmem:s23+$0x5190]  }
0x119: {  	v2 =	vld [tilespmem:s23+$0x5E00]  }
0x11a: {  	v3 =	vld [tilespmem:s23+$0x5E10]  }
0x11b: {  	v4 =	vld [tilespmem:s23+$0x51A0]  }
0x11c: {  	v5 =	vimm.f32 $0.0e+00;
	v6 =	vld [tilespmem:s23+$0x51B0]  }
0x11d: {  	v7 =	vld [tilespmem:s23+$0x5E30];
	v0 =	vadd.f32 v0, v5;
	v1 =	vadd.f32 v1, v5  }
0x11e: {  	v5 =	vld [tilespmem:s23+$0x5E20]  }
0x11f: {  	v8 =	vld [tilespmem:s23+$0x51D0];
	v0 =	vadd.f32 v2, v0;
	v1 =	vadd.f32 v3, v1  }
0x120: {  	v3 =	vld [tilespmem:s23+$0x51C0]  }
0x121: {  	v9 =	vld [tilespmem:s23+$0x5E50];
	v0 =	vadd.f32 v4, v0;
	v1 =	vadd.f32 v6, v1  }
0x122: {  	v6 =	vld [tilespmem:s23+$0x5E40]  }
0x123: {  	v2 =	vld [tilespmem:s23+$0x51F0];
	v0 =	vadd.f32 v5, v0;
	v4 =	vadd.f32 v7, v1  }
0x124: {  	v1 =	vld [tilespmem:s23+$0x51E0]  }
0x125: {  	v5 =	vadd.f32 v3, v0;
	v7 =	vadd.f32 v8, v4;
	v3 =	vld [tilespmem:s23+$0x5E60]  }
0x126: {  	s22 =	simm.s32 $0x80;
	v4 =	vld [tilespmem:s23+$0x5E70]  }
0x127: {  	v0 =	vld [tilespmem:s22+$0x5180];
	s23 =	simm.s32 $0x400;
	v6 =	vadd.f32 v6, v5;
	v5 =	vadd.f32 v9, v7  }
.LBB2_9:
0x128: {  	p0 =	sne.s32 s23, $0x3000;
	v7 =	vld [tilespmem:s22+$0x5190]  }
0x129: {  	v8 =	vld [tilespmem:s22+$0x5E00];
	v1 =	vadd.f32 v1, v6;
	v2 =	vadd.f32 v2, v5  }
0x12a: {  	v5 =	vld [tilespmem:s22+$0x5E10]  }
0x12b: {  	v6 =	vld [tilespmem:s22+$0x51A0];
	v1 =	vadd.f32 v3, v1;
	v2 =	vadd.f32 v4, v2  }
0x12c: {  	v3 =	vld [tilespmem:s22+$0x51B0]  }
0x12d: {  	v0 =	vadd.f32 v0, v1;
	v1 =	vadd.f32 v7, v2;
	v2 =	vld [tilespmem:s22+$0x5E20]  }
0x12e: {  	v4 =	vld [tilespmem:s22+$0x5E30]  }
0x12f: {  	v0 =	vadd.f32 v8, v0;
	v1 =	vadd.f32 v5, v1;
	v5 =	vld [tilespmem:s22+$0x51C0]  }
0x130: {  	v7 =	vld [tilespmem:s22+$0x51D0]  }
0x131: {  	v0 =	vadd.f32 v6, v0;
	v1 =	vadd.f32 v3, v1;
	v6 =	vld [tilespmem:s22+$0x5E40]  }
0x132: {  	v8 =	vld [tilespmem:s22+$0x5E50]  }
.Ltmp3:
0x133: {  	v0 =	vadd.f32 v2, v0;
	v3 =	vadd.f32 v4, v1;
	v1 =	vld [tilespmem:s22+$0x51E0];
	(pc) =	sbr.rel @p0 .LBB2_9-.Ltmp3, $4  }
0x134: {  	v2 =	vld [tilespmem:s22+$0x51F0]  }
0x135: {  	v5 =	vadd.f32 v5, v0;
	v7 =	vadd.f32 v7, v3;
	v3 =	vld [tilespmem:s22+$0x5E60]  }
0x136: {  	v4 =	vld [tilespmem:s22+$0x5E70];
	s22 =	sshra.s32 s23, $0x2  }
0x137: {  	s23 =	sadd.s32 $0x200, s23;
	v0 =	vld [tilespmem:s22+$0x5180];
	v6 =	vadd.f32 v6, v5;
	v5 =	vadd.f32 v8, v7  }
0x138: {  	_ = 	snop  }
0x139: {  	v7 =	vld [tilespmem:s22+$0x5190];
	v1 =	vadd.f32 v1, v6  }
0x13a: {  	v6 =	vld [tilespmem:s22+$0x5E00];
	v2 =	vadd.f32 v2, v5  }
0x13b: {  	v5 =	vld [tilespmem:s22+$0x5E10];
	v1 =	vadd.f32 v3, v1  }
0x13c: {  	v3 =	vld [tilespmem:s22+$0x51A0];
	v2 =	vadd.f32 v4, v2  }
0x13d: {  	v4 =	vld [tilespmem:s22+$0x51B0];
	v0 =	vadd.f32 v0, v1  }
0x13e: {  	v1 =	vadd.f32 v7, v2;
	v2 =	vld [tilespmem:s22+$0x5E20]  }
0x13f: {  	v7 =	vld [tilespmem:s22+$0x5E30];
	v0 =	vadd.f32 v6, v0  }
0x140: {  	v1 =	vadd.f32 v5, v1;
	v5 =	vld [tilespmem:s22+$0x51C0]  }
0x141: {  	v6 =	vld [tilespmem:s22+$0x51D0];
	v0 =	vadd.f32 v3, v0  }
0x142: {  	v1 =	vadd.f32 v4, v1;
	v3 =	vld [tilespmem:s22+$0x5E40]  }
0x143: {  	v4 =	vld [tilespmem:s22+$0x5E50];
	v0 =	vadd.f32 v2, v0  }
0x144: {  	v1 =	vadd.f32 v7, v1;
	v2 =	vld [tilespmem:s22+$0x51E0]  }
0x145: {  	v7 =	vld [tilespmem:s22+$0x51F0];
	v0 =	vadd.f32 v5, v0  }
0x146: {  	v1 =	vadd.f32 v6, v1;
	v5 =	vld [tilespmem:s22+$0x5E60]  }
0x147: {  	v6 =	vld [tilespmem:s22+$0x5E70];
	v0 =	vadd.f32 v3, v0  }
0x148: {  	v1 =	vadd.f32 v4, v1  }
0x149: {  	v0 =	vadd.f32 v2, v0  }
0x14a: {  	v1 =	vadd.f32 v7, v1  }
0x14b: {  	v0 =	vadd.f32 v5, v0  }
0x14c: {  	v1 =	vadd.f32 v6, v1  }
0x14d: {  	v0 =	vmul.f32 $4.999999890e-03, v0  }
0x14e: {  	v1 =	vmul.f32 $4.999999890e-03, v1  }
0x14f: {  	[tilespmem:s21+$0xCEE0] =	vst v0  }
0x150: {  	s23 =	simm.s32 $0x0;
	[tilespmem:s21+$0xCEF0] =	vst v1  }
0x151: {  	v0 =	vld [tilespmem:s23+$0x6A80]  }
0x152: {  	v1 =	vld [tilespmem:s23+$0x6A90]  }
0x153: {  	v2 =	vld [tilespmem:s23+$0x7700]  }
0x154: {  	v3 =	vld [tilespmem:s23+$0x7710]  }
0x155: {  	v4 =	vld [tilespmem:s23+$0x6AA0]  }
0x156: {  	v5 =	vimm.f32 $0.0e+00;
	v6 =	vld [tilespmem:s23+$0x6AB0]  }
0x157: {  	v7 =	vld [tilespmem:s23+$0x7730];
	v0 =	vadd.f32 v0, v5;
	v1 =	vadd.f32 v1, v5  }
0x158: {  	v5 =	vld [tilespmem:s23+$0x7720]  }
0x159: {  	v8 =	vld [tilespmem:s23+$0x6AD0];
	v0 =	vadd.f32 v2, v0;
	v1 =	vadd.f32 v3, v1  }
0x15a: {  	v3 =	vld [tilespmem:s23+$0x6AC0]  }
0x15b: {  	v9 =	vld [tilespmem:s23+$0x7750];
	v0 =	vadd.f32 v4, v0;
	v1 =	vadd.f32 v6, v1  }
0x15c: {  	v6 =	vld [tilespmem:s23+$0x7740]  }
0x15d: {  	v2 =	vld [tilespmem:s23+$0x6AF0];
	v0 =	vadd.f32 v5, v0;
	v4 =	vadd.f32 v7, v1  }
0x15e: {  	v1 =	vld [tilespmem:s23+$0x6AE0]  }
0x15f: {  	v5 =	vadd.f32 v3, v0;
	v7 =	vadd.f32 v8, v4;
	v3 =	vld [tilespmem:s23+$0x7760]  }
0x160: {  	s22 =	simm.s32 $0x80;
	v4 =	vld [tilespmem:s23+$0x7770]  }
0x161: {  	v0 =	vld [tilespmem:s22+$0x6A80];
	s23 =	simm.s32 $0x400;
	v6 =	vadd.f32 v6, v5;
	v5 =	vadd.f32 v9, v7  }
.LBB2_11:
0x162: {  	p0 =	sne.s32 s23, $0x3000;
	v7 =	vld [tilespmem:s22+$0x6A90]  }
0x163: {  	v8 =	vld [tilespmem:s22+$0x7700];
	v1 =	vadd.f32 v1, v6;
	v2 =	vadd.f32 v2, v5  }
0x164: {  	v5 =	vld [tilespmem:s22+$0x7710]  }
0x165: {  	v6 =	vld [tilespmem:s22+$0x6AA0];
	v1 =	vadd.f32 v3, v1;
	v2 =	vadd.f32 v4, v2  }
0x166: {  	v3 =	vld [tilespmem:s22+$0x6AB0]  }
0x167: {  	v0 =	vadd.f32 v0, v1;
	v1 =	vadd.f32 v7, v2;
	v2 =	vld [tilespmem:s22+$0x7720]  }
0x168: {  	v4 =	vld [tilespmem:s22+$0x7730]  }
0x169: {  	v0 =	vadd.f32 v8, v0;
	v1 =	vadd.f32 v5, v1;
	v5 =	vld [tilespmem:s22+$0x6AC0]  }
0x16a: {  	v7 =	vld [tilespmem:s22+$0x6AD0]  }
0x16b: {  	v0 =	vadd.f32 v6, v0;
	v1 =	vadd.f32 v3, v1;
	v6 =	vld [tilespmem:s22+$0x7740]  }
0x16c: {  	v8 =	vld [tilespmem:s22+$0x7750]  }
.Ltmp4:
0x16d: {  	v0 =	vadd.f32 v2, v0;
	v3 =	vadd.f32 v4, v1;
	v1 =	vld [tilespmem:s22+$0x6AE0];
	(pc) =	sbr.rel @p0 .LBB2_11-.Ltmp4, $4  }
0x16e: {  	v2 =	vld [tilespmem:s22+$0x6AF0]  }
0x16f: {  	v5 =	vadd.f32 v5, v0;
	v7 =	vadd.f32 v7, v3;
	v3 =	vld [tilespmem:s22+$0x7760]  }
0x170: {  	v4 =	vld [tilespmem:s22+$0x7770];
	s22 =	sshra.s32 s23, $0x2  }
0x171: {  	s23 =	sadd.s32 $0x200, s23;
	v0 =	vld [tilespmem:s22+$0x6A80];
	v6 =	vadd.f32 v6, v5;
	v5 =	vadd.f32 v8, v7  }
0x172: {  	_ = 	snop  }
0x173: {  	v7 =	vld [tilespmem:s22+$0x6A90];
	v1 =	vadd.f32 v1, v6  }
0x174: {  	v6 =	vld [tilespmem:s22+$0x7700];
	v2 =	vadd.f32 v2, v5  }
0x175: {  	v5 =	vld [tilespmem:s22+$0x7710];
	v1 =	vadd.f32 v3, v1  }
0x176: {  	v3 =	vld [tilespmem:s22+$0x6AA0];
	v2 =	vadd.f32 v4, v2  }
0x177: {  	v4 =	vld [tilespmem:s22+$0x6AB0];
	v0 =	vadd.f32 v0, v1  }
0x178: {  	v1 =	vadd.f32 v7, v2;
	v2 =	vld [tilespmem:s22+$0x7720]  }
0x179: {  	v7 =	vld [tilespmem:s22+$0x7730];
	v0 =	vadd.f32 v6, v0  }
0x17a: {  	v1 =	vadd.f32 v5, v1;
	v5 =	vld [tilespmem:s22+$0x6AC0]  }
0x17b: {  	v6 =	vld [tilespmem:s22+$0x6AD0];
	v0 =	vadd.f32 v3, v0  }
0x17c: {  	v1 =	vadd.f32 v4, v1;
	v3 =	vld [tilespmem:s22+$0x7740]  }
0x17d: {  	v4 =	vld [tilespmem:s22+$0x7750];
	v0 =	vadd.f32 v2, v0  }
0x17e: {  	v1 =	vadd.f32 v7, v1;
	v2 =	vld [tilespmem:s22+$0x6AE0]  }
0x17f: {  	v7 =	vld [tilespmem:s22+$0x6AF0];
	v0 =	vadd.f32 v5, v0  }
0x180: {  	v1 =	vadd.f32 v6, v1;
	v5 =	vld [tilespmem:s22+$0x7760]  }
0x181: {  	v6 =	vld [tilespmem:s22+$0x7770];
	v0 =	vadd.f32 v3, v0  }
0x182: {  	v1 =	vadd.f32 v4, v1  }
0x183: {  	v0 =	vadd.f32 v2, v0  }
0x184: {  	v1 =	vadd.f32 v7, v1  }
0x185: {  	v0 =	vadd.f32 v5, v0  }
0x186: {  	v1 =	vadd.f32 v6, v1  }
0x187: {  	v0 =	vmul.f32 $4.999999890e-03, v0  }
0x188: {  	v1 =	vmul.f32 $4.999999890e-03, v1  }
0x189: {  	[tilespmem:s21+$0xCF00] =	vst v0  }
0x18a: {  	s23 =	simm.s32 $0x0;
	[tilespmem:s21+$0xCF10] =	vst v1  }
0x18b: {  	v0 =	vld [tilespmem:s23+$0x8380]  }
0x18c: {  	v1 =	vld [tilespmem:s23+$0x8390]  }
0x18d: {  	v2 =	vld [tilespmem:s23+$0x9000]  }
0x18e: {  	v3 =	vld [tilespmem:s23+$0x9010]  }
0x18f: {  	v4 =	vld [tilespmem:s23+$0x83A0]  }
0x190: {  	v5 =	vimm.f32 $0.0e+00;
	v6 =	vld [tilespmem:s23+$0x83B0]  }
0x191: {  	v7 =	vld [tilespmem:s23+$0x9030];
	v0 =	vadd.f32 v0, v5;
	v1 =	vadd.f32 v1, v5  }
0x192: {  	v5 =	vld [tilespmem:s23+$0x9020]  }
0x193: {  	v8 =	vld [tilespmem:s23+$0x83D0];
	v0 =	vadd.f32 v2, v0;
	v1 =	vadd.f32 v3, v1  }
0x194: {  	v3 =	vld [tilespmem:s23+$0x83C0]  }
0x195: {  	v9 =	vld [tilespmem:s23+$0x9050];
	v0 =	vadd.f32 v4, v0;
	v1 =	vadd.f32 v6, v1  }
0x196: {  	v6 =	vld [tilespmem:s23+$0x9040]  }
0x197: {  	v2 =	vld [tilespmem:s23+$0x83F0];
	v0 =	vadd.f32 v5, v0;
	v4 =	vadd.f32 v7, v1  }
0x198: {  	v1 =	vld [tilespmem:s23+$0x83E0]  }
0x199: {  	v5 =	vadd.f32 v3, v0;
	v7 =	vadd.f32 v8, v4;
	v3 =	vld [tilespmem:s23+$0x9060]  }
0x19a: {  	s22 =	simm.s32 $0x80;
	v4 =	vld [tilespmem:s23+$0x9070]  }
0x19b: {  	v0 =	vld [tilespmem:s22+$0x8380];
	s23 =	simm.s32 $0x400;
	v6 =	vadd.f32 v6, v5;
	v5 =	vadd.f32 v9, v7  }
.LBB2_13:
0x19c: {  	p0 =	sne.s32 s23, $0x3000;
	v7 =	vld [tilespmem:s22+$0x8390]  }
0x19d: {  	v8 =	vld [tilespmem:s22+$0x9000];
	v1 =	vadd.f32 v1, v6;
	v2 =	vadd.f32 v2, v5  }
0x19e: {  	v5 =	vld [tilespmem:s22+$0x9010]  }
0x19f: {  	v6 =	vld [tilespmem:s22+$0x83A0];
	v1 =	vadd.f32 v3, v1;
	v2 =	vadd.f32 v4, v2  }
0x1a0: {  	v3 =	vld [tilespmem:s22+$0x83B0]  }
0x1a1: {  	v0 =	vadd.f32 v0, v1;
	v1 =	vadd.f32 v7, v2;
	v2 =	vld [tilespmem:s22+$0x9020]  }
0x1a2: {  	v4 =	vld [tilespmem:s22+$0x9030]  }
0x1a3: {  	v0 =	vadd.f32 v8, v0;
	v1 =	vadd.f32 v5, v1;
	v5 =	vld [tilespmem:s22+$0x83C0]  }
0x1a4: {  	v7 =	vld [tilespmem:s22+$0x83D0]  }
0x1a5: {  	v0 =	vadd.f32 v6, v0;
	v1 =	vadd.f32 v3, v1;
	v6 =	vld [tilespmem:s22+$0x9040]  }
0x1a6: {  	v8 =	vld [tilespmem:s22+$0x9050]  }
.Ltmp5:
0x1a7: {  	v0 =	vadd.f32 v2, v0;
	v3 =	vadd.f32 v4, v1;
	v1 =	vld [tilespmem:s22+$0x83E0];
	(pc) =	sbr.rel @p0 .LBB2_13-.Ltmp5, $4  }
0x1a8: {  	v2 =	vld [tilespmem:s22+$0x83F0]  }
0x1a9: {  	v5 =	vadd.f32 v5, v0;
	v7 =	vadd.f32 v7, v3;
	v3 =	vld [tilespmem:s22+$0x9060]  }
0x1aa: {  	v4 =	vld [tilespmem:s22+$0x9070];
	s22 =	sshra.s32 s23, $0x2  }
0x1ab: {  	s23 =	sadd.s32 $0x200, s23;
	v0 =	vld [tilespmem:s22+$0x8380];
	v6 =	vadd.f32 v6, v5;
	v5 =	vadd.f32 v8, v7  }
0x1ac: {  	_ = 	snop  }
0x1ad: {  	v7 =	vld [tilespmem:s22+$0x8390];
	v1 =	vadd.f32 v1, v6  }
0x1ae: {  	v6 =	vld [tilespmem:s22+$0x9000];
	v2 =	vadd.f32 v2, v5  }
0x1af: {  	v5 =	vld [tilespmem:s22+$0x9010];
	v1 =	vadd.f32 v3, v1  }
0x1b0: {  	v3 =	vld [tilespmem:s22+$0x83A0];
	v2 =	vadd.f32 v4, v2  }
0x1b1: {  	v4 =	vld [tilespmem:s22+$0x83B0];
	v0 =	vadd.f32 v0, v1  }
0x1b2: {  	v1 =	vadd.f32 v7, v2;
	v2 =	vld [tilespmem:s22+$0x9020]  }
0x1b3: {  	v7 =	vld [tilespmem:s22+$0x9030];
	v0 =	vadd.f32 v6, v0  }
0x1b4: {  	v1 =	vadd.f32 v5, v1;
	v5 =	vld [tilespmem:s22+$0x83C0]  }
0x1b5: {  	v6 =	vld [tilespmem:s22+$0x83D0];
	v0 =	vadd.f32 v3, v0  }
0x1b6: {  	v1 =	vadd.f32 v4, v1;
	v3 =	vld [tilespmem:s22+$0x9040]  }
0x1b7: {  	v4 =	vld [tilespmem:s22+$0x9050];
	v0 =	vadd.f32 v2, v0  }
0x1b8: {  	v1 =	vadd.f32 v7, v1;
	v2 =	vld [tilespmem:s22+$0x83E0]  }
0x1b9: {  	v7 =	vld [tilespmem:s22+$0x83F0];
	v0 =	vadd.f32 v5, v0  }
0x1ba: {  	v1 =	vadd.f32 v6, v1;
	v5 =	vld [tilespmem:s22+$0x9060]  }
0x1bb: {  	v6 =	vld [tilespmem:s22+$0x9070];
	v0 =	vadd.f32 v3, v0  }
0x1bc: {  	v1 =	vadd.f32 v4, v1  }
0x1bd: {  	v0 =	vadd.f32 v2, v0  }
0x1be: {  	v1 =	vadd.f32 v7, v1  }
0x1bf: {  	v0 =	vadd.f32 v5, v0  }
0x1c0: {  	v1 =	vadd.f32 v6, v1  }
0x1c1: {  	v0 =	vmul.f32 $4.999999890e-03, v0  }
0x1c2: {  	v1 =	vmul.f32 $4.999999890e-03, v1  }
0x1c3: {  	[tilespmem:s21+$0xCF20] =	vst v0  }
0x1c4: {  	s23 =	simm.s32 $0x0;
	[tilespmem:s21+$0xCF30] =	vst v1  }
0x1c5: {  	v0 =	vld [tilespmem:s23+$0x9C80]  }
0x1c6: {  	v1 =	vld [tilespmem:s23+$0x9C90]  }
0x1c7: {  	v2 =	vld [tilespmem:s23+$0xA900]  }
0x1c8: {  	v3 =	vld [tilespmem:s23+$0xA910]  }
0x1c9: {  	v4 =	vld [tilespmem:s23+$0x9CA0]  }
0x1ca: {  	v5 =	vimm.f32 $0.0e+00;
	v6 =	vld [tilespmem:s23+$0x9CB0]  }
0x1cb: {  	v7 =	vld [tilespmem:s23+$0xA930];
	v0 =	vadd.f32 v0, v5;
	v1 =	vadd.f32 v1, v5  }
0x1cc: {  	v5 =	vld [tilespmem:s23+$0xA920]  }
0x1cd: {  	v8 =	vld [tilespmem:s23+$0x9CD0];
	v0 =	vadd.f32 v2, v0;
	v1 =	vadd.f32 v3, v1  }
0x1ce: {  	v3 =	vld [tilespmem:s23+$0x9CC0]  }
0x1cf: {  	v9 =	vld [tilespmem:s23+$0xA950];
	v0 =	vadd.f32 v4, v0;
	v1 =	vadd.f32 v6, v1  }
0x1d0: {  	v6 =	vld [tilespmem:s23+$0xA940]  }
0x1d1: {  	v2 =	vld [tilespmem:s23+$0x9CF0];
	v0 =	vadd.f32 v5, v0;
	v4 =	vadd.f32 v7, v1  }
0x1d2: {  	v1 =	vld [tilespmem:s23+$0x9CE0]  }
0x1d3: {  	v5 =	vadd.f32 v3, v0;
	v7 =	vadd.f32 v8, v4;
	v3 =	vld [tilespmem:s23+$0xA960]  }
0x1d4: {  	s22 =	simm.s32 $0x80;
	v4 =	vld [tilespmem:s23+$0xA970]  }
0x1d5: {  	v0 =	vld [tilespmem:s22+$0x9C80];
	s23 =	simm.s32 $0x400;
	v6 =	vadd.f32 v6, v5;
	v5 =	vadd.f32 v9, v7  }
.LBB2_15:
0x1d6: {  	p0 =	sne.s32 s23, $0x3000;
	v7 =	vld [tilespmem:s22+$0x9C90]  }
0x1d7: {  	v8 =	vld [tilespmem:s22+$0xA900];
	v1 =	vadd.f32 v1, v6;
	v2 =	vadd.f32 v2, v5  }
0x1d8: {  	v5 =	vld [tilespmem:s22+$0xA910]  }
0x1d9: {  	v6 =	vld [tilespmem:s22+$0x9CA0];
	v1 =	vadd.f32 v3, v1;
	v2 =	vadd.f32 v4, v2  }
0x1da: {  	v3 =	vld [tilespmem:s22+$0x9CB0]  }
0x1db: {  	v0 =	vadd.f32 v0, v1;
	v1 =	vadd.f32 v7, v2;
	v2 =	vld [tilespmem:s22+$0xA920]  }
0x1dc: {  	v4 =	vld [tilespmem:s22+$0xA930]  }
0x1dd: {  	v0 =	vadd.f32 v8, v0;
	v1 =	vadd.f32 v5, v1;
	v5 =	vld [tilespmem:s22+$0x9CC0]  }
0x1de: {  	v7 =	vld [tilespmem:s22+$0x9CD0]  }
0x1df: {  	v0 =	vadd.f32 v6, v0;
	v1 =	vadd.f32 v3, v1;
	v6 =	vld [tilespmem:s22+$0xA940]  }
0x1e0: {  	v8 =	vld [tilespmem:s22+$0xA950]  }
.Ltmp6:
0x1e1: {  	v0 =	vadd.f32 v2, v0;
	v3 =	vadd.f32 v4, v1;
	v1 =	vld [tilespmem:s22+$0x9CE0];
	(pc) =	sbr.rel @p0 .LBB2_15-.Ltmp6, $4  }
0x1e2: {  	v2 =	vld [tilespmem:s22+$0x9CF0]  }
0x1e3: {  	v5 =	vadd.f32 v5, v0;
	v7 =	vadd.f32 v7, v3;
	v3 =	vld [tilespmem:s22+$0xA960]  }
0x1e4: {  	v4 =	vld [tilespmem:s22+$0xA970];
	s22 =	sshra.s32 s23, $0x2  }
0x1e5: {  	s23 =	sadd.s32 $0x200, s23;
	v0 =	vld [tilespmem:s22+$0x9C80];
	v6 =	vadd.f32 v6, v5;
	v5 =	vadd.f32 v8, v7  }
0x1e6: {  	_ = 	snop  }
0x1e7: {  	v7 =	vld [tilespmem:s22+$0x9C90];
	v1 =	vadd.f32 v1, v6  }
0x1e8: {  	v6 =	vld [tilespmem:s22+$0xA900];
	v2 =	vadd.f32 v2, v5  }
0x1e9: {  	v5 =	vld [tilespmem:s22+$0xA910];
	v1 =	vadd.f32 v3, v1  }
0x1ea: {  	v3 =	vld [tilespmem:s22+$0x9CA0];
	v2 =	vadd.f32 v4, v2  }
0x1eb: {  	v4 =	vld [tilespmem:s22+$0x9CB0];
	v0 =	vadd.f32 v0, v1  }
0x1ec: {  	v1 =	vadd.f32 v7, v2;
	v2 =	vld [tilespmem:s22+$0xA920]  }
0x1ed: {  	v7 =	vld [tilespmem:s22+$0xA930];
	v0 =	vadd.f32 v6, v0  }
0x1ee: {  	v1 =	vadd.f32 v5, v1;
	v5 =	vld [tilespmem:s22+$0x9CC0]  }
0x1ef: {  	v6 =	vld [tilespmem:s22+$0x9CD0];
	v0 =	vadd.f32 v3, v0  }
0x1f0: {  	v1 =	vadd.f32 v4, v1;
	v3 =	vld [tilespmem:s22+$0xA940]  }
0x1f1: {  	v4 =	vld [tilespmem:s22+$0xA950];
	v0 =	vadd.f32 v2, v0  }
0x1f2: {  	v1 =	vadd.f32 v7, v1;
	v2 =	vld [tilespmem:s22+$0x9CE0]  }
0x1f3: {  	v7 =	vld [tilespmem:s22+$0x9CF0];
	v0 =	vadd.f32 v5, v0  }
0x1f4: {  	v1 =	vadd.f32 v6, v1;
	v5 =	vld [tilespmem:s22+$0xA960]  }
0x1f5: {  	v6 =	vld [tilespmem:s22+$0xA970];
	v0 =	vadd.f32 v3, v0  }
0x1f6: {  	v1 =	vadd.f32 v4, v1  }
0x1f7: {  	v0 =	vadd.f32 v2, v0  }
0x1f8: {  	v1 =	vadd.f32 v7, v1  }
0x1f9: {  	v0 =	vadd.f32 v5, v0  }
0x1fa: {  	v1 =	vadd.f32 v6, v1  }
0x1fb: {  	v0 =	vmul.f32 $4.999999890e-03, v0  }
0x1fc: {  	v1 =	vmul.f32 $4.999999890e-03, v1  }
0x1fd: {  	[tilespmem:s21+$0xCF40] =	vst v0  }
0x1fe: {  	s23 =	simm.s32 $0x0;
	[tilespmem:s21+$0xCF50] =	vst v1  }
0x1ff: {  	v0 =	vld [tilespmem:s23+$0xB580]  }
0x200: {  	v1 =	vld [tilespmem:s23+$0xB590]  }
0x201: {  	v2 =	vld [tilespmem:s23+$0xC200]  }
0x202: {  	v3 =	vld [tilespmem:s23+$0xC210]  }
0x203: {  	v4 =	vld [tilespmem:s23+$0xB5A0]  }
0x204: {  	v5 =	vimm.f32 $0.0e+00;
	v6 =	vld [tilespmem:s23+$0xB5B0]  }
0x205: {  	v7 =	vld [tilespmem:s23+$0xC230];
	v0 =	vadd.f32 v0, v5;
	v1 =	vadd.f32 v1, v5  }
0x206: {  	v5 =	vld [tilespmem:s23+$0xC220]  }
0x207: {  	v8 =	vld [tilespmem:s23+$0xB5D0];
	v0 =	vadd.f32 v2, v0;
	v1 =	vadd.f32 v3, v1  }
0x208: {  	v3 =	vld [tilespmem:s23+$0xB5C0]  }
0x209: {  	v9 =	vld [tilespmem:s23+$0xC250];
	v0 =	vadd.f32 v4, v0;
	v1 =	vadd.f32 v6, v1  }
0x20a: {  	v6 =	vld [tilespmem:s23+$0xC240]  }
0x20b: {  	v2 =	vld [tilespmem:s23+$0xB5F0];
	v0 =	vadd.f32 v5, v0;
	v4 =	vadd.f32 v7, v1  }
0x20c: {  	v1 =	vld [tilespmem:s23+$0xB5E0]  }
0x20d: {  	v5 =	vadd.f32 v3, v0;
	v7 =	vadd.f32 v8, v4;
	v3 =	vld [tilespmem:s23+$0xC260]  }
0x20e: {  	s22 =	simm.s32 $0x80;
	v4 =	vld [tilespmem:s23+$0xC270]  }
0x20f: {  	v0 =	vld [tilespmem:s22+$0xB580];
	s23 =	simm.s32 $0x400;
	v6 =	vadd.f32 v6, v5;
	v5 =	vadd.f32 v9, v7  }
.LBB2_17:
0x210: {  	p0 =	sne.s32 s23, $0x3000;
	v7 =	vld [tilespmem:s22+$0xB590]  }
0x211: {  	v8 =	vld [tilespmem:s22+$0xC200];
	v1 =	vadd.f32 v1, v6;
	v2 =	vadd.f32 v2, v5  }
0x212: {  	v5 =	vld [tilespmem:s22+$0xC210]  }
0x213: {  	v6 =	vld [tilespmem:s22+$0xB5A0];
	v1 =	vadd.f32 v3, v1;
	v2 =	vadd.f32 v4, v2  }
0x214: {  	v3 =	vld [tilespmem:s22+$0xB5B0]  }
0x215: {  	v0 =	vadd.f32 v0, v1;
	v1 =	vadd.f32 v7, v2;
	v2 =	vld [tilespmem:s22+$0xC220]  }
0x216: {  	v4 =	vld [tilespmem:s22+$0xC230]  }
0x217: {  	v0 =	vadd.f32 v8, v0;
	v1 =	vadd.f32 v5, v1;
	v5 =	vld [tilespmem:s22+$0xB5C0]  }
0x218: {  	v7 =	vld [tilespmem:s22+$0xB5D0]  }
0x219: {  	v0 =	vadd.f32 v6, v0;
	v1 =	vadd.f32 v3, v1;
	v6 =	vld [tilespmem:s22+$0xC240]  }
0x21a: {  	v8 =	vld [tilespmem:s22+$0xC250]  }
.Ltmp7:
0x21b: {  	v0 =	vadd.f32 v2, v0;
	v3 =	vadd.f32 v4, v1;
	v1 =	vld [tilespmem:s22+$0xB5E0];
	(pc) =	sbr.rel @p0 .LBB2_17-.Ltmp7, $4  }
0x21c: {  	v2 =	vld [tilespmem:s22+$0xB5F0]  }
0x21d: {  	v5 =	vadd.f32 v5, v0;
	v7 =	vadd.f32 v7, v3;
	v3 =	vld [tilespmem:s22+$0xC260]  }
0x21e: {  	v4 =	vld [tilespmem:s22+$0xC270];
	s22 =	sshra.s32 s23, $0x2  }
0x21f: {  	s23 =	sadd.s32 $0x200, s23;
	v0 =	vld [tilespmem:s22+$0xB580];
	v6 =	vadd.f32 v6, v5;
	v5 =	vadd.f32 v8, v7  }
0x220: {  	_ = 	snop  }
0x221: {  	v7 =	vld [tilespmem:s22+$0xB590];
	v1 =	vadd.f32 v1, v6  }
0x222: {  	v49 =	vld [tilespmem:s22+$0xC200];
	v2 =	vadd.f32 v2, v5  }
0x223: {  	v50 =	vld [tilespmem:s22+$0xC210];
	v1 =	vadd.f32 v3, v1  }
0x224: {  	v51 =	vld [tilespmem:s22+$0xB5A0];
	v2 =	vadd.f32 v4, v2  }
0x225: {  	v52 =	vld [tilespmem:s22+$0xB5B0];
	v0 =	vadd.f32 v0, v1  }
0x226: {  	v54 =	vld [tilespmem:s22+$0xC220];
	v53 =	vadd.f32 v7, v2  }
0x227: {  	v55 =	vld [tilespmem:s22+$0xC230];
	v0 =	vadd.f32 v49, v0  }
0x228: {  	v56 =	vld [tilespmem:s22+$0xB5C0];
	v1 =	vadd.f32 v50, v53  }
0x229: {  	v57 =	vld [tilespmem:s22+$0xB5D0];
	v0 =	vadd.f32 v51, v0  }
0x22a: {  	v58 =	vld [tilespmem:s22+$0xC240];
	v1 =	vadd.f32 v52, v1  }
0x22b: {  	v59 =	vld [tilespmem:s22+$0xC250];
	v0 =	vadd.f32 v54, v0  }
0x22c: {  	v60 =	vld [tilespmem:s22+$0xB5E0];
	v1 =	vadd.f32 v55, v1  }
0x22d: {  	v61 =	vld [tilespmem:s22+$0xB5F0];
	v0 =	vadd.f32 v56, v0  }
0x22e: {  	v62 =	vld [tilespmem:s22+$0xC260];
	v1 =	vadd.f32 v57, v1  }
0x22f: {  	v63 =	vld [tilespmem:s22+$0xC270];
	v0 =	vadd.f32 v58, v0  }
0x230: {  	v1 =	vadd.f32 v59, v1  }
0x231: {  	v0 =	vadd.f32 v60, v0  }
0x232: {  	v1 =	vadd.f32 v61, v1  }
0x233: {  	v0 =	vadd.f32 v62, v0  }
0x234: {  	v1 =	vadd.f32 v63, v1  }
0x235: {  	v0 =	vmul.f32 $4.999999890e-03, v0  }
0x236: {  	s20 =	smul.u32 $0x190, s20;
	s19 =	sadd.s32 $0x1, s19;
	v1 =	vmul.f32 $4.999999890e-03, v1  }
0x237: {  	s23 =	rddreg [dreg:$0x1];
	p0 =	sne.s32 s19, $0x10;
	[tilespmem:s21+$0xCF60] =	vst v0  }
.Ltmp8:
0x238: {  	s20 =	sadd.s32 s23, s20;
	[tilespmem:s21+$0xCF70] =	vst v1;
	(pc) =	sbr.rel @p0 .LBB2_2-.Ltmp8, $4  }
0x239: {  	[hbm4b:s20+s3] =	stream.linear.scatter [tilespmem:s11], [sflag:$0x2], $0xC800, $0x38;
	[tilespmem:$0xDE80] =	vst v63  }
0x23a: {  	_ =	swait.ge [sflag:s9], $0xC800  }
0x23b: {  	[sflag:s9] =	ssyncset.done $0x0  }
0x23c: {  	[sflag:s9] =	ssyncadd.s32 $0xFFFF3800  }
0x23d: {  	s19 =	rddreg [dreg:$0x4];
	s20 =	simm.s32 $0xCE80  }
0x23e: {  	[hbm4b:s19+s3] =	stream.linear.scatter [tilespmem:s20], [sflag:$0x2], $0x1000, $0x38;
	[tilespmem:$0xDE80] =	vst v63  }
0x23f: {  	_ =	swait.ge [sflag:s9], $0x1000  }
0x240: {  	s22 =	rddreg [dreg:$0x6]  }
0x241: {  	s23 =	rddreg [dreg:$0x5];
	s20 =	sadd.s32 $0x1, s22  }
0x242: {  	p0 =	sne.s32 s20, s23  }
.Ltmp9:
0x243: {  	_ = 	snop;
	(pc) =	sbr.rel @p0 .LBB2_1-.Ltmp9, $3  }
0x244: {  	_ =	sdelay $0x1  }
0x245: {  	[sflag:s9] =	ssyncset.done $0x0  }
0x246: {  	[sflag:s9] =	ssyncadd.s32 $0xFFFFF000  }
0x247: {  	_ =	sfence.sel $0x180000  }
0x248: {  	[bflag:$0x0] =	sbarrier.arrive $0xFFFF  }
0x249: {  	_ =	strace $0x90000047  }
0x24a: {  	s0 =	stileid.u32;
	[bflag:$0x2] =	sbarrier.arrive $0xFFFF  }
0x24b: {  	p0 =	sne.s32 s0, $0x0;
	s0 =	rddreg [dreg:$0x3]  }
0x24c: {  	s0 =	sadd.s32 @!p0 $0x100000, s0  }
0x24d: {  	[sflag:s0] =	ssyncadd.tile.s32 @!p0 $0x1;
	_ =	shalt  }
.Lfunc_end2:
_tile_overlayer_lowered:
.L_overlay_start_2:
0x24e: {  	(tag) =	ssettag $0x2  }
0x24f: {  	s0 =	rddreg [dreg:$0x0];
	s2 =	stileid.u32  }
0x250: {  	s1 =	rddreg [dreg:$0x1];
	p0 =	sne.s32 s2, $0x0  }
0x251: {  	s3 =	rddreg [dreg:$0x2];
	[bflag:$0x3] =	sbarrier.arrive $0xFFFF;
	s2 =	simm.s32 @!p0 $0x1C02  }
0x252: {  	[timem:s3], [sflag:s2] =	dma.local @!p0 [hbm:s0], s1  }
0x253: {  	s0 =	simm.s32 @!p0 $0x2  }
0x254: {  	_ =	swait.ge @!p0 [sflag:s0], s1  }
0x255: {  	s1 =	ssub.s32 @!p0 $0x0, s1;
	[sflag:s0] =	ssyncset.done @!p0 $0x0  }
0x256: {  	[sflag:s0] =	ssyncadd.s32 @!p0 s1  }
0x257: {  	[bflag:$0x3] =	sbarrier.arrive $0xFFFF  }
0x258: {  	_ =	shalt  }

// kernel: sparse-core-data-format-call.1.cloned.1.call-start
scs
called_computation.1_lowered:
.L_overlay_start_0:
0x0: {  	s1 =	sld [smem:$0x3FD9]  }
0x1: {  	s2 =	sld [smem:$0x3FFE];
	_ =	sdelay $0x1  }
0x2: {  	s3 =	srdreg.scid  }
0x3: {  	s0 =	sand.u32 $0x1, s3  }
0x4: {  	s17 =	sshll.u32 s0, $0xA;
	s1 =	sadd.s32 s2, s1  }
0x5: {  	s1 =	sadd.s32 s1, s17  }
0x6: {  	[smem:$0x3FC5] =	sst s1  }
0x7: {  	_ = 	snop  }
0x8: {  	(tm) =	ssettm $0x1  }
0x9: {  	s18 =	sld [smem:$0x3FFB];
	_ =	sdelay $0x3  }
0xa: {  	_ =	strace s18  }
0xb: {  	s1 =	sld [smem:$0x3FFC];
	_ =	sdelay $0x3  }
0xc: {  	_ =	strace s1  }
0xd: {  	s1 =	sld [smem:$0x3FFD];
	_ =	sdelay $0x3  }
0xe: {  	_ =	strace s1  }
0xf: {  	_ =	strace $0x8FFFFFFF  }
0x10: {  	s19 =	sld [smem:$0x3FDB];
	_ =	sdelay $0x1  }
0x11: {  	s20 =	simm.s32 $_scs_section_size  }
0x12: {  	s4 =	simm.s32 $_size__tile_overlayer_lowered;
	s5 =	simm.s32 $_tile_overlayer_lowered  }
0x13: {  	s23 =	simm.s32 $0x1BFF;
	s22 =	sshll.u32 s5, $0x1;
	s1 =	sadd.s32 s20, s19  }
0x14: {  	s6 =	simm.s32 $0x0;
	s21 =	sshll.u32 s4, $0x1;
	s4 =	sadd.s32 s22, s1  }
0x15: {  	[timem:s6], [sflag:s23] =	dma.local [hbm:s4], s21  }
0x16: {  	_ =	swait.ge [sflag:s23], s21  }
0x17: {  	s2 =	ssub.s32 $0x0, s21;
	[sflag:s23] =	ssyncset.done $0x0  }
0x18: {  	[sflag:s23] =	ssyncadd.s32 s2;
	_ =	sdelay $0x1  }
0x19: {  	s24 =	simm.s32 $0x1B8B  }
0x1a: {  	_ =	swait.ge [sflag:s24], $0x1  }
0x1b: {  	[sflag:s24] =	ssyncset.done $0x0  }
0x1c: {  	s26 =	simm.s32 $0x1B8E;
	s25 =	sld [smem:$0x3FFE];
	[sflag:s24] =	ssyncadd.s32 $0xFFFFFFFF  }
0x1d: {  	s27 =	simm.s32 $execute0_lowered;
	[smem:$0x3FD2] =	sst s26  }
0x1e: {  	s4 =	sshll.u32 s27, $0x1;
	_ =	strace $0x80000049;
	[dreg:$0x1] =	wrdreg $0xFFFFFFFF  }
0x1f: {  	s28 =	simm.s32 $_size_execute0_lowered;
	s1 =	sadd.s32 s1, s4;
	[dreg:$0x0] =	wrdreg $0x0  }
0x20: {  	s4 =	sshll.u32 s28, $0x1;
	[dreg:$0x2] =	wrdreg s1  }
0x21: {  	[dreg:$0x3] =	wrdreg s4  }
0x22: {  	[dreg:$0x4] =	wrdreg $0xC0  }
0x23: {  	_ =	task [dreg:s6], $0x5FFFF  }
0x24: {  	[dreg:$0x1] =	wrdreg $0xFFFFFFFF  }
0x25: {  	[dreg:$0x0] =	wrdreg $0x60  }
0x26: {  	[dreg:$0x2] =	wrdreg s25  }
0x27: {  	[dreg:$0x3] =	wrdreg $0x9  }
0x28: {  	_ =	task.clear_ibuf [dreg:s6], $0x4FFFF;
	_ =	strace $0x90000049  }
0x29: {  	s29 =	simm.s32 $0x9;
	_ =	strace $0x8000004B  }
0x2a: {  	_ =	swait.ge [sflag:s29], $0x1  }
0x2b: {  	[sflag:s29] =	ssyncadd.s32 $0xFFFFFFFF  }
0x2c: {  	_ =	strace $0x9000004B  }
0x2d: {  	_ =	sfence  }
0x2e: {  	s30 =	sld [smem:$0x0];
	_ =	sdelay $0x2  }
0x2f: {  	s31 =	sshll.u32 s3, $0xD;
	s3 =	sshrl.u32 s3, $0x2  }
0x30: {  	s2 =	sand.u32 $0x4000, s31;
	s1 =	sadd.s32 s3, s30  }
0x31: {  	s0 =	sor.u32 s2, s0;
	s1 =	sshll.u32 s1, $0x11  }
0x32: {  	s0 =	sor.u32 s1, s0  }
0x33: {  	s0 =	sadd.s32 $0x8F2B, s0  }
0x34: {  	[sflag:s0] =	ssyncadd.remote.s32 $0x1  }
0x35: {  	_ =	sfence.sel $0xFFFF  }
0x36: {  	[dreg:$0x0] =	wrdreg $0xFFFFFFFF;
	(pc) =	sbr.abs _section_cstart, $3  }
0x37: {  	[dreg:$0x1] =	wrdreg $0xFFFFFFFF  }
0x38: {  	_ =	task.clear_ibuf [dreg:s6], $0x2FFFF;
	_ =	strace $0x9FFFFFFF  }
0x39: {  	(tm) =	ssettm $0x7FFFFFFF  }
tec
execute0_lowered:
.L_overlay_start_1:
0x0: {  	(tag) =	ssettag $0x1  }
0x1: {  	s1 =	rddreg [dreg:$0x0]  }
0x2: {  	s0 =	rddreg [dreg:$0x1];
	_ =	strace $0x8000004A  }
0x3: {  	s4 =	srdreg.scid;
	s6 =	simm.s32 $0x2;
	s10 =	simm.s32 $0x0  }
.Ltmp0:
0x4: {  	p0 =	por $0x0, $0x0;
	s7 =	simm.s32 $0x100000;
	(pc) =	sbr.rel .LBB1_1-.Ltmp0, $4  }
0x5: {  	s2 =	sadd.s32 $0x1600, s1;
	s3 =	sadd.s32 $0xD01600, s1;
	s4 =	sshll.u32 s4, $0x4  }
0x6: {  	s1 =	stileid.u32;
	s5 =	sand.u32 $0x10, s4;
	s4 =	simm.s32 $0x1  }
0x7: {  	s8 =	simm.s32 $0x0;
	s5 =	sor.u32 s1, s5;
	[sflag:s4] =	ssyncpa.u1 $0x0  }
0x8: {  	[sflag:s6] =	ssyncpa.u1 $0x0;
	s6 =	simm.s32 $0x80;
	s9 =	smov.u32 s5  }
.LBB1_5:
0x9: {  	s12 =	sadd.s32 $0x20, s9  }
0xa: {  	p1 =	slt.u32 s8, $0x2;
	s8 =	sadd.s32 $0x1, s8;
	p2 =	sgt.s32 s12, $0x1FFF  }
0xb: {  	s12 =	smov.u32 @p2 s5;
	p2 =	sne.s32 s8, $0x102  }
.Ltmp1:
0xc: {  	_ = 	snop;
	(pc) =	sbr.rel @!p2 .LBB1_6-.Ltmp1, $4  }
0xd: {  	s11 =	simm.s32 @!p1 $0x2  }
0xe: {  	_ =	swait.ge @!p1 [sflag:s11], $0x1000  }
0xf: {  	s10 =	smov.u32 s9;
	[sflag:s11] =	ssyncset.done @!p1 $0x0  }
0x10: {  	p0 =	por !p0, !p0;
	s9 =	smov.u32 s12;
	[sflag:s11] =	ssyncadd.s32 @!p1 $0xFFFFF000  }
.LBB1_1:
0x11: {  	p1 =	sgt.u32 s8, $0xFF  }
0x12: {  	p2 =	sgt.s32 @!p1 s9, $0x1FFF  }
0x13: {  	s11 =	smov.u32 s9;
	s12 =	sshra.s32 @!p1 s9, $0x1F;
	p2 =	por !p2, p1  }
0x14: {  	s12 =	sand.u32 @!p1 s12, s9;
	s11 =	simm.s32 @p2 $0x1FFF  }
0x15: {  	s11 =	ssub.s32 @!p1 s11, s12  }
0x16: {  	s12 =	ssub.s32 @!p1 $0x2000, s11  }
0x17: {  	s12 =	smul.u32 @!p1 $0x3400, s12  }
0x18: {  	s13 =	sxor.u32 @!p1 $0xFFFFFFFF, s8;
	s14 =	simm.s32 @!p1 $0x20;
	s11 =	sadd.s32 @!p1 $0xFFFFE001, s11  }
0x19: {  	p2 =	sgt.s32 @!p1 s11, $0x0;
	s11 =	sshrl.u32 @!p1 s12, $0x2;
	s12 =	smul.u32 @!p1 $0x680, s9  }
0x1a: {  	s15 =	simm.s32 @!p1 $0x80;
	s13 =	sshll.u32 @!p1 s13, $0xC;
	p2 =	por !p2, p1  }
0x1b: {  	s13 =	sand.u32 @!p1 $0x1000, s13;
	s11 =	simm.s32 @!p2 $0x0;
	s12 =	sadd.s32 @!p1 s2, s12  }
0x1c: {  	[tilespmem:s13], [sflag:$0x1] =	stream.strided.gather @!p1 [hbm4b:s12+s14], s11, s15, s14, $0x38;
	[tilespmem:$0x4040] =	vst v63  }
0x1d: {  	p1 =	seq.s32 s8, $0x0  }
0x1e: {  	p2 =	seq.s32 @!p1 s8, $0x101  }
0x1f: {  	p1 =	por p1, p2  }
.Ltmp2:
0x20: {  	_ = 	snop;
	(pc) =	sbr.rel @p1 .LBB1_5-.Ltmp2, $1  }
0x21: {  	_ =	sdelay $0x3  }
0x22: {  	p1 =	sgt.s32 s10, $0x1FFF;
	s11 =	smov.u32 s10;
	s12 =	sshra.s32 s10, $0x1F  }
0x23: {  	s11 =	simm.s32 @!p1 $0x1FFF;
	s12 =	sand.u32 s12, s10  }
0x24: {  	s11 =	ssub.s32 s11, s12  }
0x25: {  	s12 =	ssub.s32 $0x2000, s11  }
0x26: {  	s12 =	smul.u32 $0x3400, s12  }
0x27: {  	s11 =	sadd.s32 $0xFFFFE001, s11  }
0x28: {  	p1 =	sgt.s32 s11, $0x0;
	s11 =	sshrl.u32 s12, $0x2  }
0x29: {  	s12 =	simm.s32 $0x1;
	s11 =	simm.s32 @p1 $0x0  }
0x2a: {  	s12 =	simm.s32 @!p0 $0x0;
	_ =	swait.ge [sflag:s4], s11  }
0x2b: {  	s13 =	sshll.u32 s12, $0xC;
	s11 =	ssub.s32 $0x0, s11;
	[sflag:s4] =	ssyncset.done $0x0  }
0x2c: {  	s14 =	sor.u32 $0x10, s13;
	[sflag:s4] =	ssyncadd.s32 s11  }
0x2d: {  	s28 =	smul.u32 $0x4080, s12;
	v1 =	vld [tilespmem:s14+$0x0]  }
0x2e: {  	s29 =	sand.u32 $0x1, s8;
	v0 =	vld [tilespmem:s14+$0xFFFFFFF0]  }
0x2f: {  	s30 =	smul.u32 $0x4080, s29;
	s11 =	sshrl.u32 s28, $0x2  }
0x30: {  	s12 =	sor.u32 $0x2000, s11  }
0x31: {  	s31 =	sshrl.u32 s30, $0x2;
	s15 =	sadd.s32 $0x0, s12  }
0x32: {  	s13 =	simm.s32 $0x4;
	s11 =	sor.u32 $0x2000, s31;
	s14 =	sadd.s32 $0x20, s14;
	[tilespmem:s15+$0x810 ss:$0x81] =	vst.msk $0xffff, v1  }
.LBB1_3:
0x33: {  	v1 =	vld [tilespmem:s14+$0x0];
	p1 =	sne.s32 s13, $0x1FC;
	[tilespmem:s15+$0x0 ss:$0x81] =	vst.msk $0xffff, v0;
	s15 =	smov.u32 s13;
	s13 =	sadd.s32 $0x4, s13  }
.Ltmp3:
0x34: {  	v0 =	vld [tilespmem:s14+$0xFFFFFFF0];
	(pc) =	sbr.rel @p1 .LBB1_3-.Ltmp3, $4  }
0x35: {  	_ = 	snop  }
0x36: {  	s15 =	sshra.s32 s15, $0x2  }
0x37: {  	s15 =	sadd.s32 s15, s12  }
0x38: {  	s14 =	sadd.s32 $0x20, s14;
	[tilespmem:s15+$0x810 ss:$0x81] =	vst.msk $0xffff, v1  }
.Ltmp4:
0x39: {  	(pc) =	sbr.rel .LBB1_5-.Ltmp4, $4  }
0x3a: {  	s10 =	sshll.u32 s10, $0x4  }
0x3b: {  	s10 =	sand.u32 $0x1FFF0, s10  }
0x3c: {  	[tilespmem:s15+$0x0 ss:$0x81] =	vst.msk $0xffff, v0;
	s10 =	sadd.s32 s3, s10  }
0x3d: {  	[hbm4b:s10+s6] =	stream.strided.scatter [tilespmem:s11], [sflag:$0x2], $0x1000, s7, s6, $0x20;
	[tilespmem:$0x4040] =	vst v63  }
.LBB1_6:
0x3e: {  	_ =	sfence.sel $0x180000  }
0x3f: {  	s2 =	simm.s32 $0x1;
	[bflag:$0x0] =	sbarrier.arrive $0xFFFF  }
0x40: {  	s31 =	simm.s32 $0x2;
	[sflag:s2] =	ssyncpa.u1 $0x1  }
0x41: {  	[sflag:s31] =	ssyncpa.u1 $0x1  }
0x42: {  	p0 =	sne.s32 s1, $0x0;
	_ =	strace $0x9000004A  }
0x43: {  	s0 =	sadd.s32 @!p0 $0x100000, s0;
	[bflag:$0x2] =	sbarrier.arrive $0xFFFF  }
0x44: {  	[sflag:s0] =	ssyncadd.tile.s32 @!p0 $0x1;
	_ =	shalt  }
.Lfunc_end1:
_tile_overlayer_lowered:
.L_overlay_start_2:
0x45: {  	(tag) =	ssettag $0x2  }
0x46: {  	s0 =	rddreg [dreg:$0x0];
	s2 =	stileid.u32  }
0x47: {  	s1 =	rddreg [dreg:$0x1];
	p0 =	sne.s32 s2, $0x0  }
0x48: {  	s3 =	rddreg [dreg:$0x2];
	[bflag:$0x3] =	sbarrier.arrive $0xFFFF;
	s2 =	simm.s32 @!p0 $0x1C01  }
0x49: {  	[timem:s3], [sflag:s2] =	dma.local @!p0 [hbm:s0], s1  }
0x4a: {  	s0 =	simm.s32 @!p0 $0x1  }
0x4b: {  	_ =	swait.ge @!p0 [sflag:s0], s1  }
0x4c: {  	s1 =	ssub.s32 @!p0 $0x0, s1;
	[sflag:s0] =	ssyncset.done @!p0 $0x0  }
0x4d: {  	[sflag:s0] =	ssyncadd.s32 @!p0 s1  }
0x4e: {  	[bflag:$0x3] =	sbarrier.arrive $0xFFFF  }
0x4f: {  	_ =	shalt  }

// kernel: sparse-core-data-format-call.cloned.1.call-start
scs
called_computation_lowered:
.L_overlay_start_0:
0x0: {  	s2 =	sld [smem:$0x3FD9]  }
0x1: {  	s3 =	sld [smem:$0x3FFE];
	_ =	sdelay $0x1  }
0x2: {  	s1 =	srdreg.scid  }
0x3: {  	s0 =	sand.u32 $0x1, s1  }
0x4: {  	s15 =	sshll.u32 s0, $0xA;
	s2 =	sadd.s32 s3, s2  }
0x5: {  	s2 =	sadd.s32 s2, s15  }
0x6: {  	[smem:$0x3FC5] =	sst s2  }
0x7: {  	_ = 	snop  }
0x8: {  	s2 =	sld [smem:$0x3FD0];
	_ =	sdelay $0x2  }
0x9: {  	s16 =	simm.s32 $0xA;
	s4 =	simm.s32 $0x10  }
0xa: {  	[smem:s4], [sflag:s16] =	dma.local [hbm:s2], $0x1  }
0xb: {  	_ =	swait.eq [sflag:s16], $0x1  }
0xc: {  	[sflag:s16] =	ssyncset.done $0x0  }
0xd: {  	[sflag:s16] =	ssyncadd.s32 $0xFFFFFFFF  }
0xe: {  	s17 =	sld [smem:$0x11];
	(tm) =	ssettm $0x1  }
0xf: {  	s18 =	sld [smem:$0x3FFB];
	_ =	sdelay $0x3  }
0x10: {  	_ =	strace s18  }
0x11: {  	s3 =	sld [smem:$0x3FFC];
	_ =	sdelay $0x3  }
0x12: {  	_ =	strace s3  }
0x13: {  	s3 =	sld [smem:$0x3FFD];
	_ =	sdelay $0x3  }
0x14: {  	_ =	strace s3  }
0x15: {  	_ =	strace $0x8FFFFFFF  }
0x16: {  	s19 =	sld [smem:$0x3FDB];
	_ =	sdelay $0x1  }
0x17: {  	s20 =	simm.s32 $_scs_section_size  }
0x18: {  	s5 =	simm.s32 $_size__tile_overlayer_lowered;
	s6 =	simm.s32 $_tile_overlayer_lowered  }
0x19: {  	s23 =	simm.s32 $0x1BFF;
	s22 =	sshll.u32 s6, $0x1;
	s3 =	sadd.s32 s20, s19  }
0x1a: {  	s7 =	simm.s32 $0x0;
	s21 =	sshll.u32 s5, $0x1;
	s5 =	sadd.s32 s22, s3  }
0x1b: {  	[timem:s7], [sflag:s23] =	dma.local [hbm:s5], s21  }
0x1c: {  	_ =	swait.ge [sflag:s23], s21  }
0x1d: {  	s4 =	ssub.s32 $0x0, s21;
	[sflag:s23] =	ssyncset.done $0x0  }
0x1e: {  	[sflag:s23] =	ssyncadd.s32 s4;
	_ =	sdelay $0x1  }
0x1f: {  	s24 =	simm.s32 $0x1B8B  }
0x20: {  	_ =	swait.ge [sflag:s24], $0x1  }
0x21: {  	[sflag:s24] =	ssyncset.done $0x0  }
0x22: {  	s26 =	simm.s32 $0x1B8E;
	s25 =	sld [smem:$0x3FFE];
	[sflag:s24] =	ssyncadd.s32 $0xFFFFFFFF  }
0x23: {  	s27 =	simm.s32 $execute0_lowered;
	[smem:$0x3FD2] =	sst s26  }
0x24: {  	s5 =	sshll.u32 s27, $0x1;
	_ =	strace $0x8000004C;
	[dreg:$0x1] =	wrdreg $0xFFFFFFFF  }
0x25: {  	s28 =	simm.s32 $_size_execute0_lowered;
	s3 =	sadd.s32 s3, s5;
	[dreg:$0x0] =	wrdreg $0x0  }
0x26: {  	s5 =	sshll.u32 s28, $0x1;
	[dreg:$0x2] =	wrdreg s3  }
0x27: {  	[dreg:$0x3] =	wrdreg s5  }
0x28: {  	[dreg:$0x4] =	wrdreg $0xC0  }
0x29: {  	_ =	task [dreg:s7], $0x5FFFF  }
0x2a: {  	[dreg:$0x1] =	wrdreg $0xFFFFFFFF  }
0x2b: {  	[dreg:$0x0] =	wrdreg $0x60  }
0x2c: {  	[dreg:$0x2] =	wrdreg s25  }
0x2d: {  	[dreg:$0x3] =	wrdreg s17  }
0x2e: {  	[dreg:$0x4] =	wrdreg $0x9  }
0x2f: {  	_ =	task.clear_ibuf [dreg:s7], $0x5FFFF;
	_ =	strace $0x9000004C  }
0x30: {  	s29 =	simm.s32 $0x9;
	_ =	strace $0x8000004E  }
0x31: {  	_ =	swait.ge [sflag:s29], $0x1  }
0x32: {  	[sflag:s29] =	ssyncadd.s32 $0xFFFFFFFF  }
0x33: {  	_ =	strace $0x9000004E  }
0x34: {  	_ =	sfence  }
0x35: {  	s30 =	sld [smem:$0x0];
	_ =	sdelay $0x2  }
0x36: {  	s31 =	sshll.u32 s1, $0xD;
	s1 =	sshrl.u32 s1, $0x2  }
0x37: {  	s3 =	sand.u32 $0x4000, s31;
	s1 =	sadd.s32 s1, s30  }
0x38: {  	s0 =	sor.u32 s3, s0;
	s1 =	sshll.u32 s1, $0x11  }
0x39: {  	s0 =	sor.u32 s1, s0  }
0x3a: {  	s0 =	sadd.s32 $0x8F2B, s0  }
0x3b: {  	[sflag:s0] =	ssyncadd.remote.s32 $0x1  }
0x3c: {  	_ =	sfence.sel $0xFFFF  }
0x3d: {  	[dreg:$0x0] =	wrdreg $0xFFFFFFFF;
	(pc) =	sbr.abs _section_cstart, $3  }
0x3e: {  	[dreg:$0x1] =	wrdreg $0xFFFFFFFF  }
0x3f: {  	_ =	task.clear_ibuf [dreg:s7], $0x2FFFF;
	_ =	strace $0x9FFFFFFF  }
0x40: {  	(tm) =	ssettm $0x7FFFFFFF  }
0x41: {  	_ =	shalt  }
tec
execute0_lowered:
.L_overlay_start_1:
0x0: {  	(tag) =	ssettag $0x1  }
0x1: {  	s1 =	rddreg [dreg:$0x0]  }
0x2: {  	s2 =	rddreg [dreg:$0x1]  }
0x3: {  	s0 =	rddreg [dreg:$0x2]  }
0x4: {  	s4 =	srdreg.scid;
	_ =	strace $0x8000004D;
	s6 =	simm.s32 $0x2  }
0x5: {  	s15 =	simm.s32 $0x0;
	p0 =	por $0x0, $0x0;
	s14 =	simm.s32 $0x0  }
0x6: {  	s16 =	simm.s32 $0x0;
	s7 =	simm.s32 $0x0;
	s9 =	simm.s32 $0x0  }
.Ltmp0:
0x7: {  	s10 =	simm.s32 $0x0;
	s11 =	simm.s32 $0x0;
	(pc) =	sbr.rel .LBB1_1-.Ltmp0, $4  }
0x8: {  	s12 =	simm.s32 $0x0;
	s3 =	sadd.s32 $0x1600, s1;
	s4 =	sshll.u32 s4, $0x4  }
0x9: {  	s1 =	stileid.u32;
	s5 =	sand.u32 $0x10, s4;
	s4 =	simm.s32 $0x1  }
0xa: {  	s8 =	simm.s32 $0x0;
	s5 =	sor.u32 s1, s5;
	[sflag:s4] =	ssyncpa.u1 $0x0  }
0xb: {  	[sflag:s6] =	ssyncpa.u1 $0x0;
	s6 =	simm.s32 $0x20000;
	s13 =	smov.u32 s5  }
.LBB1_5:
0xc: {  	p1 =	slt.u32 s8, $0x2;
	s18 =	smov.u32 s16  }
0xd: {  	p2 =	sgt.s32 @!p1 s15, $0x48;
	s17 =	sshra.s32 @!p1 s15, $0x1F;
	p3 =	sgt.s32 @!p1 s16, $0x1F  }
0xe: {  	s19 =	sshra.s32 @!p1 s16, $0x1F;
	p2 =	por !p2, p1;
	s17 =	sand.u32 @!p1 s17, s15  }
0xf: {  	p3 =	por !p3, p1;
	s16 =	sand.u32 @!p1 s19, s16;
	s19 =	sshra.s32 @!p1 s14, $0x1F  }
0x10: {  	s18 =	simm.s32 @p3 $0x1F;
	p3 =	sgt.s32 @!p1 s14, $0xF80;
	s15 =	simm.s32 @p2 $0x48  }
0x11: {  	s16 =	ssub.s32 @!p1 s18, s16;
	p3 =	por !p3, p1;
	s18 =	smov.u32 s14  }
0x12: {  	s14 =	sand.u32 @!p1 s19, s14;
	s15 =	ssub.s32 @!p1 s15, s17;
	s18 =	simm.s32 @p3 $0xF80  }
0x13: {  	s17 =	sadd.s32 @!p1 $0xFFFFFFE1, s16;
	s16 =	ssub.s32 @!p1 $0x20, s16;
	s14 =	ssub.s32 @!p1 s18, s14  }
0x14: {  	s18 =	sadd.s32 @!p1 $0xFFFFFFB8, s15;
	p2 =	sgt.s32 @!p1 s17, $0x0;
	s17 =	sadd.s32 @!p1 $0xFFFFF080, s14  }
0x15: {  	s15 =	ssub.s32 @!p1 $0xC8, s15;
	p2 =	por !p2, p1;
	p3 =	sgt.s32 @!p1 s17, $0x7F  }
0x16: {  	s14 =	ssub.s32 @!p1 $0x1000, s14;
	s16 =	simm.s32 @!p2 $0x0;
	p2 =	por !p3, p1  }
0x17: {  	s17 =	sadd.s32 $0x80, s11;
	p3 =	sgt.s32 @!p1 s18, $0x7F;
	s14 =	simm.s32 @!p2 $0x0  }
0x18: {  	s18 =	smov.u32 s12;
	p2 =	por !p3, p1;
	s14 =	smul.u32 @!p1 s16, s14  }
0x19: {  	s15 =	simm.s32 @!p2 $0x0;
	p2 =	sgt.s32 s17, $0xC7;
	s16 =	sadd.s32 $0x80, s12  }
0x1a: {  	s19 =	smov.u32 s13;
	s18 =	smov.u32 @p2 s16  }
0x1b: {  	s14 =	smul.u32 @!p1 s15, s14;
	p3 =	sgt.s32 s18, $0xFFF;
	s15 =	sadd.s32 $0x20, s13  }
0x1c: {  	s8 =	sadd.s32 $0x1, s8;
	p0 =	por !p0, !p0;
	s19 =	smov.u32 @p3 s15  }
0x1d: {  	s20 =	simm.s32 @!p1 $0x2;
	s17 =	simm.s32 @p2 $0x0;
	p2 =	sgt.s32 s19, $0x1F  }
0x1e: {  	s16 =	smov.u32 s10;
	s19 =	smov.u32 @p2 s5;
	p2 =	sne.s32 s8, $0x42  }
.Ltmp1:
0x1f: {  	s10 =	smov.u32 s13;
	s18 =	simm.s32 @p3 $0x0;
	(pc) =	sbr.rel @!p2 .LBB1_6-.Ltmp1, $4  }
0x20: {  	s15 =	smov.u32 s7;
	s7 =	smov.u32 s11;
	s14 =	sand.u32 @!p1 $0x3FFFFFFF, s14  }
0x21: {  	s11 =	smov.u32 s17;
	_ =	swait.ge @!p1 [sflag:s20], s14;
	s21 =	ssub.s32 @!p1 $0x0, s14  }
0x22: {  	s14 =	smov.u32 s9;
	s9 =	smov.u32 s12;
	[sflag:s20] =	ssyncset.done @!p1 $0x0  }
0x23: {  	s12 =	smov.u32 s18;
	s13 =	smov.u32 s19;
	[sflag:s20] =	ssyncadd.s32 @!p1 s21  }
.LBB1_1:
0x24: {  	p1 =	sgt.u32 s8, $0x3F  }
0x25: {  	s17 =	sxor.u32 @!p1 $0xFFFFFFFF, s8  }
0x26: {  	s18 =	sshll.u32 @!p1 s12, $0x8;
	s19 =	sshll.u32 @!p1 s11, $0x3;
	s20 =	sshll.u32 @!p1 s12, $0x7  }
0x27: {  	s21 =	sand.u32 @!p1 $0x78, s11;
	s18 =	sand.u32 @!p1 $0xFF800, s18;
	s19 =	sand.u32 @!p1 $0xFFC00, s19  }
0x28: {  	s17 =	sshll.u32 @!p1 s17, $0xE;
	s18 =	sadd.s32 @!p1 s18, s19;
	s19 =	sand.u32 @!p1 $0x300, s20  }
0x29: {  	s17 =	sand.u32 @!p1 $0x4000, s17;
	s18 =	sor.u32 @!p1 s19, s18;
	s19 =	sand.u32 @!p1 $0x80, s20  }
0x2a: {  	s20 =	sshll.u32 @!p1 s13, $0x11;
	s19 =	sor.u32 @!p1 s21, s19;
	s18 =	sshrl.u32 @!p1 s18, $0x3  }
0x2b: {  	s20 =	sadd.s32 @!p1 s3, s20;
	s21 =	sand.u32 @!p1 $0x7, s11;
	s19 =	sshrl.u32 @!p1 s19, $0x3  }
0x2c: {  	s18 =	sand.u32 @!p1 $0x1FFE0, s18;
	s19 =	sadd.s32 @!p1 s19, s20;
	s20 =	sshll.u32 @!p1 s21, $0x12  }
0x2d: {  	s18 =	sadd.s32 @!p1 s18, s19;
	s19 =	sor.u32 @!p1 $0x400, s20;
	s20 =	simm.s32 @!p1 $0x800  }
0x2e: {  	[tilespmem:s17], [sflag:$0x1] =	stream.strided.gather @!p1 [hbm4b:s18+s19], $0x4000, s20, s19, $0x38;
	[tilespmem:$0x10100] =	vst v63  }
0x2f: {  	p1 =	seq.s32 s8, $0x0  }
0x30: {  	p2 =	seq.s32 @!p1 s8, $0x41  }
0x31: {  	p1 =	por p1, p2  }
.Ltmp2:
0x32: {  	_ = 	snop;
	(pc) =	sbr.rel @p1 .LBB1_5-.Ltmp2, $1  }
0x33: {  	_ =	sdelay $0x3  }
0x34: {  	s17 =	simm.s32 $0x1  }
0x35: {  	_ =	swait.ge [sflag:s4], $0x4000;
	s17 =	simm.s32 @!p0 $0x0  }
0x36: {  	[sflag:s4] =	ssyncset.done $0x0;
	s18 =	sshll.u32 s17, $0xE  }
0x37: {  	[sflag:s4] =	ssyncadd.s32 $0xFFFFC000;
	s18 =	sor.u32 $0x40, s18  }
0x38: {  	s17 =	smul.u32 $0x10200, s17;
	v0 =	vld [tilespmem:s18+$0x30]  }
0x39: {  	v1 =	vld [tilespmem:s18+$0xFFFFFFD0]  }
0x3a: {  	s17 =	sshrl.u32 s17, $0x2;
	v5 =	vld [tilespmem:s18+$0xFFFFFFE0]  }
0x3b: {  	v6 =	vld [tilespmem:s18+$0xFFFFFFF0];
	s20 =	sor.u32 $0x8000, s17  }
0x3c: {  	s31 =	sand.u32 $0x1, s8;
	v4 =	vld [tilespmem:s18+$0x0];
	s19 =	sadd.s32 $0x0, s20  }
0x3d: {  	v3 =	vld [tilespmem:s18+$0x10];
	s17 =	smul.u32 $0x10200, s31;
	[tilespmem:s19+$0x3870 ss:$0x81] =	vst.msk $0xffff, v0  }
0x3e: {  	v2 =	vld [tilespmem:s18+$0x20];
	[tilespmem:s19+$0x810 ss:$0x81] =	vst.msk $0xffff, v1  }
0x3f: {  	s17 =	sshrl.u32 s17, $0x2;
	v1 =	vld [tilespmem:s18+$0xFFFFFFC0];
	[tilespmem:s19+$0x1020 ss:$0x81] =	vst.msk $0xffff, v5;
	s18 =	sadd.s32 $0x80, s18  }
0x40: {  	s21 =	simm.s32 $0x4;
	s22 =	simm.s32 $0x8;
	s17 =	sor.u32 $0x8000, s17;
	[tilespmem:s19+$0x1830 ss:$0x81] =	vst.msk $0xffff, v6;
	v0 =	vld [tilespmem:s18+$0x30]  }
.LBB1_3:
0x41: {  	p1 =	sne.s32 s22, $0x1FC;
	v5 =	vld [tilespmem:s18+$0xFFFFFFD0];
	[tilespmem:s19+$0x2040 ss:$0x81] =	vst.msk $0xffff, v4  }
0x42: {  	v6 =	vld [tilespmem:s18+$0xFFFFFFE0];
	[tilespmem:s19+$0x2850 ss:$0x81] =	vst.msk $0xffff, v3  }
0x43: {  	s23 =	sshra.s32 s21, $0x2;
	s21 =	smov.u32 s22;
	v7 =	vld [tilespmem:s18+$0xFFFFFFF0];
	[tilespmem:s19+$0x3060 ss:$0x81] =	vst.msk $0xffff, v2  }
.Ltmp3:
0x44: {  	v4 =	vld [tilespmem:s18+$0x0];
	[tilespmem:s19+$0x0 ss:$0x81] =	vst.msk $0xffff, v1;
	s19 =	sadd.s32 s23, s20;
	(pc) =	sbr.rel @p1 .LBB1_3-.Ltmp3, $4  }
0x45: {  	v3 =	vld [tilespmem:s18+$0x10];
	[tilespmem:s19+$0x3870 ss:$0x81] =	vst.msk $0xffff, v0  }
0x46: {  	[tilespmem:s19+$0x810 ss:$0x81] =	vst.msk $0xffff, v5;
	v2 =	vld [tilespmem:s18+$0x20]  }
0x47: {  	v1 =	vld [tilespmem:s18+$0xFFFFFFC0];
	[tilespmem:s19+$0x1020 ss:$0x81] =	vst.msk $0xffff, v6;
	s18 =	sadd.s32 $0x80, s18  }
0x48: {  	s22 =	sadd.s32 $0x4, s22;
	v0 =	vld [tilespmem:s18+$0x30];
	[tilespmem:s19+$0x1830 ss:$0x81] =	vst.msk $0xffff, v7  }
0x49: {  	s21 =	sshra.s32 s21, $0x2;
	s28 =	sand.u32 $0x78, s9  }
0x4a: {  	s22 =	sshll.u32 s10, $0x7;
	p1 =	sgt.s32 s10, $0x1F;
	s23 =	smov.u32 s10  }
0x4b: {  	s24 =	sshra.s32 s10, $0x1F;
	s25 =	smov.u32 s7;
	s26 =	sshra.s32 s9, $0x1F  }
0x4c: {  	s31 =	sshll.u32 s10, $0xC;
	s27 =	sshra.s32 s7, $0x1F;
	s20 =	sadd.s32 s21, s20  }
0x4d: {  	s22 =	sand.u32 $0x380, s22;
	s23 =	simm.s32 @!p1 $0x1F;
	p1 =	sgt.s32 s7, $0x48  }
0x4e: {  	s24 =	sand.u32 s24, s10;
	s30 =	sand.u32 s26, s9;
	s26 =	sand.u32 $0x18000, s31  }
0x4f: {  	s31 =	sshll.u32 s9, $0x3;
	s21 =	sor.u32 s22, s28;
	s25 =	simm.s32 @!p1 $0x48  }
0x50: {  	v5 =	vld [tilespmem:s18+$0xFFFFFFD0];
	[tilespmem:s19+$0x2040 ss:$0x81] =	vst.msk $0xffff, v4;
	s29 =	ssub.s32 s23, s24;
	p1 =	sgt.s32 s9, $0xF80;
	s24 =	smov.u32 s9  }
0x51: {  	v58 =	vld [tilespmem:s18+$0xFFFFFFE0];
	[tilespmem:s19+$0x2850 ss:$0x81] =	vst.msk $0xffff, v3;
	s26 =	sadd.s32 s26, s31;
	s23 =	sadd.s32 $0xFFFFFFE1, s29;
	s24 =	simm.s32 @!p1 $0xF80  }
0x52: {  	v59 =	vld [tilespmem:s18+$0xFFFFFFF0];
	[tilespmem:s19+$0x3060 ss:$0x81] =	vst.msk $0xffff, v2;
	p1 =	sgt.s32 s23, $0x0;
	s23 =	ssub.s32 s24, s30;
	s24 =	sand.u32 s27, s7  }
0x53: {  	v60 =	vld [tilespmem:s18+$0x0];
	s22 =	ssub.s32 $0x20, s29;
	[tilespmem:s19+$0x0 ss:$0x81] =	vst.msk $0xffff, v1;
	s27 =	sshll.u32 s7, $0xE;
	s28 =	ssub.s32 s25, s24  }
0x54: {  	v61 =	vld [tilespmem:s18+$0x10];
	[tilespmem:s20+$0x3870 ss:$0x81] =	vst.msk $0xffff, v0;
	s22 =	simm.s32 @p1 $0x0;
	s29 =	sadd.s32 $0xFFFFF080, s23;
	s23 =	ssub.s32 $0x1000, s23  }
0x55: {  	v62 =	vld [tilespmem:s18+$0x20];
	[tilespmem:s20+$0x810 ss:$0x81] =	vst.msk $0xffff, v5;
	s25 =	sand.u32 $0xC00, s31;
	p1 =	sgt.s32 s29, $0x7F;
	s30 =	sadd.s32 $0xFFFFFFB8, s28  }
0x56: {  	v63 =	vld [tilespmem:s18+$0xFFFFFFC0];
	[tilespmem:s20+$0x1020 ss:$0x81] =	vst.msk $0xffff, v58;
	s19 =	ssub.s32 $0xC8, s28;
	s21 =	sor.u32 s25, s21;
	s23 =	simm.s32 @p1 $0x0  }
0x57: {  	[tilespmem:s20+$0x1830 ss:$0x81] =	vst.msk $0xffff, v59;
	s28 =	sshrl.u32 s26, $0x3;
	p1 =	sgt.s32 s30, $0x7F;
	s23 =	smul.u32 s22, s23  }
.Ltmp4:
0x58: {  	[tilespmem:s20+$0x2040 ss:$0x81] =	vst.msk $0xffff, v60;
	s29 =	sand.u32 $0x7, s9;
	s19 =	simm.s32 @p1 $0x0;
	(pc) =	sbr.rel .LBB1_5-.Ltmp4, $4  }
0x59: {  	[tilespmem:s20+$0x2850 ss:$0x81] =	vst.msk $0xffff, v61;
	s22 =	sand.u32 $0x3E00, s28;
	s18 =	smul.u32 s19, s23;
	s19 =	sadd.s32 s2, s27  }
0x5a: {  	[tilespmem:s20+$0x3060 ss:$0x81] =	vst.msk $0xffff, v62;
	s21 =	sshrl.u32 s21, $0x3;
	s30 =	sshll.u32 s29, $0x12;
	s19 =	sadd.s32 s22, s19  }
0x5b: {  	[tilespmem:s20+$0x0 ss:$0x81] =	vst.msk $0xffff, v63;
	s31 =	sor.u32 $0x80, s30;
	s18 =	sand.u32 $0x3FFFFFFF, s18;
	s19 =	sadd.s32 s21, s19  }
0x5c: {  	[hbm4b:s19+s31] =	stream.strided.scatter [tilespmem:s17], [sflag:$0x2], s18, s6, s31, $0x20;
	[tilespmem:$0x10100] =	vst v63  }
.LBB1_6:
0x5d: {  	_ =	sfence.sel $0x180000  }
0x5e: {  	s2 =	simm.s32 $0x1;
	[bflag:$0x0] =	sbarrier.arrive $0xFFFF  }
0x5f: {  	s31 =	simm.s32 $0x2;
	[sflag:s2] =	ssyncpa.u1 $0x1  }
0x60: {  	[sflag:s31] =	ssyncpa.u1 $0x1  }
0x61: {  	p0 =	sne.s32 s1, $0x0;
	_ =	strace $0x9000004D  }
0x62: {  	s0 =	sadd.s32 @!p0 $0x100000, s0;
	[bflag:$0x2] =	sbarrier.arrive $0xFFFF  }
0x63: {  	[sflag:s0] =	ssyncadd.tile.s32 @!p0 $0x1;
	_ =	shalt  }
.Lfunc_end1:
_tile_overlayer_lowered:
.L_overlay_start_2:
0x64: {  	(tag) =	ssettag $0x2  }
0x65: {  	s0 =	rddreg [dreg:$0x0];
	s2 =	stileid.u32  }
0x66: {  	s1 =	rddreg [dreg:$0x1];
	p0 =	sne.s32 s2, $0x0  }
0x67: {  	s3 =	rddreg [dreg:$0x2];
	[bflag:$0x3] =	sbarrier.arrive $0xFFFF;
	s2 =	simm.s32 @!p0 $0x1C01  }
0x68: {  	[timem:s3], [sflag:s2] =	dma.local @!p0 [hbm:s0], s1  }
0x69: {  	s0 =	simm.s32 @!p0 $0x1  }
0x6a: {  	_ =	swait.ge @!p0 [sflag:s0], s1  }
0x6b: {  	s1 =	ssub.s32 @!p0 $0x0, s1;
	[sflag:s0] =	ssyncset.done @!p0 $0x0  }
0x6c: {  	[sflag:s0] =	ssyncadd.s32 @!p0 s1  }
0x6d: {  	[bflag:$0x3] =	sbarrier.arrive $0xFFFF  }
0x6e: {  	_ =	shalt  }

</sc_bundles>
